<compile_context>
chip_gen: v7x
topology: tpu7x:2x2x1
jax: 0.10.2.dev20260603
libtpu: 0.0.44.dev20260713+nightly
codegen_flags: <defaults>
</compile_context>

<pallas_src>
import functools

import jax
import jax.numpy as jnp
from jax import lax
from jax.experimental import pallas as pl
from jax.experimental.pallas import tpu as pltpu
from jax.experimental.pallas import tpu_sc as plsc

S = 128
C = 65536
NT_C = 32768
NT_S = 64

_NSPLIT = 4
_PART = C // _NSPLIT
_BC = 2048
_BT = 4096
_CS_ROWS = 512
_CS_COLS = C // _CS_ROWS

_NC, _NS, _L = 2, 16, 16
_NW = _NC * _NS
_COLS_PER_W = _PART // _NW
_WCHUNK = 512
_NCHUNKS = _COLS_PER_W // _WCHUNK


def _sqt_kernel(x_ref, sqt_ref, cs_ref):
    x = x_ref[...]
    v = x * x
    sqt_ref[...] = v.T
    cs_ref[...] = jnp.sum(v, axis=0, keepdims=True)


def _chansel_kernel(cs_ref, sel_ref):
    cs = cs_ref[...]
    bits = cs.view(jnp.int32)

    def body(i, t):
        cand = t | (1 << (30 - i))
        cnt = jnp.sum((bits >= cand).astype(jnp.int32))
        return jnp.where(cnt >= NT_C, cand, t)

    t = jax.lax.fori_loop(0, 31, body, jnp.int32(0))
    gt = bits > t
    eq = bits == t
    need = (NT_C - jnp.sum(gt.astype(jnp.int32))).astype(jnp.float32)

    eqf = eq.astype(jnp.float32)
    eqb = eq.astype(jnp.bfloat16)
    jj = jax.lax.broadcasted_iota(jnp.int32, (_CS_COLS, _CS_COLS), 0)
    kk = jax.lax.broadcasted_iota(jnp.int32, (_CS_COLS, _CS_COLS), 1)
    upper_incl = (jj <= kk).astype(jnp.bfloat16)
    row_incl = jnp.dot(eqb, upper_incl, preferred_element_type=jnp.float32)
    rowsum = row_incl[:, -1:].astype(jnp.bfloat16)
    ii = jax.lax.broadcasted_iota(jnp.int32, (_CS_ROWS, _CS_ROWS), 0)
    i2 = jax.lax.broadcasted_iota(jnp.int32, (_CS_ROWS, _CS_ROWS), 1)
    strict_lower = (i2 < ii).astype(jnp.bfloat16)
    rows_before = jnp.dot(strict_lower, rowsum, preferred_element_type=jnp.float32)
    prefix_excl = row_incl - eqf + rows_before

    sel = gt | (eq & (prefix_excl < need))
    sel_ref[...] = sel.astype(jnp.float32)


def _sort16(x):
    return lax.sort(x, dimension=0)


def _rev(x):
    return lax.rev(x, (0,))


def _merge16(a, b):
    rb = _rev(b)
    return _sort16(jnp.minimum(a, rb)), _sort16(jnp.maximum(a, rb))


def _sort_bitonic32(u0, u1):
    return _sort16(jnp.minimum(u0, u1)), _sort16(jnp.maximum(u0, u1))


def _merge32(a, b):
    r0, r1 = _rev(b[1]), _rev(b[0])
    l0, l1 = jnp.minimum(a[0], r0), jnp.minimum(a[1], r1)
    h0, h1 = jnp.maximum(a[0], r0), jnp.maximum(a[1], r1)
    s0, s1 = _sort_bitonic32(l0, l1)
    s2, s3 = _sort_bitonic32(h0, h1)
    return [s0, s1, s2, s3]


def _sort64(v):
    s = [_sort16(x) for x in v]
    return _merge32(_merge16(s[0], s[1]), _merge16(s[2], s[3]))


def _sc_thresholds_body(sqt_hbm, thr_hbm, buf, thr_v):
    wid = lax.axis_index("s") * _NC + lax.axis_index("c")
    base = wid * _COLS_PER_W
    lane = lax.iota(jnp.int32, 16)

    def chunk_body(k, carry):
        row0 = base + k * _WCHUNK
        pltpu.sync_copy(sqt_hbm.at[pl.ds(row0, _WCHUNK), :], buf)

        def grp_body(grp, carry2):
            def col_body(j, acc):
                r = grp * 16 + j
                sq = [buf[r, pl.ds(kb * 16, 16)] for kb in range(8)]
                a = _sort64(sq[:4])
                b = _sort64(sq[4:])
                rb = [_rev(b[3]), _rev(b[2]), _rev(b[1]), _rev(b[0])]
                h = [jnp.maximum(a[i], rb[i]) for i in range(4)]
                m = jnp.minimum(jnp.minimum(h[0], h[1]),
                                jnp.minimum(h[2], h[3]))
                t = jnp.min(m)
                return jnp.where(lane == j, t, acc)

            acc = lax.fori_loop(0, 16, col_body, jnp.zeros((16,), jnp.float32))
            thr_v[pl.ds(k * _WCHUNK + grp * 16, 16)] = acc
            return carry2

        lax.fori_loop(0, _WCHUNK // 16, grp_body, jnp.int32(0))
        return carry

    lax.fori_loop(0, _NCHUNKS, chunk_body, jnp.int32(0))
    pltpu.sync_copy(thr_v, thr_hbm.at[pl.ds(base, _COLS_PER_W)])


@functools.lru_cache(maxsize=1)
def _sc_thresholds():
    return pl.kernel(
        _sc_thresholds_body,
        mesh=plsc.VectorSubcoreMesh(core_axis_name="c", subcore_axis_name="s"),
        out_type=jax.ShapeDtypeStruct((_PART,), jnp.float32),
        scratch_types=[
            pltpu.VMEM((_WCHUNK, S), jnp.float32),
            pltpu.VMEM((_COLS_PER_W,), jnp.float32),
        ],
        compiler_params=pltpu.CompilerParams(use_tc_tiling_on_sc=False,
                                             needs_layout_passes=False),
    )


def _apply_body(x_ref, sel_ref, thr_ref, masked_ref, mask_ref):
    x = x_ref[...]
    v = x * x
    t = thr_ref[...]
    m = (v >= t) & (sel_ref[...] > 0.0)
    masked_ref[...] = jnp.where(m, x, 0.0)
    mask_ref[...] = m.astype(jnp.int8)


def _apply_kernel_first(x_ref, sel_ref, thr_ref, masked_ref, mask_ref):
    _apply_body(x_ref, sel_ref, thr_ref, masked_ref, mask_ref)


def _apply_kernel_second(x_ref, sel_ref, thr_ref, masked_in, mask_in,
                         masked_ref, mask_ref):
    del masked_in, mask_in
    _apply_body(x_ref, sel_ref, thr_ref, masked_ref, mask_ref)


def _half_sqt(grad, half):
    off = half * (_PART // _BT)
    return pl.pallas_call(
        _sqt_kernel,
        grid=(_PART // _BT,),
        in_specs=[pl.BlockSpec((S, _BT), lambda i: (0, i + off))],
        out_specs=[
            pl.BlockSpec((_BT, S), lambda i: (i, 0)),
            pl.BlockSpec((1, _BT), lambda i: (0, i)),
        ],
        out_shape=[
            jax.ShapeDtypeStruct((_PART, S), jnp.float32),
            jax.ShapeDtypeStruct((1, _PART), jnp.float32),
        ],
    )(grad)


_FULL_OUT = [
    jax.ShapeDtypeStruct((S, C), jnp.float32),
    jax.ShapeDtypeStruct((S, C), jnp.int8),
]


def _half_apply(grad, sel, thr, half, masked_prev=None, mask_prev=None):
    off = half * (_PART // _BC)
    out_specs = [
        pl.BlockSpec((S, _BC), lambda i: (0, i + off)),
        pl.BlockSpec((S, _BC), lambda i: (0, i + off)),
    ]
    in_specs = [
        pl.BlockSpec((S, _BC), lambda i: (0, i + off)),
        pl.BlockSpec((1, _BC), lambda i: (0, i + off)),
        pl.BlockSpec((1, _BC), lambda i: (0, i)),
    ]
    if masked_prev is None:
        return pl.pallas_call(
            _apply_kernel_first,
            grid=(_PART // _BC,),
            in_specs=in_specs,
            out_specs=out_specs,
            out_shape=_FULL_OUT,
        )(grad, sel, thr)
    return pl.pallas_call(
        _apply_kernel_second,
        grid=(_PART // _BC,),
        in_specs=in_specs + [
            pl.BlockSpec(memory_space=pl.ANY),
            pl.BlockSpec(memory_space=pl.ANY),
        ],
        out_specs=out_specs,
        out_shape=_FULL_OUT,
        input_output_aliases={3: 0, 4: 1},
    )(grad, sel, thr, masked_prev, mask_prev)


@jax.jit
def kernel(grad):
    parts = []
    for h in range(_NSPLIT):
        sqt_h, cs_h = _half_sqt(grad, h)
        thr_h = _sc_thresholds()(sqt_h).reshape(1, _PART)
        parts.append((cs_h, thr_h))

    col_sums = jnp.concatenate([p[0] for p in parts], axis=1)
    sel = pl.pallas_call(
        _chansel_kernel,
        out_shape=jax.ShapeDtypeStruct((_CS_ROWS, _CS_COLS), jnp.float32),
    )(col_sums.reshape(_CS_ROWS, _CS_COLS))
    sel = sel.reshape(1, C)

    masked, mask = _half_apply(grad, sel, parts[0][1], 0)
    for h in range(1, _NSPLIT):
        masked, mask = _half_apply(grad, sel, parts[h][1], h, masked, mask)
    return masked, mask.view(jnp.bool_)

# --- scband reference (transcript-rebuilt; emitter-appended) ---
"""Pipeline reference for scband-sd-lora-parameter-6828998001036 (READ-ONLY COPY).

The authoritative reference and input builder live on the scoring server;
editing this copy changes nothing except your own understanding.
"""

import jax, jax.numpy as jnp
import numpy as np

S, C = 128, 65536
FR_ZERO, FR_FREEZE = 0.25, 0.25
NZ_C = int(round(FR_ZERO * C)); NF_C = int(round(FR_FREEZE * C)); NT_C = C - NZ_C - NF_C
NZ_S = int(round(FR_ZERO * S)); NF_S = int(round(FR_FREEZE * S)); NT_S = S - NZ_S - NF_S


def setup_inputs(seed: int = 0) -> dict:
    key = jax.random.key(seed)
    grad = jax.random.normal(key, (S, C), dtype=jnp.float32)
    return {"grad": grad}


def reference(grad):
    # get_importances / select_rows: importance = squared magnitude
    norms = jnp.square(grad)
    # CHANNEL selection (dim=1, per_row=False): sum over STATE dim, argsort descending
    ch_imp = jnp.argsort(-norms.sum(axis=0))
    train_ch = ch_imp[:NT_C]  # top num_train channels
    # STATE selection per selected channel (dim=0, per_row=True)
    sub = norms[:, train_ch]                      # [S, NT_C]
    state_imp = jnp.argsort(-sub, axis=0)         # [S, NT_C]
    train_states = state_imp[:NT_S]               # [NT_S, NT_C]
    # build boolean train mask: mask.T[channel_indices.repeat(n), state_indices.reshape(-1)] = True
    ch_rep = jnp.tile(train_ch, NT_S)             # [NT_S * NT_C]
    st_flat = train_states.reshape(-1)            # [NT_S * NT_C]
    mask = jnp.zeros((S, C), dtype=bool).at[st_flat, ch_rep].set(True)
    masked = grad * mask.astype(grad.dtype)
    return masked, mask

if __name__ == "__main__":
    import jax
    _d = setup_inputs()
    print(jax.jit(kernel)(*tuple(_d.values())))

</pallas_src>

<mosaic_0001>
#map = affine_map<(d0, d1) -> (0, 0)>
#map1 = affine_map<(d0, d1) -> (0)>
module attributes {stable_mosaic.version = 14 : i64} {
  func.func @_sc_thresholds_body(%arg0: i32, %arg1: i32, %arg2: memref<16384x128xf32, #tpu.memory_space<hbm>>, %arg3: memref<16384xf32, #tpu.memory_space<hbm>>, %arg4: memref<512x128xf32, #tpu.memory_space<vmem>>, %arg5: memref<512xf32, #tpu.memory_space<vmem>>) attributes {dimension_semantics = [#tpu.dimension_semantics<core_parallel>, #tpu.dimension_semantics<subcore_parallel>], iteration_bounds = array<i64: 2, 16>, scalar_prefetch = 0 : i64, scratch_operands = 2 : i64, tpu.core_type = #tpu.core_type<sc_vector_subcore>, window_params = [{transform_indices = #map}, {transform_indices = #map1}]} {
    %mul3A = arith.constant 2 : i32
    %mul3A_0 = arith.muli %arg1, %mul3A : i32
    %add3A = arith.addi %mul3A_0, %arg0 : i32
    %mul3A_1 = arith.constant 512 : i32
    %mul3A_2 = arith.muli %add3A, %mul3A_1 : i32
    %iota3A = tpu.iota {dimensions = array<i32: 0>} : vector<16xi32>
    %scan3A = arith.constant 0 : i32
    %scan3A_3 = arith.constant 0 : i32
    %mul3A_4 = arith.constant 512 : i32
    %mul3A_5 = arith.muli %scan3A_3, %mul3A_4 : i32
    %add3A_6 = arith.addi %mul3A_2, %mul3A_5 : i32
    "tpu.region"() ({
      %run_scoped3A = tpu.sem_alloc : memref<!tpu.dma_semaphore, #tpu.memory_space<semaphore_mem>>
      %dma_start3A = arith.constant 0 : i32
      %dma_start3A_14 = tpu.memref_slice %arg2[%add3A_6, %dma_start3A] : memref<16384x128xf32, #tpu.memory_space<hbm>> -> memref<512x128xf32, #tpu.memory_space<hbm>>
      %dma_start3A_15 = arith.constant 0 : i32
      %dma_start3A_16 = tpu.memref_slice %arg2[%add3A_6, %dma_start3A_15] : memref<16384x128xf32, #tpu.memory_space<hbm>> -> memref<512x128xf32, #tpu.memory_space<hbm>>
      tpu.enqueue_dma source(%dma_start3A_16 : memref<512x128xf32, #tpu.memory_space<hbm>>) target(%arg4 : memref<512x128xf32, #tpu.memory_space<vmem>>) target_semaphore(%run_scoped3A : memref<!tpu.dma_semaphore, #tpu.memory_space<semaphore_mem>>)
      %dma_wait3A = arith.constant 0 : i32
      %dma_wait3A_17 = tpu.memref_slice %arg2[%add3A_6, %dma_wait3A] : memref<16384x128xf32, #tpu.memory_space<hbm>> -> memref<512x128xf32, #tpu.memory_space<hbm>>
      %dma_wait3A_18 = arith.constant 0 : i32
      %dma_wait3A_19 = tpu.memref_slice %arg2[%add3A_6, %dma_wait3A_18] : memref<16384x128xf32, #tpu.memory_space<hbm>> -> memref<512x128xf32, #tpu.memory_space<hbm>>
      tpu.wait_dma2 semaphore(%run_scoped3A : memref<!tpu.dma_semaphore, #tpu.memory_space<semaphore_mem>>) src(%dma_wait3A_19 : memref<512x128xf32, #tpu.memory_space<hbm>>) dst(%arg4 : memref<512x128xf32, #tpu.memory_space<vmem>>)
      tpu.yield
    }) : () -> ()
    %scan3A_7 = arith.constant 0 : i32
    %scan3A_8 = arith.constant 0 : i32
    %scan3A_9 = arith.constant 32 : i32
    %scan3A_10 = arith.addi %scan3A_8, %scan3A_9 : i32
    %scan3A_11 = arith.constant 1 : i32
    scf.for %scan3A_14 = %scan3A_8 to %scan3A_10 step %scan3A_11  : i32 {
      %broadcast_in_dim3A = arith.constant 0.000000e+00 : f32
      %broadcast_in_dim3A_15 = vector.broadcast %broadcast_in_dim3A : f32 to vector<16xf32>
      %scan3A_16 = arith.constant 0 : i32
      %scan3A_17 = arith.constant 16 : i32
      %scan3A_18 = arith.addi %scan3A_16, %scan3A_17 : i32
      %scan3A_19 = arith.constant 1 : i32
      %scan3A_20 = scf.for %scan3A_28 = %scan3A_16 to %scan3A_18 step %scan3A_19 iter_args(%scan3A_29 = %broadcast_in_dim3A_15) -> (vector<16xf32>)  : i32 {
        %mul3A_30 = arith.constant 16 : i32
        %mul3A_31 = arith.muli %scan3A_14, %mul3A_30 : i32
        %add3A_32 = arith.addi %mul3A_31, %scan3A_28 : i32
        %get3A = arith.index_cast %add3A_32 : i32 to index
        %get3A_33 = arith.constant 0 : index
        %get3A_34 = tpu.vector_load %arg4[%get3A, %get3A_33] {strides = array<i32>} : memref<512x128xf32, #tpu.memory_space<vmem>>, vector<16xf32>,
        %get3A_35 = arith.index_cast %add3A_32 : i32 to index
        %get3A_36 = arith.constant 16 : index
        %get3A_37 = tpu.vector_load %arg4[%get3A_35, %get3A_36] {strides = array<i32>} : memref<512x128xf32, #tpu.memory_space<vmem>>, vector<16xf32>,
        %get3A_38 = arith.index_cast %add3A_32 : i32 to index
        %get3A_39 = arith.constant 32 : index
        %get3A_40 = tpu.vector_load %arg4[%get3A_38, %get3A_39] {strides = array<i32>} : memref<512x128xf32, #tpu.memory_space<vmem>>, vector<16xf32>,
        %get3A_41 = arith.index_cast %add3A_32 : i32 to index
        %get3A_42 = arith.constant 48 : index
        %get3A_43 = tpu.vector_load %arg4[%get3A_41, %get3A_42] {strides = array<i32>} : memref<512x128xf32, #tpu.memory_space<vmem>>, vector<16xf32>,
        %get3A_44 = arith.index_cast %add3A_32 : i32 to index
        %get3A_45 = arith.constant 64 : index
        %get3A_46 = tpu.vector_load %arg4[%get3A_44, %get3A_45] {strides = array<i32>} : memref<512x128xf32, #tpu.memory_space<vmem>>, vector<16xf32>,
        %get3A_47 = arith.index_cast %add3A_32 : i32 to index
        %get3A_48 = arith.constant 80 : index
        %get3A_49 = tpu.vector_load %arg4[%get3A_47, %get3A_48] {strides = array<i32>} : memref<512x128xf32, #tpu.memory_space<vmem>>, vector<16xf32>,
        %get3A_50 = arith.index_cast %add3A_32 : i32 to index
        %get3A_51 = arith.constant 96 : index
        %get3A_52 = tpu.vector_load %arg4[%get3A_50, %get3A_51] {strides = array<i32>} : memref<512x128xf32, #tpu.memory_space<vmem>>, vector<16xf32>,
        %get3A_53 = arith.index_cast %add3A_32 : i32 to index
        %get3A_54 = arith.constant 112 : index
        %get3A_55 = tpu.vector_load %arg4[%get3A_53, %get3A_54] {strides = array<i32>} : memref<512x128xf32, #tpu.memory_space<vmem>>, vector<16xf32>,
        %sort3A = arith.constant dense<true> : vector<16xi1>
        %sort3A_56, %sort3A_57, %sort3A_58 = tpu.sort %get3A_34, %get3A_34 masked %sort3A : (vector<16xf32>, vector<16xf32>, vector<16xi1>) -> (vector<16xi1>, vector<16xf32>, vector<16xf32>)
        %sort3A_59 = arith.constant dense<true> : vector<16xi1>
        %sort3A_60, %sort3A_61, %sort3A_62 = tpu.sort %get3A_37, %get3A_37 masked %sort3A_59 : (vector<16xf32>, vector<16xf32>, vector<16xi1>) -> (vector<16xi1>, vector<16xf32>, vector<16xf32>)
        %sort3A_63 = arith.constant dense<true> : vector<16xi1>
        %sort3A_64, %sort3A_65, %sort3A_66 = tpu.sort %get3A_40, %get3A_40 masked %sort3A_63 : (vector<16xf32>, vector<16xf32>, vector<16xi1>) -> (vector<16xi1>, vector<16xf32>, vector<16xf32>)
        %sort3A_67 = arith.constant dense<true> : vector<16xi1>
        %sort3A_68, %sort3A_69, %sort3A_70 = tpu.sort %get3A_43, %get3A_43 masked %sort3A_67 : (vector<16xf32>, vector<16xf32>, vector<16xi1>) -> (vector<16xi1>, vector<16xf32>, vector<16xf32>)
        %rev3A = arith.constant 15 : i32
        %rev3A_71 = vector.broadcast %rev3A : i32 to vector<16xi32>
        %rev3A_72 = tpu.iota {dimensions = array<i32: 0>} : vector<16xi32>
        %rev3A_73 = arith.subi %rev3A_71, %rev3A_72 : vector<16xi32>
        %rev3A_74 = tpu.dynamic_gather %sort3A_61[%rev3A_73] in [0] : vector<16xf32>, vector<16xi32> -> vector<16xf32>
        %min3A = arith.minimumf %sort3A_57, %rev3A_74 : vector<16xf32>
        %sort3A_75 = arith.constant dense<true> : vector<16xi1>
        %sort3A_76, %sort3A_77, %sort3A_78 = tpu.sort %min3A, %min3A masked %sort3A_75 : (vector<16xf32>, vector<16xf32>, vector<16xi1>) -> (vector<16xi1>, vector<16xf32>, vector<16xf32>)
        %max3A = arith.maximumf %sort3A_57, %rev3A_74 : vector<16xf32>
        %sort3A_79 = arith.constant dense<true> : vector<16xi1>
        %sort3A_80, %sort3A_81, %sort3A_82 = tpu.sort %max3A, %max3A masked %sort3A_79 : (vector<16xf32>, vector<16xf32>, vector<16xi1>) -> (vector<16xi1>, vector<16xf32>, vector<16xf32>)
        %rev3A_83 = arith.constant 15 : i32
        %rev3A_84 = vector.broadcast %rev3A_83 : i32 to vector<16xi32>
        %rev3A_85 = tpu.iota {dimensions = array<i32: 0>} : vector<16xi32>
        %rev3A_86 = arith.subi %rev3A_84, %rev3A_85 : vector<16xi32>
        %rev3A_87 = tpu.dynamic_gather %sort3A_69[%rev3A_86] in [0] : vector<16xf32>, vector<16xi32> -> vector<16xf32>
        %min3A_88 = arith.minimumf %sort3A_65, %rev3A_87 : vector<16xf32>
        %sort3A_89 = arith.constant dense<true> : vector<16xi1>
        %sort3A_90, %sort3A_91, %sort3A_92 = tpu.sort %min3A_88, %min3A_88 masked %sort3A_89 : (vector<16xf32>, vector<16xf32>, vector<16xi1>) -> (vector<16xi1>, vector<16xf32>, vector<16xf32>)
        %max3A_93 = arith.maximumf %sort3A_65, %rev3A_87 : vector<16xf32>
        %sort3A_94 = arith.constant dense<true> : vector<16xi1>
        %sort3A_95, %sort3A_96, %sort3A_97 = tpu.sort %max3A_93, %max3A_93 masked %sort3A_94 : (vector<16xf32>, vector<16xf32>, vector<16xi1>) -> (vector<16xi1>, vector<16xf32>, vector<16xf32>)
        %rev3A_98 = arith.constant 15 : i32
        %rev3A_99 = vector.broadcast %rev3A_98 : i32 to vector<16xi32>
        %rev3A_100 = tpu.iota {dimensions = array<i32: 0>} : vector<16xi32>
        %rev3A_101 = arith.subi %rev3A_99, %rev3A_100 : vector<16xi32>
        %rev3A_102 = tpu.dynamic_gather %sort3A_96[%rev3A_101] in [0] : vector<16xf32>, vector<16xi32> -> vector<16xf32>
        %rev3A_103 = arith.constant 15 : i32
        %rev3A_104 = vector.broadcast %rev3A_103 : i32 to vector<16xi32>
        %rev3A_105 = tpu.iota {dimensions = array<i32: 0>} : vector<16xi32>
        %rev3A_106 = arith.subi %rev3A_104, %rev3A_105 : vector<16xi32>
        %rev3A_107 = tpu.dynamic_gather %sort3A_91[%rev3A_106] in [0] : vector<16xf32>, vector<16xi32> -> vector<16xf32>
        %min3A_108 = arith.minimumf %sort3A_77, %rev3A_102 : vector<16xf32>
        %min3A_109 = arith.minimumf %sort3A_81, %rev3A_107 : vector<16xf32>
        %max3A_110 = arith.maximumf %sort3A_77, %rev3A_102 : vector<16xf32>
        %max3A_111 = arith.maximumf %sort3A_81, %rev3A_107 : vector<16xf32>
        %min3A_112 = arith.minimumf %min3A_108, %min3A_109 : vector<16xf32>
        %sort3A_113 = arith.constant dense<true> : vector<16xi1>
        %sort3A_114, %sort3A_115, %sort3A_116 = tpu.sort %min3A_112, %min3A_112 masked %sort3A_113 : (vector<16xf32>, vector<16xf32>, vector<16xi1>) -> (vector<16xi1>, vector<16xf32>, vector<16xf32>)
        %max3A_117 = arith.maximumf %min3A_108, %min3A_109 : vector<16xf32>
        %sort3A_118 = arith.constant dense<true> : vector<16xi1>
        %sort3A_119, %sort3A_120, %sort3A_121 = tpu.sort %max3A_117, %max3A_117 masked %sort3A_118 : (vector<16xf32>, vector<16xf32>, vector<16xi1>) -> (vector<16xi1>, vector<16xf32>, vector<16xf32>)
        %min3A_122 = arith.minimumf %max3A_110, %max3A_111 : vector<16xf32>
        %sort3A_123 = arith.constant dense<true> : vector<16xi1>
        %sort3A_124, %sort3A_125, %sort3A_126 = tpu.sort %min3A_122, %min3A_122 masked %sort3A_123 : (vector<16xf32>, vector<16xf32>, vector<16xi1>) -> (vector<16xi1>, vector<16xf32>, vector<16xf32>)
        %max3A_127 = arith.maximumf %max3A_110, %max3A_111 : vector<16xf32>
        %sort3A_128 = arith.constant dense<true> : vector<16xi1>
        %sort3A_129, %sort3A_130, %sort3A_131 = tpu.sort %max3A_127, %max3A_127 masked %sort3A_128 : (vector<16xf32>, vector<16xf32>, vector<16xi1>) -> (vector<16xi1>, vector<16xf32>, vector<16xf32>)
        %sort3A_132 = arith.constant dense<true> : vector<16xi1>
        %sort3A_133, %sort3A_134, %sort3A_135 = tpu.sort %get3A_46, %get3A_46 masked %sort3A_132 : (vector<16xf32>, vector<16xf32>, vector<16xi1>) -> (vector<16xi1>, vector<16xf32>, vector<16xf32>)
        %sort3A_136 = arith.constant dense<true> : vector<16xi1>
        %sort3A_137, %sort3A_138, %sort3A_139 = tpu.sort %get3A_49, %get3A_49 masked %sort3A_136 : (vector<16xf32>, vector<16xf32>, vector<16xi1>) -> (vector<16xi1>, vector<16xf32>, vector<16xf32>)
        %sort3A_140 = arith.constant dense<true> : vector<16xi1>
        %sort3A_141, %sort3A_142, %sort3A_143 = tpu.sort %get3A_52, %get3A_52 masked %sort3A_140 : (vector<16xf32>, vector<16xf32>, vector<16xi1>) -> (vector<16xi1>, vector<16xf32>, vector<16xf32>)
        %sort3A_144 = arith.constant dense<true> : vector<16xi1>
        %sort3A_145, %sort3A_146, %sort3A_147 = tpu.sort %get3A_55, %get3A_55 masked %sort3A_144 : (vector<16xf32>, vector<16xf32>, vector<16xi1>) -> (vector<16xi1>, vector<16xf32>, vector<16xf32>)
        %rev3A_148 = arith.constant 15 : i32
        %rev3A_149 = vector.broadcast %rev3A_148 : i32 to vector<16xi32>
        %rev3A_150 = tpu.iota {dimensions = array<i32: 0>} : vector<16xi32>
        %rev3A_151 = arith.subi %rev3A_149, %rev3A_150 : vector<16xi32>
        %rev3A_152 = tpu.dynamic_gather %sort3A_138[%rev3A_151] in [0] : vector<16xf32>, vector<16xi32> -> vector<16xf32>
        %min3A_153 = arith.minimumf %sort3A_134, %rev3A_152 : vector<16xf32>
        %sort3A_154 = arith.constant dense<true> : vector<16xi1>
        %sort3A_155, %sort3A_156, %sort3A_157 = tpu.sort %min3A_153, %min3A_153 masked %sort3A_154 : (vector<16xf32>, vector<16xf32>, vector<16xi1>) -> (vector<16xi1>, vector<16xf32>, vector<16xf32>)
        %max3A_158 = arith.maximumf %sort3A_134, %rev3A_152 : vector<16xf32>
        %sort3A_159 = arith.constant dense<true> : vector<16xi1>
        %sort3A_160, %sort3A_161, %sort3A_162 = tpu.sort %max3A_158, %max3A_158 masked %sort3A_159 : (vector<16xf32>, vector<16xf32>, vector<16xi1>) -> (vector<16xi1>, vector<16xf32>, vector<16xf32>)
        %rev3A_163 = arith.constant 15 : i32
        %rev3A_164 = vector.broadcast %rev3A_163 : i32 to vector<16xi32>
        %rev3A_165 = tpu.iota {dimensions = array<i32: 0>} : vector<16xi32>
        %rev3A_166 = arith.subi %rev3A_164, %rev3A_165 : vector<16xi32>
        %rev3A_167 = tpu.dynamic_gather %sort3A_146[%rev3A_166] in [0] : vector<16xf32>, vector<16xi32> -> vector<16xf32>
        %min3A_168 = arith.minimumf %sort3A_142, %rev3A_167 : vector<16xf32>
        %sort3A_169 = arith.constant dense<true> : vector<16xi1>
        %sort3A_170, %sort3A_171, %sort3A_172 = tpu.sort %min3A_168, %min3A_168 masked %sort3A_169 : (vector<16xf32>, vector<16xf32>, vector<16xi1>) -> (vector<16xi1>, vector<16xf32>, vector<16xf32>)
        %max3A_173 = arith.maximumf %sort3A_142, %rev3A_167 : vector<16xf32>
        %sort3A_174 = arith.constant dense<true> : vector<16xi1>
        %sort3A_175, %sort3A_176, %sort3A_177 = tpu.sort %max3A_173, %max3A_173 masked %sort3A_174 : (vector<16xf32>, vector<16xf32>, vector<16xi1>) -> (vector<16xi1>, vector<16xf32>, vector<16xf32>)
        %rev3A_178 = arith.constant 15 : i32
        %rev3A_179 = vector.broadcast %rev3A_178 : i32 to vector<16xi32>
        %rev3A_180 = tpu.iota {dimensions = array<i32: 0>} : vector<16xi32>
        %rev3A_181 = arith.subi %rev3A_179, %rev3A_180 : vector<16xi32>
        %rev3A_182 = tpu.dynamic_gather %sort3A_176[%rev3A_181] in [0] : vector<16xf32>, vector<16xi32> -> vector<16xf32>
        %rev3A_183 = arith.constant 15 : i32
        %rev3A_184 = vector.broadcast %rev3A_183 : i32 to vector<16xi32>
        %rev3A_185 = tpu.iota {dimensions = array<i32: 0>} : vector<16xi32>
        %rev3A_186 = arith.subi %rev3A_184, %rev3A_185 : vector<16xi32>
        %rev3A_187 = tpu.dynamic_gather %sort3A_171[%rev3A_186] in [0] : vector<16xf32>, vector<16xi32> -> vector<16xf32>
        %min3A_188 = arith.minimumf %sort3A_156, %rev3A_182 : vector<16xf32>
        %min3A_189 = arith.minimumf %sort3A_161, %rev3A_187 : vector<16xf32>
        %max3A_190 = arith.maximumf %sort3A_156, %rev3A_182 : vector<16xf32>
        %max3A_191 = arith.maximumf %sort3A_161, %rev3A_187 : vector<16xf32>
        %min3A_192 = arith.minimumf %min3A_188, %min3A_189 : vector<16xf32>
        %sort3A_193 = arith.constant dense<true> : vector<16xi1>
        %sort3A_194, %sort3A_195, %sort3A_196 = tpu.sort %min3A_192, %min3A_192 masked %sort3A_193 : (vector<16xf32>, vector<16xf32>, vector<16xi1>) -> (vector<16xi1>, vector<16xf32>, vector<16xf32>)
        %max3A_197 = arith.maximumf %min3A_188, %min3A_189 : vector<16xf32>
        %sort3A_198 = arith.constant dense<true> : vector<16xi1>
        %sort3A_199, %sort3A_200, %sort3A_201 = tpu.sort %max3A_197, %max3A_197 masked %sort3A_198 : (vector<16xf32>, vector<16xf32>, vector<16xi1>) -> (vector<16xi1>, vector<16xf32>, vector<16xf32>)
        %min3A_202 = arith.minimumf %max3A_190, %max3A_191 : vector<16xf32>
        %sort3A_203 = arith.constant dense<true> : vector<16xi1>
        %sort3A_204, %sort3A_205, %sort3A_206 = tpu.sort %min3A_202, %min3A_202 masked %sort3A_203 : (vector<16xf32>, vector<16xf32>, vector<16xi1>) -> (vector<16xi1>, vector<16xf32>, vector<16xf32>)
        %max3A_207 = arith.maximumf %max3A_190, %max3A_191 : vector<16xf32>
        %sort3A_208 = arith.constant dense<true> : vector<16xi1>
        %sort3A_209, %sort3A_210, %sort3A_211 = tpu.sort %max3A_207, %max3A_207 masked %sort3A_208 : (vector<16xf32>, vector<16xf32>, vector<16xi1>) -> (vector<16xi1>, vector<16xf32>, vector<16xf32>)
        %rev3A_212 = arith.constant 15 : i32
        %rev3A_213 = vector.broadcast %rev3A_212 : i32 to vector<16xi32>
        %rev3A_214 = tpu.iota {dimensions = array<i32: 0>} : vector<16xi32>
        %rev3A_215 = arith.subi %rev3A_213, %rev3A_214 : vector<16xi32>
        %rev3A_216 = tpu.dynamic_gather %sort3A_210[%rev3A_215] in [0] : vector<16xf32>, vector<16xi32> -> vector<16xf32>
        %rev3A_217 = arith.constant 15 : i32
        %rev3A_218 = vector.broadcast %rev3A_217 : i32 to vector<16xi32>
        %rev3A_219 = tpu.iota {dimensions = array<i32: 0>} : vector<16xi32>
        %rev3A_220 = arith.subi %rev3A_218, %rev3A_219 : vector<16xi32>
        %rev3A_221 = tpu.dynamic_gather %sort3A_205[%rev3A_220] in [0] : vector<16xf32>, vector<16xi32> -> vector<16xf32>
        %rev3A_222 = arith.constant 15 : i32
        %rev3A_223 = vector.broadcast %rev3A_222 : i32 to vector<16xi32>
        %rev3A_224 = tpu.iota {dimensions = array<i32: 0>} : vector<16xi32>
        %rev3A_225 = arith.subi %rev3A_223, %rev3A_224 : vector<16xi32>
        %rev3A_226 = tpu.dynamic_gather %sort3A_200[%rev3A_225] in [0] : vector<16xf32>, vector<16xi32> -> vector<16xf32>
        %rev3A_227 = arith.constant 15 : i32
        %rev3A_228 = vector.broadcast %rev3A_227 : i32 to vector<16xi32>
        %rev3A_229 = tpu.iota {dimensions = array<i32: 0>} : vector<16xi32>
        %rev3A_230 = arith.subi %rev3A_228, %rev3A_229 : vector<16xi32>
        %rev3A_231 = tpu.dynamic_gather %sort3A_195[%rev3A_230] in [0] : vector<16xf32>, vector<16xi32> -> vector<16xf32>
        %max3A_232 = arith.maximumf %sort3A_115, %rev3A_216 : vector<16xf32>
        %max3A_233 = arith.maximumf %sort3A_120, %rev3A_221 : vector<16xf32>
        %max3A_234 = arith.maximumf %sort3A_125, %rev3A_226 : vector<16xf32>
        %max3A_235 = arith.maximumf %sort3A_130, %rev3A_231 : vector<16xf32>
        %min3A_236 = arith.minimumf %max3A_232, %max3A_233 : vector<16xf32>
        %min3A_237 = arith.minimumf %max3A_234, %max3A_235 : vector<16xf32>
        %min3A_238 = arith.minimumf %min3A_236, %min3A_237 : vector<16xf32>
        %reduce_min3A = arith.constant true
        %reduce_min3A_239 = vector.broadcast %reduce_min3A : i1 to vector<16xi1>
        %reduce_min3A_240 = tpu.scan <min>, %min3A_238 masked %reduce_min3A_239 : vector<16xf32>, vector<16xi1> -> vector<16xf32>
        %reduce_min3A_241 = vector.extract %reduce_min3A_240[15] : f32 from vector<16xf32>
        %eq3A = vector.broadcast %scan3A_28 : i32 to vector<16xi32>
        %eq3A_242 = arith.cmpi eq, %iota3A, %eq3A : vector<16xi32>
        %broadcast_in_dim3A_243 = vector.broadcast %reduce_min3A_241 : f32 to vector<16xf32>
        %select_n3A = arith.select %eq3A_242, %broadcast_in_dim3A_243, %scan3A_29 : vector<16xi1>, vector<16xf32>
        scf.yield %select_n3A : vector<16xf32>
      }
      %scan3A_21 = arith.constant 16 : i32
      %mul3A_22 = arith.constant 512 : i32
      %mul3A_23 = arith.muli %scan3A_3, %mul3A_22 : i32
      %mul3A_24 = arith.constant 16 : i32
      %mul3A_25 = arith.muli %scan3A_14, %mul3A_24 : i32
      %add3A_26 = arith.addi %mul3A_23, %mul3A_25 : i32
      %swap3A = arith.index_cast %add3A_26 : i32 to index
      %swap3A_27 = tpu.vector_load %arg5[%swap3A] {strides = array<i32>} : memref<512xf32, #tpu.memory_space<vmem>>, vector<16xf32>,
      tpu.vector_store %arg5[%swap3A], %scan3A_20 {strides = array<i32>} : memref<512xf32, #tpu.memory_space<vmem>>, vector<16xf32>,
    }
    %scan3A_12 = arith.constant 32 : i32
    %scan3A_13 = arith.constant 1 : i32
    "tpu.region"() ({
      %run_scoped3A = tpu.sem_alloc : memref<!tpu.dma_semaphore, #tpu.memory_space<semaphore_mem>>
      %dma_start3A = tpu.memref_slice %arg3[%mul3A_2] : memref<16384xf32, #tpu.memory_space<hbm>> -> memref<512xf32, #tpu.memory_space<hbm>>
      %dma_start3A_14 = tpu.memref_slice %arg3[%mul3A_2] : memref<16384xf32, #tpu.memory_space<hbm>> -> memref<512xf32, #tpu.memory_space<hbm>>
      tpu.enqueue_dma source(%arg5 : memref<512xf32, #tpu.memory_space<vmem>>) target(%dma_start3A_14 : memref<512xf32, #tpu.memory_space<hbm>>) target_semaphore(%run_scoped3A : memref<!tpu.dma_semaphore, #tpu.memory_space<semaphore_mem>>)
      %dma_wait3A = tpu.memref_slice %arg3[%mul3A_2] : memref<16384xf32, #tpu.memory_space<hbm>> -> memref<512xf32, #tpu.memory_space<hbm>>
      %dma_wait3A_15 = tpu.memref_slice %arg3[%mul3A_2] : memref<16384xf32, #tpu.memory_space<hbm>> -> memref<512xf32, #tpu.memory_space<hbm>>
      tpu.wait_dma2 semaphore(%run_scoped3A : memref<!tpu.dma_semaphore, #tpu.memory_space<semaphore_mem>>) src(%arg5 : memref<512xf32, #tpu.memory_space<vmem>>) dst(%dma_wait3A_15 : memref<512xf32, #tpu.memory_space<hbm>>)
      tpu.yield
    }) : () -> ()
    return
  }
}

#map = affine_map<(d0, d1) -> (0, 0)>
#map1 = affine_map<(d0, d1) -> (0)>
module attributes {stable_mosaic.version = 14 : i64} {
  func.func @_sc_thresholds_body(%arg0: i32, %arg1: i32, %arg2: memref<16384x128xf32, #tpu.memory_space<hbm>>, %arg3: memref<16384xf32, #tpu.memory_space<hbm>>, %arg4: memref<512x128xf32, #tpu.memory_space<vmem>>, %arg5: memref<512xf32, #tpu.memory_space<vmem>>) attributes {dimension_semantics = [#tpu.dimension_semantics<core_parallel>, #tpu.dimension_semantics<subcore_parallel>], iteration_bounds = array<i64: 2, 16>, scalar_prefetch = 0 : i64, scratch_operands = 2 : i64, tpu.core_type = #tpu.core_type<sc_vector_subcore>, window_params = [{transform_indices = #map}, {transform_indices = #map1}]} {
    %mul3A = arith.constant 2 : i32
    %mul3A_0 = arith.muli %arg1, %mul3A : i32
    %add3A = arith.addi %mul3A_0, %arg0 : i32
    %mul3A_1 = arith.constant 512 : i32
    %mul3A_2 = arith.muli %add3A, %mul3A_1 : i32
    %iota3A = tpu.iota {dimensions = array<i32: 0>} : vector<16xi32>
    %scan3A = arith.constant 0 : i32
    %scan3A_3 = arith.constant 0 : i32
    %mul3A_4 = arith.constant 512 : i32
    %mul3A_5 = arith.muli %scan3A_3, %mul3A_4 : i32
    %add3A_6 = arith.addi %mul3A_2, %mul3A_5 : i32
    "tpu.region"() ({
      %run_scoped3A = tpu.sem_alloc : memref<!tpu.dma_semaphore, #tpu.memory_space<semaphore_mem>>
      %dma_start3A = arith.constant 0 : i32
      %dma_start3A_14 = tpu.memref_slice %arg2[%add3A_6, %dma_start3A] : memref<16384x128xf32, #tpu.memory_space<hbm>> -> memref<512x128xf32, #tpu.memory_space<hbm>>
      %dma_start3A_15 = arith.constant 0 : i32
      %dma_start3A_16 = tpu.memref_slice %arg2[%add3A_6, %dma_start3A_15] : memref<16384x128xf32, #tpu.memory_space<hbm>> -> memref<512x128xf32, #tpu.memory_space<hbm>>
      tpu.enqueue_dma source(%dma_start3A_16 : memref<512x128xf32, #tpu.memory_space<hbm>>) target(%arg4 : memref<512x128xf32, #tpu.memory_space<vmem>>) target_semaphore(%run_scoped3A : memref<!tpu.dma_semaphore, #tpu.memory_space<semaphore_mem>>)
      %dma_wait3A = arith.constant 0 : i32
      %dma_wait3A_17 = tpu.memref_slice %arg2[%add3A_6, %dma_wait3A] : memref<16384x128xf32, #tpu.memory_space<hbm>> -> memref<512x128xf32, #tpu.memory_space<hbm>>
      %dma_wait3A_18 = arith.constant 0 : i32
      %dma_wait3A_19 = tpu.memref_slice %arg2[%add3A_6, %dma_wait3A_18] : memref<16384x128xf32, #tpu.memory_space<hbm>> -> memref<512x128xf32, #tpu.memory_space<hbm>>
      tpu.wait_dma2 semaphore(%run_scoped3A : memref<!tpu.dma_semaphore, #tpu.memory_space<semaphore_mem>>) src(%dma_wait3A_19 : memref<512x128xf32, #tpu.memory_space<hbm>>) dst(%arg4 : memref<512x128xf32, #tpu.memory_space<vmem>>)
      tpu.yield
    }) : () -> ()
    %scan3A_7 = arith.constant 0 : i32
    %scan3A_8 = arith.constant 0 : i32
    %scan3A_9 = arith.constant 32 : i32
    %scan3A_10 = arith.addi %scan3A_8, %scan3A_9 : i32
    %scan3A_11 = arith.constant 1 : i32
    scf.for %scan3A_14 = %scan3A_8 to %scan3A_10 step %scan3A_11  : i32 {
      %broadcast_in_dim3A = arith.constant 0.000000e+00 : f32
      %broadcast_in_dim3A_15 = vector.broadcast %broadcast_in_dim3A : f32 to vector<16xf32>
      %scan3A_16 = arith.constant 0 : i32
      %scan3A_17 = arith.constant 16 : i32
      %scan3A_18 = arith.addi %scan3A_16, %scan3A_17 : i32
      %scan3A_19 = arith.constant 1 : i32
      %scan3A_20 = scf.for %scan3A_28 = %scan3A_16 to %scan3A_18 step %scan3A_19 iter_args(%scan3A_29 = %broadcast_in_dim3A_15) -> (vector<16xf32>)  : i32 {
        %mul3A_30 = arith.constant 16 : i32
        %mul3A_31 = arith.muli %scan3A_14, %mul3A_30 : i32
        %add3A_32 = arith.addi %mul3A_31, %scan3A_28 : i32
        %get3A = arith.index_cast %add3A_32 : i32 to index
        %get3A_33 = arith.constant 0 : index
        %get3A_34 = tpu.vector_load %arg4[%get3A, %get3A_33] {strides = array<i32>} : memref<512x128xf32, #tpu.memory_space<vmem>>, vector<16xf32>,
        %get3A_35 = arith.index_cast %add3A_32 : i32 to index
        %get3A_36 = arith.constant 16 : index
        %get3A_37 = tpu.vector_load %arg4[%get3A_35, %get3A_36] {strides = array<i32>} : memref<512x128xf32, #tpu.memory_space<vmem>>, vector<16xf32>,
        %get3A_38 = arith.index_cast %add3A_32 : i32 to index
        %get3A_39 = arith.constant 32 : index
        %get3A_40 = tpu.vector_load %arg4[%get3A_38, %get3A_39] {strides = array<i32>} : memref<512x128xf32, #tpu.memory_space<vmem>>, vector<16xf32>,
        %get3A_41 = arith.index_cast %add3A_32 : i32 to index
        %get3A_42 = arith.constant 48 : index
        %get3A_43 = tpu.vector_load %arg4[%get3A_41, %get3A_42] {strides = array<i32>} : memref<512x128xf32, #tpu.memory_space<vmem>>, vector<16xf32>,
        %get3A_44 = arith.index_cast %add3A_32 : i32 to index
        %get3A_45 = arith.constant 64 : index
        %get3A_46 = tpu.vector_load %arg4[%get3A_44, %get3A_45] {strides = array<i32>} : memref<512x128xf32, #tpu.memory_space<vmem>>, vector<16xf32>,
        %get3A_47 = arith.index_cast %add3A_32 : i32 to index
        %get3A_48 = arith.constant 80 : index
        %get3A_49 = tpu.vector_load %arg4[%get3A_47, %get3A_48] {strides = array<i32>} : memref<512x128xf32, #tpu.memory_space<vmem>>, vector<16xf32>,
        %get3A_50 = arith.index_cast %add3A_32 : i32 to index
        %get3A_51 = arith.constant 96 : index
        %get3A_52 = tpu.vector_load %arg4[%get3A_50, %get3A_51] {strides = array<i32>} : memref<512x128xf32, #tpu.memory_space<vmem>>, vector<16xf32>,
        %get3A_53 = arith.index_cast %add3A_32 : i32 to index
        %get3A_54 = arith.constant 112 : index
        %get3A_55 = tpu.vector_load %arg4[%get3A_53, %get3A_54] {strides = array<i32>} : memref<512x128xf32, #tpu.memory_space<vmem>>, vector<16xf32>,
        %sort3A = arith.constant dense<true> : vector<16xi1>
        %sort3A_56, %sort3A_57, %sort3A_58 = tpu.sort %get3A_34, %get3A_34 masked %sort3A : (vector<16xf32>, vector<16xf32>, vector<16xi1>) -> (vector<16xi1>, vector<16xf32>, vector<16xf32>)
        %sort3A_59 = arith.constant dense<true> : vector<16xi1>
        %sort3A_60, %sort3A_61, %sort3A_62 = tpu.sort %get3A_37, %get3A_37 masked %sort3A_59 : (vector<16xf32>, vector<16xf32>, vector<16xi1>) -> (vector<16xi1>, vector<16xf32>, vector<16xf32>)
        %sort3A_63 = arith.constant dense<true> : vector<16xi1>
        %sort3A_64, %sort3A_65, %sort3A_66 = tpu.sort %get3A_40, %get3A_40 masked %sort3A_63 : (vector<16xf32>, vector<16xf32>, vector<16xi1>) -> (vector<16xi1>, vector<16xf32>, vector<16xf32>)
        %sort3A_67 = arith.constant dense<true> : vector<16xi1>
        %sort3A_68, %sort3A_69, %sort3A_70 = tpu.sort %get3A_43, %get3A_43 masked %sort3A_67 : (vector<16xf32>, vector<16xf32>, vector<16xi1>) -> (vector<16xi1>, vector<16xf32>, vector<16xf32>)
        %rev3A = arith.constant 15 : i32
        %rev3A_71 = vector.broadcast %rev3A : i32 to vector<16xi32>
        %rev3A_72 = tpu.iota {dimensions = array<i32: 0>} : vector<16xi32>
        %rev3A_73 = arith.subi %rev3A_71, %rev3A_72 : vector<16xi32>
        %rev3A_74 = tpu.dynamic_gather %sort3A_61[%rev3A_73] in [0] : vector<16xf32>, vector<16xi32> -> vector<16xf32>
        %min3A = arith.minimumf %sort3A_57, %rev3A_74 : vector<16xf32>
        %sort3A_75 = arith.constant dense<true> : vector<16xi1>
        %sort3A_76, %sort3A_77, %sort3A_78 = tpu.sort %min3A, %min3A masked %sort3A_75 : (vector<16xf32>, vector<16xf32>, vector<16xi1>) -> (vector<16xi1>, vector<16xf32>, vector<16xf32>)
        %max3A = arith.maximumf %sort3A_57, %rev3A_74 : vector<16xf32>
        %sort3A_79 = arith.constant dense<true> : vector<16xi1>
        %sort3A_80, %sort3A_81, %sort3A_82 = tpu.sort %max3A, %max3A masked %sort3A_79 : (vector<16xf32>, vector<16xf32>, vector<16xi1>) -> (vector<16xi1>, vector<16xf32>, vector<16xf32>)
        %rev3A_83 = arith.constant 15 : i32
        %rev3A_84 = vector.broadcast %rev3A_83 : i32 to vector<16xi32>
        %rev3A_85 = tpu.iota {dimensions = array<i32: 0>} : vector<16xi32>
        %rev3A_86 = arith.subi %rev3A_84, %rev3A_85 : vector<16xi32>
        %rev3A_87 = tpu.dynamic_gather %sort3A_69[%rev3A_86] in [0] : vector<16xf32>, vector<16xi32> -> vector<16xf32>
        %min3A_88 = arith.minimumf %sort3A_65, %rev3A_87 : vector<16xf32>
        %sort3A_89 = arith.constant dense<true> : vector<16xi1>
        %sort3A_90, %sort3A_91, %sort3A_92 = tpu.sort %min3A_88, %min3A_88 masked %sort3A_89 : (vector<16xf32>, vector<16xf32>, vector<16xi1>) -> (vector<16xi1>, vector<16xf32>, vector<16xf32>)
        %max3A_93 = arith.maximumf %sort3A_65, %rev3A_87 : vector<16xf32>
        %sort3A_94 = arith.constant dense<true> : vector<16xi1>
        %sort3A_95, %sort3A_96, %sort3A_97 = tpu.sort %max3A_93, %max3A_93 masked %sort3A_94 : (vector<16xf32>, vector<16xf32>, vector<16xi1>) -> (vector<16xi1>, vector<16xf32>, vector<16xf32>)
        %rev3A_98 = arith.constant 15 : i32
        %rev3A_99 = vector.broadcast %rev3A_98 : i32 to vector<16xi32>
        %rev3A_100 = tpu.iota {dimensions = array<i32: 0>} : vector<16xi32>
        %rev3A_101 = arith.subi %rev3A_99, %rev3A_100 : vector<16xi32>
        %rev3A_102 = tpu.dynamic_gather %sort3A_96[%rev3A_101] in [0] : vector<16xf32>, vector<16xi32> -> vector<16xf32>
        %rev3A_103 = arith.constant 15 : i32
        %rev3A_104 = vector.broadcast %rev3A_103 : i32 to vector<16xi32>
        %rev3A_105 = tpu.iota {dimensions = array<i32: 0>} : vector<16xi32>
        %rev3A_106 = arith.subi %rev3A_104, %rev3A_105 : vector<16xi32>
        %rev3A_107 = tpu.dynamic_gather %sort3A_91[%rev3A_106] in [0] : vector<16xf32>, vector<16xi32> -> vector<16xf32>
        %min3A_108 = arith.minimumf %sort3A_77, %rev3A_102 : vector<16xf32>
        %min3A_109 = arith.minimumf %sort3A_81, %rev3A_107 : vector<16xf32>
        %max3A_110 = arith.maximumf %sort3A_77, %rev3A_102 : vector<16xf32>
        %max3A_111 = arith.maximumf %sort3A_81, %rev3A_107 : vector<16xf32>
        %min3A_112 = arith.minimumf %min3A_108, %min3A_109 : vector<16xf32>
        %sort3A_113 = arith.constant dense<true> : vector<16xi1>
        %sort3A_114, %sort3A_115, %sort3A_116 = tpu.sort %min3A_112, %min3A_112 masked %sort3A_113 : (vector<16xf32>, vector<16xf32>, vector<16xi1>) -> (vector<16xi1>, vector<16xf32>, vector<16xf32>)
        %max3A_117 = arith.maximumf %min3A_108, %min3A_109 : vector<16xf32>
        %sort3A_118 = arith.constant dense<true> : vector<16xi1>
        %sort3A_119, %sort3A_120, %sort3A_121 = tpu.sort %max3A_117, %max3A_117 masked %sort3A_118 : (vector<16xf32>, vector<16xf32>, vector<16xi1>) -> (vector<16xi1>, vector<16xf32>, vector<16xf32>)
        %min3A_122 = arith.minimumf %max3A_110, %max3A_111 : vector<16xf32>
        %sort3A_123 = arith.constant dense<true> : vector<16xi1>
        %sort3A_124, %sort3A_125, %sort3A_126 = tpu.sort %min3A_122, %min3A_122 masked %sort3A_123 : (vector<16xf32>, vector<16xf32>, vector<16xi1>) -> (vector<16xi1>, vector<16xf32>, vector<16xf32>)
        %max3A_127 = arith.maximumf %max3A_110, %max3A_111 : vector<16xf32>
        %sort3A_128 = arith.constant dense<true> : vector<16xi1>
        %sort3A_129, %sort3A_130, %sort3A_131 = tpu.sort %max3A_127, %max3A_127 masked %sort3A_128 : (vector<16xf32>, vector<16xf32>, vector<16xi1>) -> (vector<16xi1>, vector<16xf32>, vector<16xf32>)
        %sort3A_132 = arith.constant dense<true> : vector<16xi1>
        %sort3A_133, %sort3A_134, %sort3A_135 = tpu.sort %get3A_46, %get3A_46 masked %sort3A_132 : (vector<16xf32>, vector<16xf32>, vector<16xi1>) -> (vector<16xi1>, vector<16xf32>, vector<16xf32>)
        %sort3A_136 = arith.constant dense<true> : vector<16xi1>
        %sort3A_137, %sort3A_138, %sort3A_139 = tpu.sort %get3A_49, %get3A_49 masked %sort3A_136 : (vector<16xf32>, vector<16xf32>, vector<16xi1>) -> (vector<16xi1>, vector<16xf32>, vector<16xf32>)
        %sort3A_140 = arith.constant dense<true> : vector<16xi1>
        %sort3A_141, %sort3A_142, %sort3A_143 = tpu.sort %get3A_52, %get3A_52 masked %sort3A_140 : (vector<16xf32>, vector<16xf32>, vector<16xi1>) -> (vector<16xi1>, vector<16xf32>, vector<16xf32>)
        %sort3A_144 = arith.constant dense<true> : vector<16xi1>
        %sort3A_145, %sort3A_146, %sort3A_147 = tpu.sort %get3A_55, %get3A_55 masked %sort3A_144 : (vector<16xf32>, vector<16xf32>, vector<16xi1>) -> (vector<16xi1>, vector<16xf32>, vector<16xf32>)
        %rev3A_148 = arith.constant 15 : i32
        %rev3A_149 = vector.broadcast %rev3A_148 : i32 to vector<16xi32>
        %rev3A_150 = tpu.iota {dimensions = array<i32: 0>} : vector<16xi32>
        %rev3A_151 = arith.subi %rev3A_149, %rev3A_150 : vector<16xi32>
        %rev3A_152 = tpu.dynamic_gather %sort3A_138[%rev3A_151] in [0] : vector<16xf32>, vector<16xi32> -> vector<16xf32>
        %min3A_153 = arith.minimumf %sort3A_134, %rev3A_152 : vector<16xf32>
        %sort3A_154 = arith.constant dense<true> : vector<16xi1>
        %sort3A_155, %sort3A_156, %sort3A_157 = tpu.sort %min3A_153, %min3A_153 masked %sort3A_154 : (vector<16xf32>, vector<16xf32>, vector<16xi1>) -> (vector<16xi1>, vector<16xf32>, vector<16xf32>)
        %max3A_158 = arith.maximumf %sort3A_134, %rev3A_152 : vector<16xf32>
        %sort3A_159 = arith.constant dense<true> : vector<16xi1>
        %sort3A_160, %sort3A_161, %sort3A_162 = tpu.sort %max3A_158, %max3A_158 masked %sort3A_159 : (vector<16xf32>, vector<16xf32>, vector<16xi1>) -> (vector<16xi1>, vector<16xf32>, vector<16xf32>)
        %rev3A_163 = arith.constant 15 : i32
        %rev3A_164 = vector.broadcast %rev3A_163 : i32 to vector<16xi32>
        %rev3A_165 = tpu.iota {dimensions = array<i32: 0>} : vector<16xi32>
        %rev3A_166 = arith.subi %rev3A_164, %rev3A_165 : vector<16xi32>
        %rev3A_167 = tpu.dynamic_gather %sort3A_146[%rev3A_166] in [0] : vector<16xf32>, vector<16xi32> -> vector<16xf32>
        %min3A_168 = arith.minimumf %sort3A_142, %rev3A_167 : vector<16xf32>
        %sort3A_169 = arith.constant dense<true> : vector<16xi1>
        %sort3A_170, %sort3A_171, %sort3A_172 = tpu.sort %min3A_168, %min3A_168 masked %sort3A_169 : (vector<16xf32>, vector<16xf32>, vector<16xi1>) -> (vector<16xi1>, vector<16xf32>, vector<16xf32>)
        %max3A_173 = arith.maximumf %sort3A_142, %rev3A_167 : vector<16xf32>
        %sort3A_174 = arith.constant dense<true> : vector<16xi1>
        %sort3A_175, %sort3A_176, %sort3A_177 = tpu.sort %max3A_173, %max3A_173 masked %sort3A_174 : (vector<16xf32>, vector<16xf32>, vector<16xi1>) -> (vector<16xi1>, vector<16xf32>, vector<16xf32>)
        %rev3A_178 = arith.constant 15 : i32
        %rev3A_179 = vector.broadcast %rev3A_178 : i32 to vector<16xi32>
        %rev3A_180 = tpu.iota {dimensions = array<i32: 0>} : vector<16xi32>
        %rev3A_181 = arith.subi %rev3A_179, %rev3A_180 : vector<16xi32>
        %rev3A_182 = tpu.dynamic_gather %sort3A_176[%rev3A_181] in [0] : vector<16xf32>, vector<16xi32> -> vector<16xf32>
        %rev3A_183 = arith.constant 15 : i32
        %rev3A_184 = vector.broadcast %rev3A_183 : i32 to vector<16xi32>
        %rev3A_185 = tpu.iota {dimensions = array<i32: 0>} : vector<16xi32>
        %rev3A_186 = arith.subi %rev3A_184, %rev3A_185 : vector<16xi32>
        %rev3A_187 = tpu.dynamic_gather %sort3A_171[%rev3A_186] in [0] : vector<16xf32>, vector<16xi32> -> vector<16xf32>
        %min3A_188 = arith.minimumf %sort3A_156, %rev3A_182 : vector<16xf32>
        %min3A_189 = arith.minimumf %sort3A_161, %rev3A_187 : vector<16xf32>
        %max3A_190 = arith.maximumf %sort3A_156, %rev3A_182 : vector<16xf32>
        %max3A_191 = arith.maximumf %sort3A_161, %rev3A_187 : vector<16xf32>
        %min3A_192 = arith.minimumf %min3A_188, %min3A_189 : vector<16xf32>
        %sort3A_193 = arith.constant dense<true> : vector<16xi1>
        %sort3A_194, %sort3A_195, %sort3A_196 = tpu.sort %min3A_192, %min3A_192 masked %sort3A_193 : (vector<16xf32>, vector<16xf32>, vector<16xi1>) -> (vector<16xi1>, vector<16xf32>, vector<16xf32>)
        %max3A_197 = arith.maximumf %min3A_188, %min3A_189 : vector<16xf32>
        %sort3A_198 = arith.constant dense<true> : vector<16xi1>
        %sort3A_199, %sort3A_200, %sort3A_201 = tpu.sort %max3A_197, %max3A_197 masked %sort3A_198 : (vector<16xf32>, vector<16xf32>, vector<16xi1>) -> (vector<16xi1>, vector<16xf32>, vector<16xf32>)
        %min3A_202 = arith.minimumf %max3A_190, %max3A_191 : vector<16xf32>
        %sort3A_203 = arith.constant dense<true> : vector<16xi1>
        %sort3A_204, %sort3A_205, %sort3A_206 = tpu.sort %min3A_202, %min3A_202 masked %sort3A_203 : (vector<16xf32>, vector<16xf32>, vector<16xi1>) -> (vector<16xi1>, vector<16xf32>, vector<16xf32>)
        %max3A_207 = arith.maximumf %max3A_190, %max3A_191 : vector<16xf32>
        %sort3A_208 = arith.constant dense<true> : vector<16xi1>
        %sort3A_209, %sort3A_210, %sort3A_211 = tpu.sort %max3A_207, %max3A_207 masked %sort3A_208 : (vector<16xf32>, vector<16xf32>, vector<16xi1>) -> (vector<16xi1>, vector<16xf32>, vector<16xf32>)
        %rev3A_212 = arith.constant 15 : i32
        %rev3A_213 = vector.broadcast %rev3A_212 : i32 to vector<16xi32>
        %rev3A_214 = tpu.iota {dimensions = array<i32: 0>} : vector<16xi32>
        %rev3A_215 = arith.subi %rev3A_213, %rev3A_214 : vector<16xi32>
        %rev3A_216 = tpu.dynamic_gather %sort3A_210[%rev3A_215] in [0] : vector<16xf32>, vector<16xi32> -> vector<16xf32>
        %rev3A_217 = arith.constant 15 : i32
        %rev3A_218 = vector.broadcast %rev3A_217 : i32 to vector<16xi32>
        %rev3A_219 = tpu.iota {dimensions = array<i32: 0>} : vector<16xi32>
        %rev3A_220 = arith.subi %rev3A_218, %rev3A_219 : vector<16xi32>
        %rev3A_221 = tpu.dynamic_gather %sort3A_205[%rev3A_220] in [0] : vector<16xf32>, vector<16xi32> -> vector<16xf32>
        %rev3A_222 = arith.constant 15 : i32
        %rev3A_223 = vector.broadcast %rev3A_222 : i32 to vector<16xi32>
        %rev3A_224 = tpu.iota {dimensions = array<i32: 0>} : vector<16xi32>
        %rev3A_225 = arith.subi %rev3A_223, %rev3A_224 : vector<16xi32>
        %rev3A_226 = tpu.dynamic_gather %sort3A_200[%rev3A_225] in [0] : vector<16xf32>, vector<16xi32> -> vector<16xf32>
        %rev3A_227 = arith.constant 15 : i32
        %rev3A_228 = vector.broadcast %rev3A_227 : i32 to vector<16xi32>
        %rev3A_229 = tpu.iota {dimensions = array<i32: 0>} : vector<16xi32>
        %rev3A_230 = arith.subi %rev3A_228, %rev3A_229 : vector<16xi32>
        %rev3A_231 = tpu.dynamic_gather %sort3A_195[%rev3A_230] in [0] : vector<16xf32>, vector<16xi32> -> vector<16xf32>
        %max3A_232 = arith.maximumf %sort3A_115, %rev3A_216 : vector<16xf32>
        %max3A_233 = arith.maximumf %sort3A_120, %rev3A_221 : vector<16xf32>
        %max3A_234 = arith.maximumf %sort3A_125, %rev3A_226 : vector<16xf32>
        %max3A_235 = arith.maximumf %sort3A_130, %rev3A_231 : vector<16xf32>
        %min3A_236 = arith.minimumf %max3A_232, %max3A_233 : vector<16xf32>
        %min3A_237 = arith.minimumf %max3A_234, %max3A_235 : vector<16xf32>
        %min3A_238 = arith.minimumf %min3A_236, %min3A_237 : vector<16xf32>
        %reduce_min3A = arith.constant true
        %reduce_min3A_239 = vector.broadcast %reduce_min3A : i1 to vector<16xi1>
        %reduce_min3A_240 = tpu.scan <min>, %min3A_238 masked %reduce_min3A_239 : vector<16xf32>, vector<16xi1> -> vector<16xf32>
        %reduce_min3A_241 = vector.extract %reduce_min3A_240[15] : f32 from vector<16xf32>
        %eq3A = vector.broadcast %scan3A_28 : i32 to vector<16xi32>
        %eq3A_242 = arith.cmpi eq, %iota3A, %eq3A : vector<16xi32>
        %broadcast_in_dim3A_243 = vector.broadcast %reduce_min3A_241 : f32 to vector<16xf32>
        %select_n3A = arith.select %eq3A_242, %broadcast_in_dim3A_243, %scan3A_29 : vector<16xi1>, vector<16xf32>
        scf.yield %select_n3A : vector<16xf32>
      }
      %scan3A_21 = arith.constant 16 : i32
      %mul3A_22 = arith.constant 512 : i32
      %mul3A_23 = arith.muli %scan3A_3, %mul3A_22 : i32
      %mul3A_24 = arith.constant 16 : i32
      %mul3A_25 = arith.muli %scan3A_14, %mul3A_24 : i32
      %add3A_26 = arith.addi %mul3A_23, %mul3A_25 : i32
      %swap3A = arith.index_cast %add3A_26 : i32 to index
      %swap3A_27 = tpu.vector_load %arg5[%swap3A] {strides = array<i32>} : memref<512xf32, #tpu.memory_space<vmem>>, vector<16xf32>,
      tpu.vector_store %arg5[%swap3A], %scan3A_20 {strides = array<i32>} : memref<512xf32, #tpu.memory_space<vmem>>, vector<16xf32>,
    }
    %scan3A_12 = arith.constant 32 : i32
    %scan3A_13 = arith.constant 1 : i32
    "tpu.region"() ({
      %run_scoped3A = tpu.sem_alloc : memref<!tpu.dma_semaphore, #tpu.memory_space<semaphore_mem>>
      %dma_start3A = tpu.memref_slice %arg3[%mul3A_2] : memref<16384xf32, #tpu.memory_space<hbm>> -> memref<512xf32, #tpu.memory_space<hbm>>
      %dma_start3A_14 = tpu.memref_slice %arg3[%mul3A_2] : memref<16384xf32, #tpu.memory_space<hbm>> -> memref<512xf32, #tpu.memory_space<hbm>>
      tpu.enqueue_dma source(%arg5 : memref<512xf32, #tpu.memory_space<vmem>>) target(%dma_start3A_14 : memref<512xf32, #tpu.memory_space<hbm>>) target_semaphore(%run_scoped3A : memref<!tpu.dma_semaphore, #tpu.memory_space<semaphore_mem>>)
      %dma_wait3A = tpu.memref_slice %arg3[%mul3A_2] : memref<16384xf32, #tpu.memory_space<hbm>> -> memref<512xf32, #tpu.memory_space<hbm>>
      %dma_wait3A_15 = tpu.memref_slice %arg3[%mul3A_2] : memref<16384xf32, #tpu.memory_space<hbm>> -> memref<512xf32, #tpu.memory_space<hbm>>
      tpu.wait_dma2 semaphore(%run_scoped3A : memref<!tpu.dma_semaphore, #tpu.memory_space<semaphore_mem>>) src(%arg5 : memref<512xf32, #tpu.memory_space<vmem>>) dst(%dma_wait3A_15 : memref<512xf32, #tpu.memory_space<hbm>>)
      tpu.yield
    }) : () -> ()
    return
  }
}

#map = affine_map<(d0, d1) -> (0, 0)>
#map1 = affine_map<(d0, d1) -> (0)>
module attributes {stable_mosaic.version = 14 : i64} {
  func.func @_sc_thresholds_body(%arg0: i32, %arg1: i32, %arg2: memref<16384x128xf32, #tpu.memory_space<hbm>>, %arg3: memref<16384xf32, #tpu.memory_space<hbm>>, %arg4: memref<512x128xf32, #tpu.memory_space<vmem>>, %arg5: memref<512xf32, #tpu.memory_space<vmem>>) attributes {dimension_semantics = [#tpu.dimension_semantics<core_parallel>, #tpu.dimension_semantics<subcore_parallel>], iteration_bounds = array<i64: 2, 16>, scalar_prefetch = 0 : i64, scratch_operands = 2 : i64, tpu.core_type = #tpu.core_type<sc_vector_subcore>, window_params = [{transform_indices = #map}, {transform_indices = #map1}]} {
    %mul3A = arith.constant 2 : i32
    %mul3A_0 = arith.muli %arg1, %mul3A : i32
    %add3A = arith.addi %mul3A_0, %arg0 : i32
    %mul3A_1 = arith.constant 512 : i32
    %mul3A_2 = arith.muli %add3A, %mul3A_1 : i32
    %iota3A = tpu.iota {dimensions = array<i32: 0>} : vector<16xi32>
    %scan3A = arith.constant 0 : i32
    %scan3A_3 = arith.constant 0 : i32
    %mul3A_4 = arith.constant 512 : i32
    %mul3A_5 = arith.muli %scan3A_3, %mul3A_4 : i32
    %add3A_6 = arith.addi %mul3A_2, %mul3A_5 : i32
    "tpu.region"() ({
      %run_scoped3A = tpu.sem_alloc : memref<!tpu.dma_semaphore, #tpu.memory_space<semaphore_mem>>
      %dma_start3A = arith.constant 0 : i32
      %dma_start3A_14 = tpu.memref_slice %arg2[%add3A_6, %dma_start3A] : memref<16384x128xf32, #tpu.memory_space<hbm>> -> memref<512x128xf32, #tpu.memory_space<hbm>>
      %dma_start3A_15 = arith.constant 0 : i32
      %dma_start3A_16 = tpu.memref_slice %arg2[%add3A_6, %dma_start3A_15] : memref<16384x128xf32, #tpu.memory_space<hbm>> -> memref<512x128xf32, #tpu.memory_space<hbm>>
      tpu.enqueue_dma source(%dma_start3A_16 : memref<512x128xf32, #tpu.memory_space<hbm>>) target(%arg4 : memref<512x128xf32, #tpu.memory_space<vmem>>) target_semaphore(%run_scoped3A : memref<!tpu.dma_semaphore, #tpu.memory_space<semaphore_mem>>)
      %dma_wait3A = arith.constant 0 : i32
      %dma_wait3A_17 = tpu.memref_slice %arg2[%add3A_6, %dma_wait3A] : memref<16384x128xf32, #tpu.memory_space<hbm>> -> memref<512x128xf32, #tpu.memory_space<hbm>>
      %dma_wait3A_18 = arith.constant 0 : i32
      %dma_wait3A_19 = tpu.memref_slice %arg2[%add3A_6, %dma_wait3A_18] : memref<16384x128xf32, #tpu.memory_space<hbm>> -> memref<512x128xf32, #tpu.memory_space<hbm>>
      tpu.wait_dma2 semaphore(%run_scoped3A : memref<!tpu.dma_semaphore, #tpu.memory_space<semaphore_mem>>) src(%dma_wait3A_19 : memref<512x128xf32, #tpu.memory_space<hbm>>) dst(%arg4 : memref<512x128xf32, #tpu.memory_space<vmem>>)
      tpu.yield
    }) : () -> ()
    %scan3A_7 = arith.constant 0 : i32
    %scan3A_8 = arith.constant 0 : i32
    %scan3A_9 = arith.constant 32 : i32
    %scan3A_10 = arith.addi %scan3A_8, %scan3A_9 : i32
    %scan3A_11 = arith.constant 1 : i32
    scf.for %scan3A_14 = %scan3A_8 to %scan3A_10 step %scan3A_11  : i32 {
      %broadcast_in_dim3A = arith.constant 0.000000e+00 : f32
      %broadcast_in_dim3A_15 = vector.broadcast %broadcast_in_dim3A : f32 to vector<16xf32>
      %scan3A_16 = arith.constant 0 : i32
      %scan3A_17 = arith.constant 16 : i32
      %scan3A_18 = arith.addi %scan3A_16, %scan3A_17 : i32
      %scan3A_19 = arith.constant 1 : i32
      %scan3A_20 = scf.for %scan3A_28 = %scan3A_16 to %scan3A_18 step %scan3A_19 iter_args(%scan3A_29 = %broadcast_in_dim3A_15) -> (vector<16xf32>)  : i32 {
        %mul3A_30 = arith.constant 16 : i32
        %mul3A_31 = arith.muli %scan3A_14, %mul3A_30 : i32
        %add3A_32 = arith.addi %mul3A_31, %scan3A_28 : i32
        %get3A = arith.index_cast %add3A_32 : i32 to index
        %get3A_33 = arith.constant 0 : index
        %get3A_34 = tpu.vector_load %arg4[%get3A, %get3A_33] {strides = array<i32>} : memref<512x128xf32, #tpu.memory_space<vmem>>, vector<16xf32>,
        %get3A_35 = arith.index_cast %add3A_32 : i32 to index
        %get3A_36 = arith.constant 16 : index
        %get3A_37 = tpu.vector_load %arg4[%get3A_35, %get3A_36] {strides = array<i32>} : memref<512x128xf32, #tpu.memory_space<vmem>>, vector<16xf32>,
        %get3A_38 = arith.index_cast %add3A_32 : i32 to index
        %get3A_39 = arith.constant 32 : index
        %get3A_40 = tpu.vector_load %arg4[%get3A_38, %get3A_39] {strides = array<i32>} : memref<512x128xf32, #tpu.memory_space<vmem>>, vector<16xf32>,
        %get3A_41 = arith.index_cast %add3A_32 : i32 to index
        %get3A_42 = arith.constant 48 : index
        %get3A_43 = tpu.vector_load %arg4[%get3A_41, %get3A_42] {strides = array<i32>} : memref<512x128xf32, #tpu.memory_space<vmem>>, vector<16xf32>,
        %get3A_44 = arith.index_cast %add3A_32 : i32 to index
        %get3A_45 = arith.constant 64 : index
        %get3A_46 = tpu.vector_load %arg4[%get3A_44, %get3A_45] {strides = array<i32>} : memref<512x128xf32, #tpu.memory_space<vmem>>, vector<16xf32>,
        %get3A_47 = arith.index_cast %add3A_32 : i32 to index
        %get3A_48 = arith.constant 80 : index
        %get3A_49 = tpu.vector_load %arg4[%get3A_47, %get3A_48] {strides = array<i32>} : memref<512x128xf32, #tpu.memory_space<vmem>>, vector<16xf32>,
        %get3A_50 = arith.index_cast %add3A_32 : i32 to index
        %get3A_51 = arith.constant 96 : index
        %get3A_52 = tpu.vector_load %arg4[%get3A_50, %get3A_51] {strides = array<i32>} : memref<512x128xf32, #tpu.memory_space<vmem>>, vector<16xf32>,
        %get3A_53 = arith.index_cast %add3A_32 : i32 to index
        %get3A_54 = arith.constant 112 : index
        %get3A_55 = tpu.vector_load %arg4[%get3A_53, %get3A_54] {strides = array<i32>} : memref<512x128xf32, #tpu.memory_space<vmem>>, vector<16xf32>,
        %sort3A = arith.constant dense<true> : vector<16xi1>
        %sort3A_56, %sort3A_57, %sort3A_58 = tpu.sort %get3A_34, %get3A_34 masked %sort3A : (vector<16xf32>, vector<16xf32>, vector<16xi1>) -> (vector<16xi1>, vector<16xf32>, vector<16xf32>)
        %sort3A_59 = arith.constant dense<true> : vector<16xi1>
        %sort3A_60, %sort3A_61, %sort3A_62 = tpu.sort %get3A_37, %get3A_37 masked %sort3A_59 : (vector<16xf32>, vector<16xf32>, vector<16xi1>) -> (vector<16xi1>, vector<16xf32>, vector<16xf32>)
        %sort3A_63 = arith.constant dense<true> : vector<16xi1>
        %sort3A_64, %sort3A_65, %sort3A_66 = tpu.sort %get3A_40, %get3A_40 masked %sort3A_63 : (vector<16xf32>, vector<16xf32>, vector<16xi1>) -> (vector<16xi1>, vector<16xf32>, vector<16xf32>)
        %sort3A_67 = arith.constant dense<true> : vector<16xi1>
        %sort3A_68, %sort3A_69, %sort3A_70 = tpu.sort %get3A_43, %get3A_43 masked %sort3A_67 : (vector<16xf32>, vector<16xf32>, vector<16xi1>) -> (vector<16xi1>, vector<16xf32>, vector<16xf32>)
        %rev3A = arith.constant 15 : i32
        %rev3A_71 = vector.broadcast %rev3A : i32 to vector<16xi32>
        %rev3A_72 = tpu.iota {dimensions = array<i32: 0>} : vector<16xi32>
        %rev3A_73 = arith.subi %rev3A_71, %rev3A_72 : vector<16xi32>
        %rev3A_74 = tpu.dynamic_gather %sort3A_61[%rev3A_73] in [0] : vector<16xf32>, vector<16xi32> -> vector<16xf32>
        %min3A = arith.minimumf %sort3A_57, %rev3A_74 : vector<16xf32>
        %sort3A_75 = arith.constant dense<true> : vector<16xi1>
        %sort3A_76, %sort3A_77, %sort3A_78 = tpu.sort %min3A, %min3A masked %sort3A_75 : (vector<16xf32>, vector<16xf32>, vector<16xi1>) -> (vector<16xi1>, vector<16xf32>, vector<16xf32>)
        %max3A = arith.maximumf %sort3A_57, %rev3A_74 : vector<16xf32>
        %sort3A_79 = arith.constant dense<true> : vector<16xi1>
        %sort3A_80, %sort3A_81, %sort3A_82 = tpu.sort %max3A, %max3A masked %sort3A_79 : (vector<16xf32>, vector<16xf32>, vector<16xi1>) -> (vector<16xi1>, vector<16xf32>, vector<16xf32>)
        %rev3A_83 = arith.constant 15 : i32
        %rev3A_84 = vector.broadcast %rev3A_83 : i32 to vector<16xi32>
        %rev3A_85 = tpu.iota {dimensions = array<i32: 0>} : vector<16xi32>
        %rev3A_86 = arith.subi %rev3A_84, %rev3A_85 : vector<16xi32>
        %rev3A_87 = tpu.dynamic_gather %sort3A_69[%rev3A_86] in [0] : vector<16xf32>, vector<16xi32> -> vector<16xf32>
        %min3A_88 = arith.minimumf %sort3A_65, %rev3A_87 : vector<16xf32>
        %sort3A_89 = arith.constant dense<true> : vector<16xi1>
        %sort3A_90, %sort3A_91, %sort3A_92 = tpu.sort %min3A_88, %min3A_88 masked %sort3A_89 : (vector<16xf32>, vector<16xf32>, vector<16xi1>) -> (vector<16xi1>, vector<16xf32>, vector<16xf32>)
        %max3A_93 = arith.maximumf %sort3A_65, %rev3A_87 : vector<16xf32>
        %sort3A_94 = arith.constant dense<true> : vector<16xi1>
        %sort3A_95, %sort3A_96, %sort3A_97 = tpu.sort %max3A_93, %max3A_93 masked %sort3A_94 : (vector<16xf32>, vector<16xf32>, vector<16xi1>) -> (vector<16xi1>, vector<16xf32>, vector<16xf32>)
        %rev3A_98 = arith.constant 15 : i32
        %rev3A_99 = vector.broadcast %rev3A_98 : i32 to vector<16xi32>
        %rev3A_100 = tpu.iota {dimensions = array<i32: 0>} : vector<16xi32>
        %rev3A_101 = arith.subi %rev3A_99, %rev3A_100 : vector<16xi32>
        %rev3A_102 = tpu.dynamic_gather %sort3A_96[%rev3A_101] in [0] : vector<16xf32>, vector<16xi32> -> vector<16xf32>
        %rev3A_103 = arith.constant 15 : i32
        %rev3A_104 = vector.broadcast %rev3A_103 : i32 to vector<16xi32>
        %rev3A_105 = tpu.iota {dimensions = array<i32: 0>} : vector<16xi32>
        %rev3A_106 = arith.subi %rev3A_104, %rev3A_105 : vector<16xi32>
        %rev3A_107 = tpu.dynamic_gather %sort3A_91[%rev3A_106] in [0] : vector<16xf32>, vector<16xi32> -> vector<16xf32>
        %min3A_108 = arith.minimumf %sort3A_77, %rev3A_102 : vector<16xf32>
        %min3A_109 = arith.minimumf %sort3A_81, %rev3A_107 : vector<16xf32>
        %max3A_110 = arith.maximumf %sort3A_77, %rev3A_102 : vector<16xf32>
        %max3A_111 = arith.maximumf %sort3A_81, %rev3A_107 : vector<16xf32>
        %min3A_112 = arith.minimumf %min3A_108, %min3A_109 : vector<16xf32>
        %sort3A_113 = arith.constant dense<true> : vector<16xi1>
        %sort3A_114, %sort3A_115, %sort3A_116 = tpu.sort %min3A_112, %min3A_112 masked %sort3A_113 : (vector<16xf32>, vector<16xf32>, vector<16xi1>) -> (vector<16xi1>, vector<16xf32>, vector<16xf32>)
        %max3A_117 = arith.maximumf %min3A_108, %min3A_109 : vector<16xf32>
        %sort3A_118 = arith.constant dense<true> : vector<16xi1>
        %sort3A_119, %sort3A_120, %sort3A_121 = tpu.sort %max3A_117, %max3A_117 masked %sort3A_118 : (vector<16xf32>, vector<16xf32>, vector<16xi1>) -> (vector<16xi1>, vector<16xf32>, vector<16xf32>)
        %min3A_122 = arith.minimumf %max3A_110, %max3A_111 : vector<16xf32>
        %sort3A_123 = arith.constant dense<true> : vector<16xi1>
        %sort3A_124, %sort3A_125, %sort3A_126 = tpu.sort %min3A_122, %min3A_122 masked %sort3A_123 : (vector<16xf32>, vector<16xf32>, vector<16xi1>) -> (vector<16xi1>, vector<16xf32>, vector<16xf32>)
        %max3A_127 = arith.maximumf %max3A_110, %max3A_111 : vector<16xf32>
        %sort3A_128 = arith.constant dense<true> : vector<16xi1>
        %sort3A_129, %sort3A_130, %sort3A_131 = tpu.sort %max3A_127, %max3A_127 masked %sort3A_128 : (vector<16xf32>, vector<16xf32>, vector<16xi1>) -> (vector<16xi1>, vector<16xf32>, vector<16xf32>)
        %sort3A_132 = arith.constant dense<true> : vector<16xi1>
        %sort3A_133, %sort3A_134, %sort3A_135 = tpu.sort %get3A_46, %get3A_46 masked %sort3A_132 : (vector<16xf32>, vector<16xf32>, vector<16xi1>) -> (vector<16xi1>, vector<16xf32>, vector<16xf32>)
        %sort3A_136 = arith.constant dense<true> : vector<16xi1>
        %sort3A_137, %sort3A_138, %sort3A_139 = tpu.sort %get3A_49, %get3A_49 masked %sort3A_136 : (vector<16xf32>, vector<16xf32>, vector<16xi1>) -> (vector<16xi1>, vector<16xf32>, vector<16xf32>)
        %sort3A_140 = arith.constant dense<true> : vector<16xi1>
        %sort3A_141, %sort3A_142, %sort3A_143 = tpu.sort %get3A_52, %get3A_52 masked %sort3A_140 : (vector<16xf32>, vector<16xf32>, vector<16xi1>) -> (vector<16xi1>, vector<16xf32>, vector<16xf32>)
        %sort3A_144 = arith.constant dense<true> : vector<16xi1>
        %sort3A_145, %sort3A_146, %sort3A_147 = tpu.sort %get3A_55, %get3A_55 masked %sort3A_144 : (vector<16xf32>, vector<16xf32>, vector<16xi1>) -> (vector<16xi1>, vector<16xf32>, vector<16xf32>)
        %rev3A_148 = arith.constant 15 : i32
        %rev3A_149 = vector.broadcast %rev3A_148 : i32 to vector<16xi32>
        %rev3A_150 = tpu.iota {dimensions = array<i32: 0>} : vector<16xi32>
        %rev3A_151 = arith.subi %rev3A_149, %rev3A_150 : vector<16xi32>
        %rev3A_152 = tpu.dynamic_gather %sort3A_138[%rev3A_151] in [0] : vector<16xf32>, vector<16xi32> -> vector<16xf32>
        %min3A_153 = arith.minimumf %sort3A_134, %rev3A_152 : vector<16xf32>
        %sort3A_154 = arith.constant dense<true> : vector<16xi1>
        %sort3A_155, %sort3A_156, %sort3A_157 = tpu.sort %min3A_153, %min3A_153 masked %sort3A_154 : (vector<16xf32>, vector<16xf32>, vector<16xi1>) -> (vector<16xi1>, vector<16xf32>, vector<16xf32>)
        %max3A_158 = arith.maximumf %sort3A_134, %rev3A_152 : vector<16xf32>
        %sort3A_159 = arith.constant dense<true> : vector<16xi1>
        %sort3A_160, %sort3A_161, %sort3A_162 = tpu.sort %max3A_158, %max3A_158 masked %sort3A_159 : (vector<16xf32>, vector<16xf32>, vector<16xi1>) -> (vector<16xi1>, vector<16xf32>, vector<16xf32>)
        %rev3A_163 = arith.constant 15 : i32
        %rev3A_164 = vector.broadcast %rev3A_163 : i32 to vector<16xi32>
        %rev3A_165 = tpu.iota {dimensions = array<i32: 0>} : vector<16xi32>
        %rev3A_166 = arith.subi %rev3A_164, %rev3A_165 : vector<16xi32>
        %rev3A_167 = tpu.dynamic_gather %sort3A_146[%rev3A_166] in [0] : vector<16xf32>, vector<16xi32> -> vector<16xf32>
        %min3A_168 = arith.minimumf %sort3A_142, %rev3A_167 : vector<16xf32>
        %sort3A_169 = arith.constant dense<true> : vector<16xi1>
        %sort3A_170, %sort3A_171, %sort3A_172 = tpu.sort %min3A_168, %min3A_168 masked %sort3A_169 : (vector<16xf32>, vector<16xf32>, vector<16xi1>) -> (vector<16xi1>, vector<16xf32>, vector<16xf32>)
        %max3A_173 = arith.maximumf %sort3A_142, %rev3A_167 : vector<16xf32>
        %sort3A_174 = arith.constant dense<true> : vector<16xi1>
        %sort3A_175, %sort3A_176, %sort3A_177 = tpu.sort %max3A_173, %max3A_173 masked %sort3A_174 : (vector<16xf32>, vector<16xf32>, vector<16xi1>) -> (vector<16xi1>, vector<16xf32>, vector<16xf32>)
        %rev3A_178 = arith.constant 15 : i32
        %rev3A_179 = vector.broadcast %rev3A_178 : i32 to vector<16xi32>
        %rev3A_180 = tpu.iota {dimensions = array<i32: 0>} : vector<16xi32>
        %rev3A_181 = arith.subi %rev3A_179, %rev3A_180 : vector<16xi32>
        %rev3A_182 = tpu.dynamic_gather %sort3A_176[%rev3A_181] in [0] : vector<16xf32>, vector<16xi32> -> vector<16xf32>
        %rev3A_183 = arith.constant 15 : i32
        %rev3A_184 = vector.broadcast %rev3A_183 : i32 to vector<16xi32>
        %rev3A_185 = tpu.iota {dimensions = array<i32: 0>} : vector<16xi32>
        %rev3A_186 = arith.subi %rev3A_184, %rev3A_185 : vector<16xi32>
        %rev3A_187 = tpu.dynamic_gather %sort3A_171[%rev3A_186] in [0] : vector<16xf32>, vector<16xi32> -> vector<16xf32>
        %min3A_188 = arith.minimumf %sort3A_156, %rev3A_182 : vector<16xf32>
        %min3A_189 = arith.minimumf %sort3A_161, %rev3A_187 : vector<16xf32>
        %max3A_190 = arith.maximumf %sort3A_156, %rev3A_182 : vector<16xf32>
        %max3A_191 = arith.maximumf %sort3A_161, %rev3A_187 : vector<16xf32>
        %min3A_192 = arith.minimumf %min3A_188, %min3A_189 : vector<16xf32>
        %sort3A_193 = arith.constant dense<true> : vector<16xi1>
        %sort3A_194, %sort3A_195, %sort3A_196 = tpu.sort %min3A_192, %min3A_192 masked %sort3A_193 : (vector<16xf32>, vector<16xf32>, vector<16xi1>) -> (vector<16xi1>, vector<16xf32>, vector<16xf32>)
        %max3A_197 = arith.maximumf %min3A_188, %min3A_189 : vector<16xf32>
        %sort3A_198 = arith.constant dense<true> : vector<16xi1>
        %sort3A_199, %sort3A_200, %sort3A_201 = tpu.sort %max3A_197, %max3A_197 masked %sort3A_198 : (vector<16xf32>, vector<16xf32>, vector<16xi1>) -> (vector<16xi1>, vector<16xf32>, vector<16xf32>)
        %min3A_202 = arith.minimumf %max3A_190, %max3A_191 : vector<16xf32>
        %sort3A_203 = arith.constant dense<true> : vector<16xi1>
        %sort3A_204, %sort3A_205, %sort3A_206 = tpu.sort %min3A_202, %min3A_202 masked %sort3A_203 : (vector<16xf32>, vector<16xf32>, vector<16xi1>) -> (vector<16xi1>, vector<16xf32>, vector<16xf32>)
        %max3A_207 = arith.maximumf %max3A_190, %max3A_191 : vector<16xf32>
        %sort3A_208 = arith.constant dense<true> : vector<16xi1>
        %sort3A_209, %sort3A_210, %sort3A_211 = tpu.sort %max3A_207, %max3A_207 masked %sort3A_208 : (vector<16xf32>, vector<16xf32>, vector<16xi1>) -> (vector<16xi1>, vector<16xf32>, vector<16xf32>)
        %rev3A_212 = arith.constant 15 : i32
        %rev3A_213 = vector.broadcast %rev3A_212 : i32 to vector<16xi32>
        %rev3A_214 = tpu.iota {dimensions = array<i32: 0>} : vector<16xi32>
        %rev3A_215 = arith.subi %rev3A_213, %rev3A_214 : vector<16xi32>
        %rev3A_216 = tpu.dynamic_gather %sort3A_210[%rev3A_215] in [0] : vector<16xf32>, vector<16xi32> -> vector<16xf32>
        %rev3A_217 = arith.constant 15 : i32
        %rev3A_218 = vector.broadcast %rev3A_217 : i32 to vector<16xi32>
        %rev3A_219 = tpu.iota {dimensions = array<i32: 0>} : vector<16xi32>
        %rev3A_220 = arith.subi %rev3A_218, %rev3A_219 : vector<16xi32>
        %rev3A_221 = tpu.dynamic_gather %sort3A_205[%rev3A_220] in [0] : vector<16xf32>, vector<16xi32> -> vector<16xf32>
        %rev3A_222 = arith.constant 15 : i32
        %rev3A_223 = vector.broadcast %rev3A_222 : i32 to vector<16xi32>
        %rev3A_224 = tpu.iota {dimensions = array<i32: 0>} : vector<16xi32>
        %rev3A_225 = arith.subi %rev3A_223, %rev3A_224 : vector<16xi32>
        %rev3A_226 = tpu.dynamic_gather %sort3A_200[%rev3A_225] in [0] : vector<16xf32>, vector<16xi32> -> vector<16xf32>
        %rev3A_227 = arith.constant 15 : i32
        %rev3A_228 = vector.broadcast %rev3A_227 : i32 to vector<16xi32>
        %rev3A_229 = tpu.iota {dimensions = array<i32: 0>} : vector<16xi32>
        %rev3A_230 = arith.subi %rev3A_228, %rev3A_229 : vector<16xi32>
        %rev3A_231 = tpu.dynamic_gather %sort3A_195[%rev3A_230] in [0] : vector<16xf32>, vector<16xi32> -> vector<16xf32>
        %max3A_232 = arith.maximumf %sort3A_115, %rev3A_216 : vector<16xf32>
        %max3A_233 = arith.maximumf %sort3A_120, %rev3A_221 : vector<16xf32>
        %max3A_234 = arith.maximumf %sort3A_125, %rev3A_226 : vector<16xf32>
        %max3A_235 = arith.maximumf %sort3A_130, %rev3A_231 : vector<16xf32>
        %min3A_236 = arith.minimumf %max3A_232, %max3A_233 : vector<16xf32>
        %min3A_237 = arith.minimumf %max3A_234, %max3A_235 : vector<16xf32>
        %min3A_238 = arith.minimumf %min3A_236, %min3A_237 : vector<16xf32>
        %reduce_min3A = arith.constant true
        %reduce_min3A_239 = vector.broadcast %reduce_min3A : i1 to vector<16xi1>
        %reduce_min3A_240 = tpu.scan <min>, %min3A_238 masked %reduce_min3A_239 : vector<16xf32>, vector<16xi1> -> vector<16xf32>
        %reduce_min3A_241 = vector.extract %reduce_min3A_240[15] : f32 from vector<16xf32>
        %eq3A = vector.broadcast %scan3A_28 : i32 to vector<16xi32>
        %eq3A_242 = arith.cmpi eq, %iota3A, %eq3A : vector<16xi32>
        %broadcast_in_dim3A_243 = vector.broadcast %reduce_min3A_241 : f32 to vector<16xf32>
        %select_n3A = arith.select %eq3A_242, %broadcast_in_dim3A_243, %scan3A_29 : vector<16xi1>, vector<16xf32>
        scf.yield %select_n3A : vector<16xf32>
      }
      %scan3A_21 = arith.constant 16 : i32
      %mul3A_22 = arith.constant 512 : i32
      %mul3A_23 = arith.muli %scan3A_3, %mul3A_22 : i32
      %mul3A_24 = arith.constant 16 : i32
      %mul3A_25 = arith.muli %scan3A_14, %mul3A_24 : i32
      %add3A_26 = arith.addi %mul3A_23, %mul3A_25 : i32
      %swap3A = arith.index_cast %add3A_26 : i32 to index
      %swap3A_27 = tpu.vector_load %arg5[%swap3A] {strides = array<i32>} : memref<512xf32, #tpu.memory_space<vmem>>, vector<16xf32>,
      tpu.vector_store %arg5[%swap3A], %scan3A_20 {strides = array<i32>} : memref<512xf32, #tpu.memory_space<vmem>>, vector<16xf32>,
    }
    %scan3A_12 = arith.constant 32 : i32
    %scan3A_13 = arith.constant 1 : i32
    "tpu.region"() ({
      %run_scoped3A = tpu.sem_alloc : memref<!tpu.dma_semaphore, #tpu.memory_space<semaphore_mem>>
      %dma_start3A = tpu.memref_slice %arg3[%mul3A_2] : memref<16384xf32, #tpu.memory_space<hbm>> -> memref<512xf32, #tpu.memory_space<hbm>>
      %dma_start3A_14 = tpu.memref_slice %arg3[%mul3A_2] : memref<16384xf32, #tpu.memory_space<hbm>> -> memref<512xf32, #tpu.memory_space<hbm>>
      tpu.enqueue_dma source(%arg5 : memref<512xf32, #tpu.memory_space<vmem>>) target(%dma_start3A_14 : memref<512xf32, #tpu.memory_space<hbm>>) target_semaphore(%run_scoped3A : memref<!tpu.dma_semaphore, #tpu.memory_space<semaphore_mem>>)
      %dma_wait3A = tpu.memref_slice %arg3[%mul3A_2] : memref<16384xf32, #tpu.memory_space<hbm>> -> memref<512xf32, #tpu.memory_space<hbm>>
      %dma_wait3A_15 = tpu.memref_slice %arg3[%mul3A_2] : memref<16384xf32, #tpu.memory_space<hbm>> -> memref<512xf32, #tpu.memory_space<hbm>>
      tpu.wait_dma2 semaphore(%run_scoped3A : memref<!tpu.dma_semaphore, #tpu.memory_space<semaphore_mem>>) src(%arg5 : memref<512xf32, #tpu.memory_space<vmem>>) dst(%dma_wait3A_15 : memref<512xf32, #tpu.memory_space<hbm>>)
      tpu.yield
    }) : () -> ()
    return
  }
}

#map = affine_map<(d0, d1) -> (0, 0)>
#map1 = affine_map<(d0, d1) -> (0)>
module attributes {stable_mosaic.version = 14 : i64} {
  func.func @_sc_thresholds_body(%arg0: i32, %arg1: i32, %arg2: memref<16384x128xf32, #tpu.memory_space<hbm>>, %arg3: memref<16384xf32, #tpu.memory_space<hbm>>, %arg4: memref<512x128xf32, #tpu.memory_space<vmem>>, %arg5: memref<512xf32, #tpu.memory_space<vmem>>) attributes {dimension_semantics = [#tpu.dimension_semantics<core_parallel>, #tpu.dimension_semantics<subcore_parallel>], iteration_bounds = array<i64: 2, 16>, scalar_prefetch = 0 : i64, scratch_operands = 2 : i64, tpu.core_type = #tpu.core_type<sc_vector_subcore>, window_params = [{transform_indices = #map}, {transform_indices = #map1}]} {
    %mul3A = arith.constant 2 : i32
    %mul3A_0 = arith.muli %arg1, %mul3A : i32
    %add3A = arith.addi %mul3A_0, %arg0 : i32
    %mul3A_1 = arith.constant 512 : i32
    %mul3A_2 = arith.muli %add3A, %mul3A_1 : i32
    %iota3A = tpu.iota {dimensions = array<i32: 0>} : vector<16xi32>
    %scan3A = arith.constant 0 : i32
    %scan3A_3 = arith.constant 0 : i32
    %mul3A_4 = arith.constant 512 : i32
    %mul3A_5 = arith.muli %scan3A_3, %mul3A_4 : i32
    %add3A_6 = arith.addi %mul3A_2, %mul3A_5 : i32
    "tpu.region"() ({
      %run_scoped3A = tpu.sem_alloc : memref<!tpu.dma_semaphore, #tpu.memory_space<semaphore_mem>>
      %dma_start3A = arith.constant 0 : i32
      %dma_start3A_14 = tpu.memref_slice %arg2[%add3A_6, %dma_start3A] : memref<16384x128xf32, #tpu.memory_space<hbm>> -> memref<512x128xf32, #tpu.memory_space<hbm>>
      %dma_start3A_15 = arith.constant 0 : i32
      %dma_start3A_16 = tpu.memref_slice %arg2[%add3A_6, %dma_start3A_15] : memref<16384x128xf32, #tpu.memory_space<hbm>> -> memref<512x128xf32, #tpu.memory_space<hbm>>
      tpu.enqueue_dma source(%dma_start3A_16 : memref<512x128xf32, #tpu.memory_space<hbm>>) target(%arg4 : memref<512x128xf32, #tpu.memory_space<vmem>>) target_semaphore(%run_scoped3A : memref<!tpu.dma_semaphore, #tpu.memory_space<semaphore_mem>>)
      %dma_wait3A = arith.constant 0 : i32
      %dma_wait3A_17 = tpu.memref_slice %arg2[%add3A_6, %dma_wait3A] : memref<16384x128xf32, #tpu.memory_space<hbm>> -> memref<512x128xf32, #tpu.memory_space<hbm>>
      %dma_wait3A_18 = arith.constant 0 : i32
      %dma_wait3A_19 = tpu.memref_slice %arg2[%add3A_6, %dma_wait3A_18] : memref<16384x128xf32, #tpu.memory_space<hbm>> -> memref<512x128xf32, #tpu.memory_space<hbm>>
      tpu.wait_dma2 semaphore(%run_scoped3A : memref<!tpu.dma_semaphore, #tpu.memory_space<semaphore_mem>>) src(%dma_wait3A_19 : memref<512x128xf32, #tpu.memory_space<hbm>>) dst(%arg4 : memref<512x128xf32, #tpu.memory_space<vmem>>)
      tpu.yield
    }) : () -> ()
    %scan3A_7 = arith.constant 0 : i32
    %scan3A_8 = arith.constant 0 : i32
    %scan3A_9 = arith.constant 32 : i32
    %scan3A_10 = arith.addi %scan3A_8, %scan3A_9 : i32
    %scan3A_11 = arith.constant 1 : i32
    scf.for %scan3A_14 = %scan3A_8 to %scan3A_10 step %scan3A_11  : i32 {
      %broadcast_in_dim3A = arith.constant 0.000000e+00 : f32
      %broadcast_in_dim3A_15 = vector.broadcast %broadcast_in_dim3A : f32 to vector<16xf32>
      %scan3A_16 = arith.constant 0 : i32
      %scan3A_17 = arith.constant 16 : i32
      %scan3A_18 = arith.addi %scan3A_16, %scan3A_17 : i32
      %scan3A_19 = arith.constant 1 : i32
      %scan3A_20 = scf.for %scan3A_28 = %scan3A_16 to %scan3A_18 step %scan3A_19 iter_args(%scan3A_29 = %broadcast_in_dim3A_15) -> (vector<16xf32>)  : i32 {
        %mul3A_30 = arith.constant 16 : i32
        %mul3A_31 = arith.muli %scan3A_14, %mul3A_30 : i32
        %add3A_32 = arith.addi %mul3A_31, %scan3A_28 : i32
        %get3A = arith.index_cast %add3A_32 : i32 to index
        %get3A_33 = arith.constant 0 : index
        %get3A_34 = tpu.vector_load %arg4[%get3A, %get3A_33] {strides = array<i32>} : memref<512x128xf32, #tpu.memory_space<vmem>>, vector<16xf32>,
        %get3A_35 = arith.index_cast %add3A_32 : i32 to index
        %get3A_36 = arith.constant 16 : index
        %get3A_37 = tpu.vector_load %arg4[%get3A_35, %get3A_36] {strides = array<i32>} : memref<512x128xf32, #tpu.memory_space<vmem>>, vector<16xf32>,
        %get3A_38 = arith.index_cast %add3A_32 : i32 to index
        %get3A_39 = arith.constant 32 : index
        %get3A_40 = tpu.vector_load %arg4[%get3A_38, %get3A_39] {strides = array<i32>} : memref<512x128xf32, #tpu.memory_space<vmem>>, vector<16xf32>,
        %get3A_41 = arith.index_cast %add3A_32 : i32 to index
        %get3A_42 = arith.constant 48 : index
        %get3A_43 = tpu.vector_load %arg4[%get3A_41, %get3A_42] {strides = array<i32>} : memref<512x128xf32, #tpu.memory_space<vmem>>, vector<16xf32>,
        %get3A_44 = arith.index_cast %add3A_32 : i32 to index
        %get3A_45 = arith.constant 64 : index
        %get3A_46 = tpu.vector_load %arg4[%get3A_44, %get3A_45] {strides = array<i32>} : memref<512x128xf32, #tpu.memory_space<vmem>>, vector<16xf32>,
        %get3A_47 = arith.index_cast %add3A_32 : i32 to index
        %get3A_48 = arith.constant 80 : index
        %get3A_49 = tpu.vector_load %arg4[%get3A_47, %get3A_48] {strides = array<i32>} : memref<512x128xf32, #tpu.memory_space<vmem>>, vector<16xf32>,
        %get3A_50 = arith.index_cast %add3A_32 : i32 to index
        %get3A_51 = arith.constant 96 : index
        %get3A_52 = tpu.vector_load %arg4[%get3A_50, %get3A_51] {strides = array<i32>} : memref<512x128xf32, #tpu.memory_space<vmem>>, vector<16xf32>,
        %get3A_53 = arith.index_cast %add3A_32 : i32 to index
        %get3A_54 = arith.constant 112 : index
        %get3A_55 = tpu.vector_load %arg4[%get3A_53, %get3A_54] {strides = array<i32>} : memref<512x128xf32, #tpu.memory_space<vmem>>, vector<16xf32>,
        %sort3A = arith.constant dense<true> : vector<16xi1>
        %sort3A_56, %sort3A_57, %sort3A_58 = tpu.sort %get3A_34, %get3A_34 masked %sort3A : (vector<16xf32>, vector<16xf32>, vector<16xi1>) -> (vector<16xi1>, vector<16xf32>, vector<16xf32>)
        %sort3A_59 = arith.constant dense<true> : vector<16xi1>
        %sort3A_60, %sort3A_61, %sort3A_62 = tpu.sort %get3A_37, %get3A_37 masked %sort3A_59 : (vector<16xf32>, vector<16xf32>, vector<16xi1>) -> (vector<16xi1>, vector<16xf32>, vector<16xf32>)
        %sort3A_63 = arith.constant dense<true> : vector<16xi1>
        %sort3A_64, %sort3A_65, %sort3A_66 = tpu.sort %get3A_40, %get3A_40 masked %sort3A_63 : (vector<16xf32>, vector<16xf32>, vector<16xi1>) -> (vector<16xi1>, vector<16xf32>, vector<16xf32>)
        %sort3A_67 = arith.constant dense<true> : vector<16xi1>
        %sort3A_68, %sort3A_69, %sort3A_70 = tpu.sort %get3A_43, %get3A_43 masked %sort3A_67 : (vector<16xf32>, vector<16xf32>, vector<16xi1>) -> (vector<16xi1>, vector<16xf32>, vector<16xf32>)
        %rev3A = arith.constant 15 : i32
        %rev3A_71 = vector.broadcast %rev3A : i32 to vector<16xi32>
        %rev3A_72 = tpu.iota {dimensions = array<i32: 0>} : vector<16xi32>
        %rev3A_73 = arith.subi %rev3A_71, %rev3A_72 : vector<16xi32>
        %rev3A_74 = tpu.dynamic_gather %sort3A_61[%rev3A_73] in [0] : vector<16xf32>, vector<16xi32> -> vector<16xf32>
        %min3A = arith.minimumf %sort3A_57, %rev3A_74 : vector<16xf32>
        %sort3A_75 = arith.constant dense<true> : vector<16xi1>
        %sort3A_76, %sort3A_77, %sort3A_78 = tpu.sort %min3A, %min3A masked %sort3A_75 : (vector<16xf32>, vector<16xf32>, vector<16xi1>) -> (vector<16xi1>, vector<16xf32>, vector<16xf32>)
        %max3A = arith.maximumf %sort3A_57, %rev3A_74 : vector<16xf32>
        %sort3A_79 = arith.constant dense<true> : vector<16xi1>
        %sort3A_80, %sort3A_81, %sort3A_82 = tpu.sort %max3A, %max3A masked %sort3A_79 : (vector<16xf32>, vector<16xf32>, vector<16xi1>) -> (vector<16xi1>, vector<16xf32>, vector<16xf32>)
        %rev3A_83 = arith.constant 15 : i32
        %rev3A_84 = vector.broadcast %rev3A_83 : i32 to vector<16xi32>
        %rev3A_85 = tpu.iota {dimensions = array<i32: 0>} : vector<16xi32>
        %rev3A_86 = arith.subi %rev3A_84, %rev3A_85 : vector<16xi32>
        %rev3A_87 = tpu.dynamic_gather %sort3A_69[%rev3A_86] in [0] : vector<16xf32>, vector<16xi32> -> vector<16xf32>
        %min3A_88 = arith.minimumf %sort3A_65, %rev3A_87 : vector<16xf32>
        %sort3A_89 = arith.constant dense<true> : vector<16xi1>
        %sort3A_90, %sort3A_91, %sort3A_92 = tpu.sort %min3A_88, %min3A_88 masked %sort3A_89 : (vector<16xf32>, vector<16xf32>, vector<16xi1>) -> (vector<16xi1>, vector<16xf32>, vector<16xf32>)
        %max3A_93 = arith.maximumf %sort3A_65, %rev3A_87 : vector<16xf32>
        %sort3A_94 = arith.constant dense<true> : vector<16xi1>
        %sort3A_95, %sort3A_96, %sort3A_97 = tpu.sort %max3A_93, %max3A_93 masked %sort3A_94 : (vector<16xf32>, vector<16xf32>, vector<16xi1>) -> (vector<16xi1>, vector<16xf32>, vector<16xf32>)
        %rev3A_98 = arith.constant 15 : i32
        %rev3A_99 = vector.broadcast %rev3A_98 : i32 to vector<16xi32>
        %rev3A_100 = tpu.iota {dimensions = array<i32: 0>} : vector<16xi32>
        %rev3A_101 = arith.subi %rev3A_99, %rev3A_100 : vector<16xi32>
        %rev3A_102 = tpu.dynamic_gather %sort3A_96[%rev3A_101] in [0] : vector<16xf32>, vector<16xi32> -> vector<16xf32>
        %rev3A_103 = arith.constant 15 : i32
        %rev3A_104 = vector.broadcast %rev3A_103 : i32 to vector<16xi32>
        %rev3A_105 = tpu.iota {dimensions = array<i32: 0>} : vector<16xi32>
        %rev3A_106 = arith.subi %rev3A_104, %rev3A_105 : vector<16xi32>
        %rev3A_107 = tpu.dynamic_gather %sort3A_91[%rev3A_106] in [0] : vector<16xf32>, vector<16xi32> -> vector<16xf32>
        %min3A_108 = arith.minimumf %sort3A_77, %rev3A_102 : vector<16xf32>
        %min3A_109 = arith.minimumf %sort3A_81, %rev3A_107 : vector<16xf32>
        %max3A_110 = arith.maximumf %sort3A_77, %rev3A_102 : vector<16xf32>
        %max3A_111 = arith.maximumf %sort3A_81, %rev3A_107 : vector<16xf32>
        %min3A_112 = arith.minimumf %min3A_108, %min3A_109 : vector<16xf32>
        %sort3A_113 = arith.constant dense<true> : vector<16xi1>
        %sort3A_114, %sort3A_115, %sort3A_116 = tpu.sort %min3A_112, %min3A_112 masked %sort3A_113 : (vector<16xf32>, vector<16xf32>, vector<16xi1>) -> (vector<16xi1>, vector<16xf32>, vector<16xf32>)
        %max3A_117 = arith.maximumf %min3A_108, %min3A_109 : vector<16xf32>
        %sort3A_118 = arith.constant dense<true> : vector<16xi1>
        %sort3A_119, %sort3A_120, %sort3A_121 = tpu.sort %max3A_117, %max3A_117 masked %sort3A_118 : (vector<16xf32>, vector<16xf32>, vector<16xi1>) -> (vector<16xi1>, vector<16xf32>, vector<16xf32>)
        %min3A_122 = arith.minimumf %max3A_110, %max3A_111 : vector<16xf32>
        %sort3A_123 = arith.constant dense<true> : vector<16xi1>
        %sort3A_124, %sort3A_125, %sort3A_126 = tpu.sort %min3A_122, %min3A_122 masked %sort3A_123 : (vector<16xf32>, vector<16xf32>, vector<16xi1>) -> (vector<16xi1>, vector<16xf32>, vector<16xf32>)
        %max3A_127 = arith.maximumf %max3A_110, %max3A_111 : vector<16xf32>
        %sort3A_128 = arith.constant dense<true> : vector<16xi1>
        %sort3A_129, %sort3A_130, %sort3A_131 = tpu.sort %max3A_127, %max3A_127 masked %sort3A_128 : (vector<16xf32>, vector<16xf32>, vector<16xi1>) -> (vector<16xi1>, vector<16xf32>, vector<16xf32>)
        %sort3A_132 = arith.constant dense<true> : vector<16xi1>
        %sort3A_133, %sort3A_134, %sort3A_135 = tpu.sort %get3A_46, %get3A_46 masked %sort3A_132 : (vector<16xf32>, vector<16xf32>, vector<16xi1>) -> (vector<16xi1>, vector<16xf32>, vector<16xf32>)
        %sort3A_136 = arith.constant dense<true> : vector<16xi1>
        %sort3A_137, %sort3A_138, %sort3A_139 = tpu.sort %get3A_49, %get3A_49 masked %sort3A_136 : (vector<16xf32>, vector<16xf32>, vector<16xi1>) -> (vector<16xi1>, vector<16xf32>, vector<16xf32>)
        %sort3A_140 = arith.constant dense<true> : vector<16xi1>
        %sort3A_141, %sort3A_142, %sort3A_143 = tpu.sort %get3A_52, %get3A_52 masked %sort3A_140 : (vector<16xf32>, vector<16xf32>, vector<16xi1>) -> (vector<16xi1>, vector<16xf32>, vector<16xf32>)
        %sort3A_144 = arith.constant dense<true> : vector<16xi1>
        %sort3A_145, %sort3A_146, %sort3A_147 = tpu.sort %get3A_55, %get3A_55 masked %sort3A_144 : (vector<16xf32>, vector<16xf32>, vector<16xi1>) -> (vector<16xi1>, vector<16xf32>, vector<16xf32>)
        %rev3A_148 = arith.constant 15 : i32
        %rev3A_149 = vector.broadcast %rev3A_148 : i32 to vector<16xi32>
        %rev3A_150 = tpu.iota {dimensions = array<i32: 0>} : vector<16xi32>
        %rev3A_151 = arith.subi %rev3A_149, %rev3A_150 : vector<16xi32>
        %rev3A_152 = tpu.dynamic_gather %sort3A_138[%rev3A_151] in [0] : vector<16xf32>, vector<16xi32> -> vector<16xf32>
        %min3A_153 = arith.minimumf %sort3A_134, %rev3A_152 : vector<16xf32>
        %sort3A_154 = arith.constant dense<true> : vector<16xi1>
        %sort3A_155, %sort3A_156, %sort3A_157 = tpu.sort %min3A_153, %min3A_153 masked %sort3A_154 : (vector<16xf32>, vector<16xf32>, vector<16xi1>) -> (vector<16xi1>, vector<16xf32>, vector<16xf32>)
        %max3A_158 = arith.maximumf %sort3A_134, %rev3A_152 : vector<16xf32>
        %sort3A_159 = arith.constant dense<true> : vector<16xi1>
        %sort3A_160, %sort3A_161, %sort3A_162 = tpu.sort %max3A_158, %max3A_158 masked %sort3A_159 : (vector<16xf32>, vector<16xf32>, vector<16xi1>) -> (vector<16xi1>, vector<16xf32>, vector<16xf32>)
        %rev3A_163 = arith.constant 15 : i32
        %rev3A_164 = vector.broadcast %rev3A_163 : i32 to vector<16xi32>
        %rev3A_165 = tpu.iota {dimensions = array<i32: 0>} : vector<16xi32>
        %rev3A_166 = arith.subi %rev3A_164, %rev3A_165 : vector<16xi32>
        %rev3A_167 = tpu.dynamic_gather %sort3A_146[%rev3A_166] in [0] : vector<16xf32>, vector<16xi32> -> vector<16xf32>
        %min3A_168 = arith.minimumf %sort3A_142, %rev3A_167 : vector<16xf32>
        %sort3A_169 = arith.constant dense<true> : vector<16xi1>
        %sort3A_170, %sort3A_171, %sort3A_172 = tpu.sort %min3A_168, %min3A_168 masked %sort3A_169 : (vector<16xf32>, vector<16xf32>, vector<16xi1>) -> (vector<16xi1>, vector<16xf32>, vector<16xf32>)
        %max3A_173 = arith.maximumf %sort3A_142, %rev3A_167 : vector<16xf32>
        %sort3A_174 = arith.constant dense<true> : vector<16xi1>
        %sort3A_175, %sort3A_176, %sort3A_177 = tpu.sort %max3A_173, %max3A_173 masked %sort3A_174 : (vector<16xf32>, vector<16xf32>, vector<16xi1>) -> (vector<16xi1>, vector<16xf32>, vector<16xf32>)
        %rev3A_178 = arith.constant 15 : i32
        %rev3A_179 = vector.broadcast %rev3A_178 : i32 to vector<16xi32>
        %rev3A_180 = tpu.iota {dimensions = array<i32: 0>} : vector<16xi32>
        %rev3A_181 = arith.subi %rev3A_179, %rev3A_180 : vector<16xi32>
        %rev3A_182 = tpu.dynamic_gather %sort3A_176[%rev3A_181] in [0] : vector<16xf32>, vector<16xi32> -> vector<16xf32>
        %rev3A_183 = arith.constant 15 : i32
        %rev3A_184 = vector.broadcast %rev3A_183 : i32 to vector<16xi32>
        %rev3A_185 = tpu.iota {dimensions = array<i32: 0>} : vector<16xi32>
        %rev3A_186 = arith.subi %rev3A_184, %rev3A_185 : vector<16xi32>
        %rev3A_187 = tpu.dynamic_gather %sort3A_171[%rev3A_186] in [0] : vector<16xf32>, vector<16xi32> -> vector<16xf32>
        %min3A_188 = arith.minimumf %sort3A_156, %rev3A_182 : vector<16xf32>
        %min3A_189 = arith.minimumf %sort3A_161, %rev3A_187 : vector<16xf32>
        %max3A_190 = arith.maximumf %sort3A_156, %rev3A_182 : vector<16xf32>
        %max3A_191 = arith.maximumf %sort3A_161, %rev3A_187 : vector<16xf32>
        %min3A_192 = arith.minimumf %min3A_188, %min3A_189 : vector<16xf32>
        %sort3A_193 = arith.constant dense<true> : vector<16xi1>
        %sort3A_194, %sort3A_195, %sort3A_196 = tpu.sort %min3A_192, %min3A_192 masked %sort3A_193 : (vector<16xf32>, vector<16xf32>, vector<16xi1>) -> (vector<16xi1>, vector<16xf32>, vector<16xf32>)
        %max3A_197 = arith.maximumf %min3A_188, %min3A_189 : vector<16xf32>
        %sort3A_198 = arith.constant dense<true> : vector<16xi1>
        %sort3A_199, %sort3A_200, %sort3A_201 = tpu.sort %max3A_197, %max3A_197 masked %sort3A_198 : (vector<16xf32>, vector<16xf32>, vector<16xi1>) -> (vector<16xi1>, vector<16xf32>, vector<16xf32>)
        %min3A_202 = arith.minimumf %max3A_190, %max3A_191 : vector<16xf32>
        %sort3A_203 = arith.constant dense<true> : vector<16xi1>
        %sort3A_204, %sort3A_205, %sort3A_206 = tpu.sort %min3A_202, %min3A_202 masked %sort3A_203 : (vector<16xf32>, vector<16xf32>, vector<16xi1>) -> (vector<16xi1>, vector<16xf32>, vector<16xf32>)
        %max3A_207 = arith.maximumf %max3A_190, %max3A_191 : vector<16xf32>
        %sort3A_208 = arith.constant dense<true> : vector<16xi1>
        %sort3A_209, %sort3A_210, %sort3A_211 = tpu.sort %max3A_207, %max3A_207 masked %sort3A_208 : (vector<16xf32>, vector<16xf32>, vector<16xi1>) -> (vector<16xi1>, vector<16xf32>, vector<16xf32>)
        %rev3A_212 = arith.constant 15 : i32
        %rev3A_213 = vector.broadcast %rev3A_212 : i32 to vector<16xi32>
        %rev3A_214 = tpu.iota {dimensions = array<i32: 0>} : vector<16xi32>
        %rev3A_215 = arith.subi %rev3A_213, %rev3A_214 : vector<16xi32>
        %rev3A_216 = tpu.dynamic_gather %sort3A_210[%rev3A_215] in [0] : vector<16xf32>, vector<16xi32> -> vector<16xf32>
        %rev3A_217 = arith.constant 15 : i32
        %rev3A_218 = vector.broadcast %rev3A_217 : i32 to vector<16xi32>
        %rev3A_219 = tpu.iota {dimensions = array<i32: 0>} : vector<16xi32>
        %rev3A_220 = arith.subi %rev3A_218, %rev3A_219 : vector<16xi32>
        %rev3A_221 = tpu.dynamic_gather %sort3A_205[%rev3A_220] in [0] : vector<16xf32>, vector<16xi32> -> vector<16xf32>
        %rev3A_222 = arith.constant 15 : i32
        %rev3A_223 = vector.broadcast %rev3A_222 : i32 to vector<16xi32>
        %rev3A_224 = tpu.iota {dimensions = array<i32: 0>} : vector<16xi32>
        %rev3A_225 = arith.subi %rev3A_223, %rev3A_224 : vector<16xi32>
        %rev3A_226 = tpu.dynamic_gather %sort3A_200[%rev3A_225] in [0] : vector<16xf32>, vector<16xi32> -> vector<16xf32>
        %rev3A_227 = arith.constant 15 : i32
        %rev3A_228 = vector.broadcast %rev3A_227 : i32 to vector<16xi32>
        %rev3A_229 = tpu.iota {dimensions = array<i32: 0>} : vector<16xi32>
        %rev3A_230 = arith.subi %rev3A_228, %rev3A_229 : vector<16xi32>
        %rev3A_231 = tpu.dynamic_gather %sort3A_195[%rev3A_230] in [0] : vector<16xf32>, vector<16xi32> -> vector<16xf32>
        %max3A_232 = arith.maximumf %sort3A_115, %rev3A_216 : vector<16xf32>
        %max3A_233 = arith.maximumf %sort3A_120, %rev3A_221 : vector<16xf32>
        %max3A_234 = arith.maximumf %sort3A_125, %rev3A_226 : vector<16xf32>
        %max3A_235 = arith.maximumf %sort3A_130, %rev3A_231 : vector<16xf32>
        %min3A_236 = arith.minimumf %max3A_232, %max3A_233 : vector<16xf32>
        %min3A_237 = arith.minimumf %max3A_234, %max3A_235 : vector<16xf32>
        %min3A_238 = arith.minimumf %min3A_236, %min3A_237 : vector<16xf32>
        %reduce_min3A = arith.constant true
        %reduce_min3A_239 = vector.broadcast %reduce_min3A : i1 to vector<16xi1>
        %reduce_min3A_240 = tpu.scan <min>, %min3A_238 masked %reduce_min3A_239 : vector<16xf32>, vector<16xi1> -> vector<16xf32>
        %reduce_min3A_241 = vector.extract %reduce_min3A_240[15] : f32 from vector<16xf32>
        %eq3A = vector.broadcast %scan3A_28 : i32 to vector<16xi32>
        %eq3A_242 = arith.cmpi eq, %iota3A, %eq3A : vector<16xi32>
        %broadcast_in_dim3A_243 = vector.broadcast %reduce_min3A_241 : f32 to vector<16xf32>
        %select_n3A = arith.select %eq3A_242, %broadcast_in_dim3A_243, %scan3A_29 : vector<16xi1>, vector<16xf32>
        scf.yield %select_n3A : vector<16xf32>
      }
      %scan3A_21 = arith.constant 16 : i32
      %mul3A_22 = arith.constant 512 : i32
      %mul3A_23 = arith.muli %scan3A_3, %mul3A_22 : i32
      %mul3A_24 = arith.constant 16 : i32
      %mul3A_25 = arith.muli %scan3A_14, %mul3A_24 : i32
      %add3A_26 = arith.addi %mul3A_23, %mul3A_25 : i32
      %swap3A = arith.index_cast %add3A_26 : i32 to index
      %swap3A_27 = tpu.vector_load %arg5[%swap3A] {strides = array<i32>} : memref<512xf32, #tpu.memory_space<vmem>>, vector<16xf32>,
      tpu.vector_store %arg5[%swap3A], %scan3A_20 {strides = array<i32>} : memref<512xf32, #tpu.memory_space<vmem>>, vector<16xf32>,
    }
    %scan3A_12 = arith.constant 32 : i32
    %scan3A_13 = arith.constant 1 : i32
    "tpu.region"() ({
      %run_scoped3A = tpu.sem_alloc : memref<!tpu.dma_semaphore, #tpu.memory_space<semaphore_mem>>
      %dma_start3A = tpu.memref_slice %arg3[%mul3A_2] : memref<16384xf32, #tpu.memory_space<hbm>> -> memref<512xf32, #tpu.memory_space<hbm>>
      %dma_start3A_14 = tpu.memref_slice %arg3[%mul3A_2] : memref<16384xf32, #tpu.memory_space<hbm>> -> memref<512xf32, #tpu.memory_space<hbm>>
      tpu.enqueue_dma source(%arg5 : memref<512xf32, #tpu.memory_space<vmem>>) target(%dma_start3A_14 : memref<512xf32, #tpu.memory_space<hbm>>) target_semaphore(%run_scoped3A : memref<!tpu.dma_semaphore, #tpu.memory_space<semaphore_mem>>)
      %dma_wait3A = tpu.memref_slice %arg3[%mul3A_2] : memref<16384xf32, #tpu.memory_space<hbm>> -> memref<512xf32, #tpu.memory_space<hbm>>
      %dma_wait3A_15 = tpu.memref_slice %arg3[%mul3A_2] : memref<16384xf32, #tpu.memory_space<hbm>> -> memref<512xf32, #tpu.memory_space<hbm>>
      tpu.wait_dma2 semaphore(%run_scoped3A : memref<!tpu.dma_semaphore, #tpu.memory_space<semaphore_mem>>) src(%arg5 : memref<512xf32, #tpu.memory_space<vmem>>) dst(%dma_wait3A_15 : memref<512xf32, #tpu.memory_space<hbm>>)
      tpu.yield
    }) : () -> ()
    return
  }
}

module attributes {stable_mosaic.version = 14 : i64} {
  func.func @_sqt_kernel(%arg0: i32, %arg1: memref<128x4096xf32, #tpu.memory_space<vmem>>, %arg2: memref<4096x128xf32, #tpu.memory_space<vmem>>, %arg3: memref<1x4096xf32, #tpu.memory_space<vmem>>) attributes {dimension_semantics = [#tpu.dimension_semantics<arbitrary>], iteration_bounds = array<i64: 4>, scalar_prefetch = 0 : i64, scratch_operands = 0 : i64, tpu.core_type = #tpu.core_type<tc>, window_params = [{transform_indices = @transform_0, window_bounds = array<i64: 128, 4096>}, {transform_indices = @transform_1, window_bounds = array<i64: 4096, 128>}, {transform_indices = @transform_2, window_bounds = array<i64: 1, 4096>}]} {
    %get3A = arith.constant 0 : index
    %get3A_0 = arith.constant 0 : index
    %get3A_1 = vector.load %arg1[%get3A, %get3A_0] : memref<128x4096xf32, #tpu.memory_space<vmem>>, vector<128x4096xf32>
    %mul3A = arith.mulf %get3A_1, %get3A_1 : vector<128x4096xf32>
    %transpose3A = tpu.transpose %mul3A, [1, 0] : vector<128x4096xf32> -> vector<4096x128xf32>
    %swap3A = arith.constant 0 : index
    %swap3A_2 = arith.constant 0 : index
    %swap3A_3 = vector.load %arg2[%swap3A, %swap3A_2] : memref<4096x128xf32, #tpu.memory_space<vmem>>, vector<4096x128xf32>
    tpu.vector_store %arg2[%swap3A, %swap3A_2], %transpose3A {strides = array<i32>} : memref<4096x128xf32, #tpu.memory_space<vmem>>, vector<4096x128xf32>,
    %reduce_sum3A = arith.constant dense<0.000000e+00> : vector<4096xf32>
    %reduce_sum3A_4 = vector.multi_reduction <add>, %mul3A, %reduce_sum3A [0] : vector<128x4096xf32> to vector<4096xf32>
    %broadcast_in_dim3A = vector.shape_cast %reduce_sum3A_4 : vector<4096xf32> to vector<1x4096xf32>
    %swap3A_5 = arith.constant 0 : index
    %swap3A_6 = arith.constant 0 : index
    %swap3A_7 = vector.load %arg3[%swap3A_5, %swap3A_6] : memref<1x4096xf32, #tpu.memory_space<vmem>>, vector<1x4096xf32>
    tpu.vector_store %arg3[%swap3A_5, %swap3A_6], %broadcast_in_dim3A {strides = array<i32>} : memref<1x4096xf32, #tpu.memory_space<vmem>>, vector<1x4096xf32>,
    return
  }
  func.func @transform_0(%arg0: i32) -> (i32, i32) {
    %add3A = arith.constant 0 : i32
    %add3A_0 = arith.addi %arg0, %add3A : i32
    %c0_i32 = arith.constant 0 : i32
    %c0_i32_1 = arith.constant 0 : i32
    return %c0_i32, %add3A_0 : i32, i32
  }
  func.func @transform_1(%arg0: i32) -> (i32, i32) {
    %c0_i32 = arith.constant 0 : i32
    %c0_i32_0 = arith.constant 0 : i32
    return %arg0, %c0_i32 : i32, i32
  }
  func.func @transform_2(%arg0: i32) -> (i32, i32) {
    %c0_i32 = arith.constant 0 : i32
    %c0_i32_0 = arith.constant 0 : i32
    return %c0_i32, %arg0 : i32, i32
  }
}

module attributes {stable_mosaic.version = 14 : i64} {
  func.func @_sqt_kernel(%arg0: i32, %arg1: memref<128x4096xf32, #tpu.memory_space<vmem>>, %arg2: memref<4096x128xf32, #tpu.memory_space<vmem>>, %arg3: memref<1x4096xf32, #tpu.memory_space<vmem>>) attributes {dimension_semantics = [#tpu.dimension_semantics<arbitrary>], iteration_bounds = array<i64: 4>, scalar_prefetch = 0 : i64, scratch_operands = 0 : i64, tpu.core_type = #tpu.core_type<tc>, window_params = [{transform_indices = @transform_0, window_bounds = array<i64: 128, 4096>}, {transform_indices = @transform_1, window_bounds = array<i64: 4096, 128>}, {transform_indices = @transform_2, window_bounds = array<i64: 1, 4096>}]} {
    %get3A = arith.constant 0 : index
    %get3A_0 = arith.constant 0 : index
    %get3A_1 = vector.load %arg1[%get3A, %get3A_0] : memref<128x4096xf32, #tpu.memory_space<vmem>>, vector<128x4096xf32>
    %mul3A = arith.mulf %get3A_1, %get3A_1 : vector<128x4096xf32>
    %transpose3A = tpu.transpose %mul3A, [1, 0] : vector<128x4096xf32> -> vector<4096x128xf32>
    %swap3A = arith.constant 0 : index
    %swap3A_2 = arith.constant 0 : index
    %swap3A_3 = vector.load %arg2[%swap3A, %swap3A_2] : memref<4096x128xf32, #tpu.memory_space<vmem>>, vector<4096x128xf32>
    tpu.vector_store %arg2[%swap3A, %swap3A_2], %transpose3A {strides = array<i32>} : memref<4096x128xf32, #tpu.memory_space<vmem>>, vector<4096x128xf32>,
    %reduce_sum3A = arith.constant dense<0.000000e+00> : vector<4096xf32>
    %reduce_sum3A_4 = vector.multi_reduction <add>, %mul3A, %reduce_sum3A [0] : vector<128x4096xf32> to vector<4096xf32>
    %broadcast_in_dim3A = vector.shape_cast %reduce_sum3A_4 : vector<4096xf32> to vector<1x4096xf32>
    %swap3A_5 = arith.constant 0 : index
    %swap3A_6 = arith.constant 0 : index
    %swap3A_7 = vector.load %arg3[%swap3A_5, %swap3A_6] : memref<1x4096xf32, #tpu.memory_space<vmem>>, vector<1x4096xf32>
    tpu.vector_store %arg3[%swap3A_5, %swap3A_6], %broadcast_in_dim3A {strides = array<i32>} : memref<1x4096xf32, #tpu.memory_space<vmem>>, vector<1x4096xf32>,
    return
  }
  func.func @transform_0(%arg0: i32) -> (i32, i32) {
    %add3A = arith.constant 4 : i32
    %add3A_0 = arith.addi %arg0, %add3A : i32
    %c0_i32 = arith.constant 0 : i32
    %c0_i32_1 = arith.constant 0 : i32
    return %c0_i32, %add3A_0 : i32, i32
  }
  func.func @transform_1(%arg0: i32) -> (i32, i32) {
    %c0_i32 = arith.constant 0 : i32
    %c0_i32_0 = arith.constant 0 : i32
    return %arg0, %c0_i32 : i32, i32
  }
  func.func @transform_2(%arg0: i32) -> (i32, i32) {
    %c0_i32 = arith.constant 0 : i32
    %c0_i32_0 = arith.constant 0 : i32
    return %c0_i32, %arg0 : i32, i32
  }
}

module attributes {stable_mosaic.version = 14 : i64} {
  func.func @_sqt_kernel(%arg0: i32, %arg1: memref<128x4096xf32, #tpu.memory_space<vmem>>, %arg2: memref<4096x128xf32, #tpu.memory_space<vmem>>, %arg3: memref<1x4096xf32, #tpu.memory_space<vmem>>) attributes {dimension_semantics = [#tpu.dimension_semantics<arbitrary>], iteration_bounds = array<i64: 4>, scalar_prefetch = 0 : i64, scratch_operands = 0 : i64, tpu.core_type = #tpu.core_type<tc>, window_params = [{transform_indices = @transform_0, window_bounds = array<i64: 128, 4096>}, {transform_indices = @transform_1, window_bounds = array<i64: 4096, 128>}, {transform_indices = @transform_2, window_bounds = array<i64: 1, 4096>}]} {
    %get3A = arith.constant 0 : index
    %get3A_0 = arith.constant 0 : index
    %get3A_1 = vector.load %arg1[%get3A, %get3A_0] : memref<128x4096xf32, #tpu.memory_space<vmem>>, vector<128x4096xf32>
    %mul3A = arith.mulf %get3A_1, %get3A_1 : vector<128x4096xf32>
    %transpose3A = tpu.transpose %mul3A, [1, 0] : vector<128x4096xf32> -> vector<4096x128xf32>
    %swap3A = arith.constant 0 : index
    %swap3A_2 = arith.constant 0 : index
    %swap3A_3 = vector.load %arg2[%swap3A, %swap3A_2] : memref<4096x128xf32, #tpu.memory_space<vmem>>, vector<4096x128xf32>
    tpu.vector_store %arg2[%swap3A, %swap3A_2], %transpose3A {strides = array<i32>} : memref<4096x128xf32, #tpu.memory_space<vmem>>, vector<4096x128xf32>,
    %reduce_sum3A = arith.constant dense<0.000000e+00> : vector<4096xf32>
    %reduce_sum3A_4 = vector.multi_reduction <add>, %mul3A, %reduce_sum3A [0] : vector<128x4096xf32> to vector<4096xf32>
    %broadcast_in_dim3A = vector.shape_cast %reduce_sum3A_4 : vector<4096xf32> to vector<1x4096xf32>
    %swap3A_5 = arith.constant 0 : index
    %swap3A_6 = arith.constant 0 : index
    %swap3A_7 = vector.load %arg3[%swap3A_5, %swap3A_6] : memref<1x4096xf32, #tpu.memory_space<vmem>>, vector<1x4096xf32>
    tpu.vector_store %arg3[%swap3A_5, %swap3A_6], %broadcast_in_dim3A {strides = array<i32>} : memref<1x4096xf32, #tpu.memory_space<vmem>>, vector<1x4096xf32>,
    return
  }
  func.func @transform_0(%arg0: i32) -> (i32, i32) {
    %add3A = arith.constant 8 : i32
    %add3A_0 = arith.addi %arg0, %add3A : i32
    %c0_i32 = arith.constant 0 : i32
    %c0_i32_1 = arith.constant 0 : i32
    return %c0_i32, %add3A_0 : i32, i32
  }
  func.func @transform_1(%arg0: i32) -> (i32, i32) {
    %c0_i32 = arith.constant 0 : i32
    %c0_i32_0 = arith.constant 0 : i32
    return %arg0, %c0_i32 : i32, i32
  }
  func.func @transform_2(%arg0: i32) -> (i32, i32) {
    %c0_i32 = arith.constant 0 : i32
    %c0_i32_0 = arith.constant 0 : i32
    return %c0_i32, %arg0 : i32, i32
  }
}

module attributes {stable_mosaic.version = 14 : i64} {
  func.func @_sqt_kernel(%arg0: i32, %arg1: memref<128x4096xf32, #tpu.memory_space<vmem>>, %arg2: memref<4096x128xf32, #tpu.memory_space<vmem>>, %arg3: memref<1x4096xf32, #tpu.memory_space<vmem>>) attributes {dimension_semantics = [#tpu.dimension_semantics<arbitrary>], iteration_bounds = array<i64: 4>, scalar_prefetch = 0 : i64, scratch_operands = 0 : i64, tpu.core_type = #tpu.core_type<tc>, window_params = [{transform_indices = @transform_0, window_bounds = array<i64: 128, 4096>}, {transform_indices = @transform_1, window_bounds = array<i64: 4096, 128>}, {transform_indices = @transform_2, window_bounds = array<i64: 1, 4096>}]} {
    %get3A = arith.constant 0 : index
    %get3A_0 = arith.constant 0 : index
    %get3A_1 = vector.load %arg1[%get3A, %get3A_0] : memref<128x4096xf32, #tpu.memory_space<vmem>>, vector<128x4096xf32>
    %mul3A = arith.mulf %get3A_1, %get3A_1 : vector<128x4096xf32>
    %transpose3A = tpu.transpose %mul3A, [1, 0] : vector<128x4096xf32> -> vector<4096x128xf32>
    %swap3A = arith.constant 0 : index
    %swap3A_2 = arith.constant 0 : index
    %swap3A_3 = vector.load %arg2[%swap3A, %swap3A_2] : memref<4096x128xf32, #tpu.memory_space<vmem>>, vector<4096x128xf32>
    tpu.vector_store %arg2[%swap3A, %swap3A_2], %transpose3A {strides = array<i32>} : memref<4096x128xf32, #tpu.memory_space<vmem>>, vector<4096x128xf32>,
    %reduce_sum3A = arith.constant dense<0.000000e+00> : vector<4096xf32>
    %reduce_sum3A_4 = vector.multi_reduction <add>, %mul3A, %reduce_sum3A [0] : vector<128x4096xf32> to vector<4096xf32>
    %broadcast_in_dim3A = vector.shape_cast %reduce_sum3A_4 : vector<4096xf32> to vector<1x4096xf32>
    %swap3A_5 = arith.constant 0 : index
    %swap3A_6 = arith.constant 0 : index
    %swap3A_7 = vector.load %arg3[%swap3A_5, %swap3A_6] : memref<1x4096xf32, #tpu.memory_space<vmem>>, vector<1x4096xf32>
    tpu.vector_store %arg3[%swap3A_5, %swap3A_6], %broadcast_in_dim3A {strides = array<i32>} : memref<1x4096xf32, #tpu.memory_space<vmem>>, vector<1x4096xf32>,
    return
  }
  func.func @transform_0(%arg0: i32) -> (i32, i32) {
    %add3A = arith.constant 12 : i32
    %add3A_0 = arith.addi %arg0, %add3A : i32
    %c0_i32 = arith.constant 0 : i32
    %c0_i32_1 = arith.constant 0 : i32
    return %c0_i32, %add3A_0 : i32, i32
  }
  func.func @transform_1(%arg0: i32) -> (i32, i32) {
    %c0_i32 = arith.constant 0 : i32
    %c0_i32_0 = arith.constant 0 : i32
    return %arg0, %c0_i32 : i32, i32
  }
  func.func @transform_2(%arg0: i32) -> (i32, i32) {
    %c0_i32 = arith.constant 0 : i32
    %c0_i32_0 = arith.constant 0 : i32
    return %c0_i32, %arg0 : i32, i32
  }
}

module attributes {stable_mosaic.version = 14 : i64} {
  func.func @_chansel_kernel(%arg0: memref<512x128xf32, #tpu.memory_space<vmem>>, %arg1: memref<512x128xf32, #tpu.memory_space<vmem>>) attributes {dimension_semantics = [], scalar_prefetch = 0 : i64, scratch_operands = 0 : i64, tpu.core_type = #tpu.core_type<tc>} {
    %get3A = arith.constant 0 : index
    %get3A_0 = arith.constant 0 : index
    %get3A_1 = vector.load %arg0[%get3A, %get3A_0] : memref<512x128xf32, #tpu.memory_space<vmem>>, vector<512x128xf32>
    %bitcast_convert_type3A = tpu.bitcast %get3A_1 : vector<512x128xf32> -> vector<512x128xi32>
    %scan3A = arith.constant 0 : i32
    %scan3A_2 = arith.constant 0 : i32
    %scan3A_3 = arith.constant 31 : i32
    %scan3A_4 = arith.addi %scan3A_2, %scan3A_3 : i32
    %scan3A_5 = arith.constant 1 : i32
    %scan3A_6 = scf.for %scan3A_42 = %scan3A_2 to %scan3A_4 step %scan3A_5 iter_args(%scan3A_43 = %scan3A) -> (i32)  : i32 {
      %sub3A_44 = arith.constant 30 : i32
      %sub3A_45 = arith.subi %sub3A_44, %scan3A_42 : i32
      %shift_left3A = arith.constant 1 : i32
      %shift_left3A_46 = arith.shli %shift_left3A, %sub3A_45 : i32
      %or3A_47 = arith.ori %scan3A_43, %shift_left3A_46 : i32
      %ge3A = vector.broadcast %or3A_47 : i32 to vector<512x128xi32>
      %ge3A_48 = arith.cmpi sge, %bitcast_convert_type3A, %ge3A : vector<512x128xi32>
      %convert_element_type3A_49 = arith.extui %ge3A_48 : vector<512x128xi1> to vector<512x128xi32>
      %reduce_sum3A_50 = vector.shape_cast %convert_element_type3A_49 : vector<512x128xi32> to vector<1x512x128xi32>
      %reduce_sum3A_51 = arith.constant dense<0> : vector<1xi32>
      %reduce_sum3A_52 = vector.multi_reduction <add>, %reduce_sum3A_50, %reduce_sum3A_51 [1, 2] : vector<1x512x128xi32> to vector<1xi32>
      %reduce_sum3A_53 = vector.shape_cast %reduce_sum3A_52 : vector<1xi32> to vector<1x1x1xi32>
      %reduce_sum3A_54 = vector.extract %reduce_sum3A_53[0, 0, 0] : i32 from vector<1x1x1xi32>
      %ge3A_55 = arith.constant 32768 : i32
      %ge3A_56 = arith.cmpi sge, %reduce_sum3A_54, %ge3A_55 : i32
      %select_n3A = arith.select %ge3A_56, %or3A_47, %scan3A_43 : i32
      scf.yield %select_n3A : i32
    }
    %scan3A_7 = arith.constant 31 : i32
    %gt3A = vector.broadcast %scan3A_6 : i32 to vector<512x128xi32>
    %gt3A_8 = arith.cmpi sgt, %bitcast_convert_type3A, %gt3A : vector<512x128xi32>
    %eq3A = vector.broadcast %scan3A_6 : i32 to vector<512x128xi32>
    %eq3A_9 = arith.cmpi eq, %bitcast_convert_type3A, %eq3A : vector<512x128xi32>
    %convert_element_type3A = arith.extui %gt3A_8 : vector<512x128xi1> to vector<512x128xi32>
    %reduce_sum3A = vector.shape_cast %convert_element_type3A : vector<512x128xi32> to vector<1x512x128xi32>
    %reduce_sum3A_10 = arith.constant dense<0> : vector<1xi32>
    %reduce_sum3A_11 = vector.multi_reduction <add>, %reduce_sum3A, %reduce_sum3A_10 [1, 2] : vector<1x512x128xi32> to vector<1xi32>
    %reduce_sum3A_12 = vector.shape_cast %reduce_sum3A_11 : vector<1xi32> to vector<1x1x1xi32>
    %reduce_sum3A_13 = vector.extract %reduce_sum3A_12[0, 0, 0] : i32 from vector<1x1x1xi32>
    %sub3A = arith.constant 32768 : i32
    %sub3A_14 = arith.subi %sub3A, %reduce_sum3A_13 : i32
    %convert_element_type3A_15 = arith.sitofp %sub3A_14 : i32 to f32
    %convert_element_type3A_16 = arith.extui %eq3A_9 : vector<512x128xi1> to vector<512x128xi32>
    %convert_element_type3A_17 = arith.sitofp %convert_element_type3A_16 : vector<512x128xi32> to vector<512x128xf32>
    %convert_element_type3A_18 = arith.extui %eq3A_9 : vector<512x128xi1> to vector<512x128xi32>
    %convert_element_type3A_19 = arith.sitofp %convert_element_type3A_18 : vector<512x128xi32> to vector<512x128xf32>
    %convert_element_type3A_20 = arith.truncf %convert_element_type3A_19 : vector<512x128xf32> to vector<512x128xbf16>
    %iota3A = tpu.iota {dimensions = array<i32: 0>} : vector<128x128xi32>
    %iota3A_21 = tpu.iota {dimensions = array<i32: 1>} : vector<128x128xi32>
    %le3A = arith.cmpi sle, %iota3A, %iota3A_21 : vector<128x128xi32>
    %convert_element_type3A_22 = arith.extui %le3A : vector<128x128xi1> to vector<128x128xi32>
    %convert_element_type3A_23 = arith.sitofp %convert_element_type3A_22 : vector<128x128xi32> to vector<128x128xf32>
    %convert_element_type3A_24 = arith.truncf %convert_element_type3A_23 : vector<128x128xf32> to vector<128x128xbf16>
    %dot_general3A = arith.constant dense<0.000000e+00> : vector<512x128xf32>
    %dot_general3A_25 = tpu.matmul %convert_element_type3A_20, %convert_element_type3A_24, %dot_general3A {dimension_numbers = #tpu.dot_dimension_numbers<[1], [0], [0], [1], [0, 0, 1, 1], [], []>, transpose_lhs_hint = false} : vector<512x128xbf16>, vector<128x128xbf16>, vector<512x128xf32> -> vector<512x128xf32>
    %slice3A = vector.extract_strided_slice %dot_general3A_25 {offsets = [0, 127], sizes = [512, 1], strides = [1, 1]} : vector<512x128xf32> to vector<512x1xf32>
    %convert_element_type3A_26 = arith.truncf %slice3A : vector<512x1xf32> to vector<512x1xbf16>
    %iota3A_27 = tpu.iota {dimensions = array<i32: 0>} : vector<512x512xi32>
    %iota3A_28 = tpu.iota {dimensions = array<i32: 1>} : vector<512x512xi32>
    %lt3A = arith.cmpi slt, %iota3A_28, %iota3A_27 : vector<512x512xi32>
    %convert_element_type3A_29 = arith.extui %lt3A : vector<512x512xi1> to vector<512x512xi32>
    %convert_element_type3A_30 = arith.sitofp %convert_element_type3A_29 : vector<512x512xi32> to vector<512x512xf32>
    %convert_element_type3A_31 = arith.truncf %convert_element_type3A_30 : vector<512x512xf32> to vector<512x512xbf16>
    %dot_general3A_32 = arith.constant dense<0.000000e+00> : vector<512x1xf32>
    %dot_general3A_33 = tpu.matmul %convert_element_type3A_31, %convert_element_type3A_26, %dot_general3A_32 {dimension_numbers = #tpu.dot_dimension_numbers<[1], [0], [0], [1], [0, 0, 1, 1], [], []>, transpose_lhs_hint = false} : vector<512x512xbf16>, vector<512x1xbf16>, vector<512x1xf32> -> vector<512x1xf32>
    %sub3A_34 = arith.subf %dot_general3A_25, %convert_element_type3A_17 : vector<512x128xf32>
    %add3A = vector.broadcast %dot_general3A_33 : vector<512x1xf32> to vector<512x128xf32>
    %add3A_35 = arith.addf %sub3A_34, %add3A : vector<512x128xf32>
    %lt3A_36 = vector.broadcast %convert_element_type3A_15 : f32 to vector<512x128xf32>
    %lt3A_37 = arith.cmpf olt, %add3A_35, %lt3A_36 : vector<512x128xf32>
    %and3A = arith.andi %eq3A_9, %lt3A_37 : vector<512x128xi1>
    %or3A = arith.ori %gt3A_8, %and3A : vector<512x128xi1>
    %convert_element_type3A_38 = arith.extui %or3A : vector<512x128xi1> to vector<512x128xi32>
    %convert_element_type3A_39 = arith.sitofp %convert_element_type3A_38 : vector<512x128xi32> to vector<512x128xf32>
    %swap3A = arith.constant 0 : index
    %swap3A_40 = arith.constant 0 : index
    %swap3A_41 = vector.load %arg1[%swap3A, %swap3A_40] : memref<512x128xf32, #tpu.memory_space<vmem>>, vector<512x128xf32>
    tpu.vector_store %arg1[%swap3A, %swap3A_40], %convert_element_type3A_39 {strides = array<i32>} : memref<512x128xf32, #tpu.memory_space<vmem>>, vector<512x128xf32>,
    return
  }
}

module attributes {stable_mosaic.version = 14 : i64} {
  func.func @_apply_kernel_second(%arg0: i32, %arg1: memref<128x2048xf32, #tpu.memory_space<vmem>>, %arg2: memref<1x2048xf32, #tpu.memory_space<vmem>>, %arg3: memref<1x2048xf32, #tpu.memory_space<vmem>>, %arg4: memref<128x65536xf32, #tpu.memory_space<any>>, %arg5: memref<128x65536xi8, #tpu.memory_space<any>>, %arg6: memref<128x2048xf32, #tpu.memory_space<vmem>>, %arg7: memref<128x2048xi8, #tpu.memory_space<vmem>>) attributes {dimension_semantics = [#tpu.dimension_semantics<arbitrary>], iteration_bounds = array<i64: 8>, scalar_prefetch = 0 : i64, scratch_operands = 0 : i64, tpu.core_type = #tpu.core_type<tc>, window_params = [{transform_indices = @transform_0, window_bounds = array<i64: 128, 2048>}, {transform_indices = @transform_1, window_bounds = array<i64: 1, 2048>}, {transform_indices = @transform_2, window_bounds = array<i64: 1, 2048>}, {}, {}, {transform_indices = @transform_5, window_bounds = array<i64: 128, 2048>}, {transform_indices = @transform_6, window_bounds = array<i64: 128, 2048>}]} {
    %get3A = arith.constant 0 : index
    %get3A_0 = arith.constant 0 : index
    %get3A_1 = vector.load %arg1[%get3A, %get3A_0] : memref<128x2048xf32, #tpu.memory_space<vmem>>, vector<128x2048xf32>
    %mul3A = arith.mulf %get3A_1, %get3A_1 : vector<128x2048xf32>
    %get3A_2 = arith.constant 0 : index
    %get3A_3 = arith.constant 0 : index
    %get3A_4 = vector.load %arg3[%get3A_2, %get3A_3] : memref<1x2048xf32, #tpu.memory_space<vmem>>, vector<1x2048xf32>
    %ge3A = vector.broadcast %get3A_4 : vector<1x2048xf32> to vector<128x2048xf32>
    %ge3A_5 = arith.cmpf oge, %mul3A, %ge3A : vector<128x2048xf32>
    %get3A_6 = arith.constant 0 : index
    %get3A_7 = arith.constant 0 : index
    %get3A_8 = vector.load %arg2[%get3A_6, %get3A_7] : memref<1x2048xf32, #tpu.memory_space<vmem>>, vector<1x2048xf32>
    %gt3A = arith.constant 0.000000e+00 : f32
    %gt3A_9 = vector.broadcast %gt3A : f32 to vector<1x2048xf32>
    %gt3A_10 = arith.cmpf ogt, %get3A_8, %gt3A_9 : vector<1x2048xf32>
    %and3A = vector.broadcast %gt3A_10 : vector<1x2048xi1> to vector<128x2048xi1>
    %and3A_11 = arith.andi %ge3A_5, %and3A : vector<128x2048xi1>
    %jit3A = arith.constant 0.000000e+00 : f32
    %broadcast_in_dim3A = vector.broadcast %jit3A : f32 to vector<128x2048xf32>
    %select_n3A = arith.select %and3A_11, %get3A_1, %broadcast_in_dim3A : vector<128x2048xi1>, vector<128x2048xf32>
    %swap3A = arith.constant 0 : index
    %swap3A_12 = arith.constant 0 : index
    %swap3A_13 = vector.load %arg6[%swap3A, %swap3A_12] : memref<128x2048xf32, #tpu.memory_space<vmem>>, vector<128x2048xf32>
    tpu.vector_store %arg6[%swap3A, %swap3A_12], %select_n3A {strides = array<i32>} : memref<128x2048xf32, #tpu.memory_space<vmem>>, vector<128x2048xf32>,
    %convert_element_type3A = arith.extui %and3A_11 : vector<128x2048xi1> to vector<128x2048xi8>
    %swap3A_14 = arith.constant 0 : index
    %swap3A_15 = arith.constant 0 : index
    %swap3A_16 = vector.load %arg7[%swap3A_14, %swap3A_15] : memref<128x2048xi8, #tpu.memory_space<vmem>>, vector<128x2048xi8>
    tpu.vector_store %arg7[%swap3A_14, %swap3A_15], %convert_element_type3A {strides = array<i32>} : memref<128x2048xi8, #tpu.memory_space<vmem>>, vector<128x2048xi8>,
    return
  }
  func.func @transform_0(%arg0: i32) -> (i32, i32) {
    %add3A = arith.constant 8 : i32
    %add3A_0 = arith.addi %arg0, %add3A : i32
    %c0_i32 = arith.constant 0 : i32
    %c0_i32_1 = arith.constant 0 : i32
    return %c0_i32, %add3A_0 : i32, i32
  }
  func.func @transform_1(%arg0: i32) -> (i32, i32) {
    %add3A = arith.constant 8 : i32
    %add3A_0 = arith.addi %arg0, %add3A : i32
    %c0_i32 = arith.constant 0 : i32
    %c0_i32_1 = arith.constant 0 : i32
    return %c0_i32, %add3A_0 : i32, i32
  }
  func.func @transform_2(%arg0: i32) -> (i32, i32) {
    %c0_i32 = arith.constant 0 : i32
    %c0_i32_0 = arith.constant 0 : i32
    return %c0_i32, %arg0 : i32, i32
  }
  func.func @transform_5(%arg0: i32) -> (i32, i32) {
    %add3A = arith.constant 8 : i32
    %add3A_0 = arith.addi %arg0, %add3A : i32
    %c0_i32 = arith.constant 0 : i32
    %c0_i32_1 = arith.constant 0 : i32
    return %c0_i32, %add3A_0 : i32, i32
  }
  func.func @transform_6(%arg0: i32) -> (i32, i32) {
    %add3A = arith.constant 8 : i32
    %add3A_0 = arith.addi %arg0, %add3A : i32
    %c0_i32 = arith.constant 0 : i32
    %c0_i32_1 = arith.constant 0 : i32
    return %c0_i32, %add3A_0 : i32, i32
  }
}

module attributes {stable_mosaic.version = 14 : i64} {
  func.func @_apply_kernel_first(%arg0: i32, %arg1: memref<128x2048xf32, #tpu.memory_space<vmem>>, %arg2: memref<1x2048xf32, #tpu.memory_space<vmem>>, %arg3: memref<1x2048xf32, #tpu.memory_space<vmem>>, %arg4: memref<128x2048xf32, #tpu.memory_space<vmem>>, %arg5: memref<128x2048xi8, #tpu.memory_space<vmem>>) attributes {dimension_semantics = [#tpu.dimension_semantics<arbitrary>], iteration_bounds = array<i64: 8>, scalar_prefetch = 0 : i64, scratch_operands = 0 : i64, tpu.core_type = #tpu.core_type<tc>, window_params = [{transform_indices = @transform_0, window_bounds = array<i64: 128, 2048>}, {transform_indices = @transform_1, window_bounds = array<i64: 1, 2048>}, {transform_indices = @transform_2, window_bounds = array<i64: 1, 2048>}, {transform_indices = @transform_3, window_bounds = array<i64: 128, 2048>}, {transform_indices = @transform_4, window_bounds = array<i64: 128, 2048>}]} {
    %get3A = arith.constant 0 : index
    %get3A_0 = arith.constant 0 : index
    %get3A_1 = vector.load %arg1[%get3A, %get3A_0] : memref<128x2048xf32, #tpu.memory_space<vmem>>, vector<128x2048xf32>
    %mul3A = arith.mulf %get3A_1, %get3A_1 : vector<128x2048xf32>
    %get3A_2 = arith.constant 0 : index
    %get3A_3 = arith.constant 0 : index
    %get3A_4 = vector.load %arg3[%get3A_2, %get3A_3] : memref<1x2048xf32, #tpu.memory_space<vmem>>, vector<1x2048xf32>
    %ge3A = vector.broadcast %get3A_4 : vector<1x2048xf32> to vector<128x2048xf32>
    %ge3A_5 = arith.cmpf oge, %mul3A, %ge3A : vector<128x2048xf32>
    %get3A_6 = arith.constant 0 : index
    %get3A_7 = arith.constant 0 : index
    %get3A_8 = vector.load %arg2[%get3A_6, %get3A_7] : memref<1x2048xf32, #tpu.memory_space<vmem>>, vector<1x2048xf32>
    %gt3A = arith.constant 0.000000e+00 : f32
    %gt3A_9 = vector.broadcast %gt3A : f32 to vector<1x2048xf32>
    %gt3A_10 = arith.cmpf ogt, %get3A_8, %gt3A_9 : vector<1x2048xf32>
    %and3A = vector.broadcast %gt3A_10 : vector<1x2048xi1> to vector<128x2048xi1>
    %and3A_11 = arith.andi %ge3A_5, %and3A : vector<128x2048xi1>
    %jit3A = arith.constant 0.000000e+00 : f32
    %broadcast_in_dim3A = vector.broadcast %jit3A : f32 to vector<128x2048xf32>
    %select_n3A = arith.select %and3A_11, %get3A_1, %broadcast_in_dim3A : vector<128x2048xi1>, vector<128x2048xf32>
    %swap3A = arith.constant 0 : index
    %swap3A_12 = arith.constant 0 : index
    %swap3A_13 = vector.load %arg4[%swap3A, %swap3A_12] : memref<128x2048xf32, #tpu.memory_space<vmem>>, vector<128x2048xf32>
    tpu.vector_store %arg4[%swap3A, %swap3A_12], %select_n3A {strides = array<i32>} : memref<128x2048xf32, #tpu.memory_space<vmem>>, vector<128x2048xf32>,
    %convert_element_type3A = arith.extui %and3A_11 : vector<128x2048xi1> to vector<128x2048xi8>
    %swap3A_14 = arith.constant 0 : index
    %swap3A_15 = arith.constant 0 : index
    %swap3A_16 = vector.load %arg5[%swap3A_14, %swap3A_15] : memref<128x2048xi8, #tpu.memory_space<vmem>>, vector<128x2048xi8>
    tpu.vector_store %arg5[%swap3A_14, %swap3A_15], %convert_element_type3A {strides = array<i32>} : memref<128x2048xi8, #tpu.memory_space<vmem>>, vector<128x2048xi8>,
    return
  }
  func.func @transform_0(%arg0: i32) -> (i32, i32) {
    %add3A = arith.constant 0 : i32
    %add3A_0 = arith.addi %arg0, %add3A : i32
    %c0_i32 = arith.constant 0 : i32
    %c0_i32_1 = arith.constant 0 : i32
    return %c0_i32, %add3A_0 : i32, i32
  }
  func.func @transform_1(%arg0: i32) -> (i32, i32) {
    %add3A = arith.constant 0 : i32
    %add3A_0 = arith.addi %arg0, %add3A : i32
    %c0_i32 = arith.constant 0 : i32
    %c0_i32_1 = arith.constant 0 : i32
    return %c0_i32, %add3A_0 : i32, i32
  }
  func.func @transform_2(%arg0: i32) -> (i32, i32) {
    %c0_i32 = arith.constant 0 : i32
    %c0_i32_0 = arith.constant 0 : i32
    return %c0_i32, %arg0 : i32, i32
  }
  func.func @transform_3(%arg0: i32) -> (i32, i32) {
    %add3A = arith.constant 0 : i32
    %add3A_0 = arith.addi %arg0, %add3A : i32
    %c0_i32 = arith.constant 0 : i32
    %c0_i32_1 = arith.constant 0 : i32
    return %c0_i32, %add3A_0 : i32, i32
  }
  func.func @transform_4(%arg0: i32) -> (i32, i32) {
    %add3A = arith.constant 0 : i32
    %add3A_0 = arith.addi %arg0, %add3A : i32
    %c0_i32 = arith.constant 0 : i32
    %c0_i32_1 = arith.constant 0 : i32
    return %c0_i32, %add3A_0 : i32, i32
  }
}

module attributes {stable_mosaic.version = 14 : i64} {
  func.func @_apply_kernel_second(%arg0: i32, %arg1: memref<128x2048xf32, #tpu.memory_space<vmem>>, %arg2: memref<1x2048xf32, #tpu.memory_space<vmem>>, %arg3: memref<1x2048xf32, #tpu.memory_space<vmem>>, %arg4: memref<128x65536xf32, #tpu.memory_space<any>>, %arg5: memref<128x65536xi8, #tpu.memory_space<any>>, %arg6: memref<128x2048xf32, #tpu.memory_space<vmem>>, %arg7: memref<128x2048xi8, #tpu.memory_space<vmem>>) attributes {dimension_semantics = [#tpu.dimension_semantics<arbitrary>], iteration_bounds = array<i64: 8>, scalar_prefetch = 0 : i64, scratch_operands = 0 : i64, tpu.core_type = #tpu.core_type<tc>, window_params = [{transform_indices = @transform_0, window_bounds = array<i64: 128, 2048>}, {transform_indices = @transform_1, window_bounds = array<i64: 1, 2048>}, {transform_indices = @transform_2, window_bounds = array<i64: 1, 2048>}, {}, {}, {transform_indices = @transform_5, window_bounds = array<i64: 128, 2048>}, {transform_indices = @transform_6, window_bounds = array<i64: 128, 2048>}]} {
    %get3A = arith.constant 0 : index
    %get3A_0 = arith.constant 0 : index
    %get3A_1 = vector.load %arg1[%get3A, %get3A_0] : memref<128x2048xf32, #tpu.memory_space<vmem>>, vector<128x2048xf32>
    %mul3A = arith.mulf %get3A_1, %get3A_1 : vector<128x2048xf32>
    %get3A_2 = arith.constant 0 : index
    %get3A_3 = arith.constant 0 : index
    %get3A_4 = vector.load %arg3[%get3A_2, %get3A_3] : memref<1x2048xf32, #tpu.memory_space<vmem>>, vector<1x2048xf32>
    %ge3A = vector.broadcast %get3A_4 : vector<1x2048xf32> to vector<128x2048xf32>
    %ge3A_5 = arith.cmpf oge, %mul3A, %ge3A : vector<128x2048xf32>
    %get3A_6 = arith.constant 0 : index
    %get3A_7 = arith.constant 0 : index
    %get3A_8 = vector.load %arg2[%get3A_6, %get3A_7] : memref<1x2048xf32, #tpu.memory_space<vmem>>, vector<1x2048xf32>
    %gt3A = arith.constant 0.000000e+00 : f32
    %gt3A_9 = vector.broadcast %gt3A : f32 to vector<1x2048xf32>
    %gt3A_10 = arith.cmpf ogt, %get3A_8, %gt3A_9 : vector<1x2048xf32>
    %and3A = vector.broadcast %gt3A_10 : vector<1x2048xi1> to vector<128x2048xi1>
    %and3A_11 = arith.andi %ge3A_5, %and3A : vector<128x2048xi1>
    %jit3A = arith.constant 0.000000e+00 : f32
    %broadcast_in_dim3A = vector.broadcast %jit3A : f32 to vector<128x2048xf32>
    %select_n3A = arith.select %and3A_11, %get3A_1, %broadcast_in_dim3A : vector<128x2048xi1>, vector<128x2048xf32>
    %swap3A = arith.constant 0 : index
    %swap3A_12 = arith.constant 0 : index
    %swap3A_13 = vector.load %arg6[%swap3A, %swap3A_12] : memref<128x2048xf32, #tpu.memory_space<vmem>>, vector<128x2048xf32>
    tpu.vector_store %arg6[%swap3A, %swap3A_12], %select_n3A {strides = array<i32>} : memref<128x2048xf32, #tpu.memory_space<vmem>>, vector<128x2048xf32>,
    %convert_element_type3A = arith.extui %and3A_11 : vector<128x2048xi1> to vector<128x2048xi8>
    %swap3A_14 = arith.constant 0 : index
    %swap3A_15 = arith.constant 0 : index
    %swap3A_16 = vector.load %arg7[%swap3A_14, %swap3A_15] : memref<128x2048xi8, #tpu.memory_space<vmem>>, vector<128x2048xi8>
    tpu.vector_store %arg7[%swap3A_14, %swap3A_15], %convert_element_type3A {strides = array<i32>} : memref<128x2048xi8, #tpu.memory_space<vmem>>, vector<128x2048xi8>,
    return
  }
  func.func @transform_0(%arg0: i32) -> (i32, i32) {
    %add3A = arith.constant 16 : i32
    %add3A_0 = arith.addi %arg0, %add3A : i32
    %c0_i32 = arith.constant 0 : i32
    %c0_i32_1 = arith.constant 0 : i32
    return %c0_i32, %add3A_0 : i32, i32
  }
  func.func @transform_1(%arg0: i32) -> (i32, i32) {
    %add3A = arith.constant 16 : i32
    %add3A_0 = arith.addi %arg0, %add3A : i32
    %c0_i32 = arith.constant 0 : i32
    %c0_i32_1 = arith.constant 0 : i32
    return %c0_i32, %add3A_0 : i32, i32
  }
  func.func @transform_2(%arg0: i32) -> (i32, i32) {
    %c0_i32 = arith.constant 0 : i32
    %c0_i32_0 = arith.constant 0 : i32
    return %c0_i32, %arg0 : i32, i32
  }
  func.func @transform_5(%arg0: i32) -> (i32, i32) {
    %add3A = arith.constant 16 : i32
    %add3A_0 = arith.addi %arg0, %add3A : i32
    %c0_i32 = arith.constant 0 : i32
    %c0_i32_1 = arith.constant 0 : i32
    return %c0_i32, %add3A_0 : i32, i32
  }
  func.func @transform_6(%arg0: i32) -> (i32, i32) {
    %add3A = arith.constant 16 : i32
    %add3A_0 = arith.addi %arg0, %add3A : i32
    %c0_i32 = arith.constant 0 : i32
    %c0_i32_1 = arith.constant 0 : i32
    return %c0_i32, %add3A_0 : i32, i32
  }
}

module attributes {stable_mosaic.version = 14 : i64} {
  func.func @_apply_kernel_second(%arg0: i32, %arg1: memref<128x2048xf32, #tpu.memory_space<vmem>>, %arg2: memref<1x2048xf32, #tpu.memory_space<vmem>>, %arg3: memref<1x2048xf32, #tpu.memory_space<vmem>>, %arg4: memref<128x65536xf32, #tpu.memory_space<any>>, %arg5: memref<128x65536xi8, #tpu.memory_space<any>>, %arg6: memref<128x2048xf32, #tpu.memory_space<vmem>>, %arg7: memref<128x2048xi8, #tpu.memory_space<vmem>>) attributes {dimension_semantics = [#tpu.dimension_semantics<arbitrary>], iteration_bounds = array<i64: 8>, scalar_prefetch = 0 : i64, scratch_operands = 0 : i64, tpu.core_type = #tpu.core_type<tc>, window_params = [{transform_indices = @transform_0, window_bounds = array<i64: 128, 2048>}, {transform_indices = @transform_1, window_bounds = array<i64: 1, 2048>}, {transform_indices = @transform_2, window_bounds = array<i64: 1, 2048>}, {}, {}, {transform_indices = @transform_5, window_bounds = array<i64: 128, 2048>}, {transform_indices = @transform_6, window_bounds = array<i64: 128, 2048>}]} {
    %get3A = arith.constant 0 : index
    %get3A_0 = arith.constant 0 : index
    %get3A_1 = vector.load %arg1[%get3A, %get3A_0] : memref<128x2048xf32, #tpu.memory_space<vmem>>, vector<128x2048xf32>
    %mul3A = arith.mulf %get3A_1, %get3A_1 : vector<128x2048xf32>
    %get3A_2 = arith.constant 0 : index
    %get3A_3 = arith.constant 0 : index
    %get3A_4 = vector.load %arg3[%get3A_2, %get3A_3] : memref<1x2048xf32, #tpu.memory_space<vmem>>, vector<1x2048xf32>
    %ge3A = vector.broadcast %get3A_4 : vector<1x2048xf32> to vector<128x2048xf32>
    %ge3A_5 = arith.cmpf oge, %mul3A, %ge3A : vector<128x2048xf32>
    %get3A_6 = arith.constant 0 : index
    %get3A_7 = arith.constant 0 : index
    %get3A_8 = vector.load %arg2[%get3A_6, %get3A_7] : memref<1x2048xf32, #tpu.memory_space<vmem>>, vector<1x2048xf32>
    %gt3A = arith.constant 0.000000e+00 : f32
    %gt3A_9 = vector.broadcast %gt3A : f32 to vector<1x2048xf32>
    %gt3A_10 = arith.cmpf ogt, %get3A_8, %gt3A_9 : vector<1x2048xf32>
    %and3A = vector.broadcast %gt3A_10 : vector<1x2048xi1> to vector<128x2048xi1>
    %and3A_11 = arith.andi %ge3A_5, %and3A : vector<128x2048xi1>
    %jit3A = arith.constant 0.000000e+00 : f32
    %broadcast_in_dim3A = vector.broadcast %jit3A : f32 to vector<128x2048xf32>
    %select_n3A = arith.select %and3A_11, %get3A_1, %broadcast_in_dim3A : vector<128x2048xi1>, vector<128x2048xf32>
    %swap3A = arith.constant 0 : index
    %swap3A_12 = arith.constant 0 : index
    %swap3A_13 = vector.load %arg6[%swap3A, %swap3A_12] : memref<128x2048xf32, #tpu.memory_space<vmem>>, vector<128x2048xf32>
    tpu.vector_store %arg6[%swap3A, %swap3A_12], %select_n3A {strides = array<i32>} : memref<128x2048xf32, #tpu.memory_space<vmem>>, vector<128x2048xf32>,
    %convert_element_type3A = arith.extui %and3A_11 : vector<128x2048xi1> to vector<128x2048xi8>
    %swap3A_14 = arith.constant 0 : index
    %swap3A_15 = arith.constant 0 : index
    %swap3A_16 = vector.load %arg7[%swap3A_14, %swap3A_15] : memref<128x2048xi8, #tpu.memory_space<vmem>>, vector<128x2048xi8>
    tpu.vector_store %arg7[%swap3A_14, %swap3A_15], %convert_element_type3A {strides = array<i32>} : memref<128x2048xi8, #tpu.memory_space<vmem>>, vector<128x2048xi8>,
    return
  }
  func.func @transform_0(%arg0: i32) -> (i32, i32) {
    %add3A = arith.constant 24 : i32
    %add3A_0 = arith.addi %arg0, %add3A : i32
    %c0_i32 = arith.constant 0 : i32
    %c0_i32_1 = arith.constant 0 : i32
    return %c0_i32, %add3A_0 : i32, i32
  }
  func.func @transform_1(%arg0: i32) -> (i32, i32) {
    %add3A = arith.constant 24 : i32
    %add3A_0 = arith.addi %arg0, %add3A : i32
    %c0_i32 = arith.constant 0 : i32
    %c0_i32_1 = arith.constant 0 : i32
    return %c0_i32, %add3A_0 : i32, i32
  }
  func.func @transform_2(%arg0: i32) -> (i32, i32) {
    %c0_i32 = arith.constant 0 : i32
    %c0_i32_0 = arith.constant 0 : i32
    return %c0_i32, %arg0 : i32, i32
  }
  func.func @transform_5(%arg0: i32) -> (i32, i32) {
    %add3A = arith.constant 24 : i32
    %add3A_0 = arith.addi %arg0, %add3A : i32
    %c0_i32 = arith.constant 0 : i32
    %c0_i32_1 = arith.constant 0 : i32
    return %c0_i32, %add3A_0 : i32, i32
  }
  func.func @transform_6(%arg0: i32) -> (i32, i32) {
    %add3A = arith.constant 24 : i32
    %add3A_0 = arith.addi %arg0, %add3A : i32
    %c0_i32 = arith.constant 0 : i32
    %c0_i32_1 = arith.constant 0 : i32
    return %c0_i32, %add3A_0 : i32, i32
  }
}

</mosaic_0001>

<sc_bundles>
// kernel: kernel.15.cloned.1.call-start
scs
__scs_entry_jumppad:
0x0: {  	(pc) =	sbr.rel $0x88, $3  }
0x1: {  	(tag) =	ssettag $0x0;
	lr =	simm.s32 $0x1  }
0x2: {  	[smem:$0x3FA0] =	sst lr;
	_ =	strace $0xD0000000  }
0x3: {  	_ = 	snop  }
0x4: {  	_ = 	snop  }
0x5: {  	_ = 	snop  }
0x6: {  	_ = 	snop  }
0x7: {  	_ = 	snop  }
__scs_overlays_trampoline_lowered:
0x8: {  	[smem:$0x3FAF] =	sst s0  }
0x9: {  	[smem:$0x3FB0] =	sst s1  }
0xa: {  	[smem:$0x3FB1] =	sst s2  }
0xb: {  	[smem:$0x3FB2] =	sst s3  }
0xc: {  	[smem:$0x3FB3] =	sst s4  }
0xd: {  	[smem:$0x3FB4] =	sst s5  }
0xe: {  	[smem:$0x3FB5] =	sst s6  }
0xf: {  	[smem:$0x3FB6] =	sst s7  }
0x10: {  	[smem:$0x3FB7] =	sst s8  }
0x11: {  	[smem:$0x3FB8] =	sst s9;
	s0 =	simm.s32 @!p0 $0x0  }
0x12: {  	s1 =	sld [smem:$0x3F9E];
	s0 =	simm.s32 @p0 $0x1  }
0x13: {  	[smem:$0x3FB9] =	sst s0;
	s0 =	simm.s32 @!p1 $0x0  }
0x14: {  	s2 =	sld [smem:$0x3F9D];
	s0 =	simm.s32 @p1 $0x1  }
0x15: {  	[smem:$0x3FBA] =	sst s0;
	s0 =	simm.s32 @!p2 $0x0  }
0x16: {  	s3 =	sld [smem:$0x3FDB];
	s0 =	simm.s32 @p2 $0x1  }
0x17: {  	s4 =	simm.s32 $0x1BF5;
	[smem:$0x3FBC] =	sst s0  }
0x18: {  	s0 =	sld [smem:$0x3F9F];
	_ =	swait.ge [sflag:s4], $0x0  }
0x19: {  	s7 =	sld [smem:$0x3FA0]  }
0x1a: {  	s8 =	sadd.s32 $0xFFFFE003, lr  }
0x1b: {  	s9 =	sadd.s32 $0xFFFFFEF7, lr;
	s5 =	simm.s32 $0xFFFFFFFF;
	p2 =	slt.u32 s8, $0xFFFFF086  }
0x1c: {  	p1 =	slt.u32 s9, $0xF7A;
	s5 =	simm.s32 @!p2 $0x0  }
0x1d: {  	s5 =	simm.s32 @p1 $0x1;
	p0 =	seq.s32 s7, s2  }
0x1e: {  	s7 =	smul.u32 @!p0 $0xF7A, s2;
	p2 =	seq.s32 @!p0 s5, $0x0  }
0x1f: {  	s9 =	smul.u32 $0xF7A, s1;
	s8 =	simm.s32 @!p0 $0x1BF5;
	p2 =	por !p2, p0  }
0x20: {  	[sflag:s8] =	ssyncset.s32 @!p0 $0xFFFFF086;
	s6 =	sadd.s32 @!p0 s3, s7;
	s7 =	simm.s32 @!p0 $0x108  }
0x21: {  	s3 =	sadd.s32 s3, s9;
	s6 =	sadd.s32 @!p0 $0x88, s6;
	s7 =	simm.s32 @p2 $0x1082  }
0x22: {  	[simem:s7], [sflag:s8] =	dma.local @!p0 [hbm:s6], $0xF7A  }
0x23: {  	s9 =	sor.u32 $0xD0000000, s2;
	s6 =	simm.s32 $0x108;
	_ =	swait.ge @!p0 [sflag:s8], $0x0  }
0x24: {  	s3 =	sadd.s32 $0x88, s3;
	s6 =	simm.s32 @!p1 $0x1082;
	[sflag:s4] =	ssyncset.s32 $0xFFFFF086  }
0x25: {  	[simem:s6], [sflag:s4] =	dma.local [hbm:s3], $0xF7A  }
0x26: {  	[smem:$0x3FA0] =	sst s1;
	(tag) =	ssettag s2;
	_ =	strace s9  }
0x27: {  	s1 =	sld [smem:$0x3FB0]  }
0x28: {  	s2 =	sld [smem:$0x3FB1]  }
0x29: {  	s4 =	sld [smem:$0x3FB3]  }
0x2a: {  	p0 =	seq.s32 s5, $0x0;
	s5 =	sld [smem:$0x3FB4]  }
0x2b: {  	s6 =	sld [smem:$0x3FB5]  }
0x2c: {  	s7 =	sld [smem:$0x3FB6]  }
0x2d: {  	s3 =	simm.s32 $0x108;
	s8 =	sld [smem:$0x3FB7]  }
0x2e: {  	s3 =	simm.s32 @!p0 $0x1082;
	s9 =	sld [smem:$0x3FB8]  }
0x2f: {  	lr =	sadd.s32 s0, s3;
	s0 =	sld [smem:$0x3FAF]  }
0x30: {  	s3 =	sld [smem:$0x3FB2]  }
0x31: {  	[smem:$0x3FBB] =	sst s10  }
0x32: {  	s10 =	sld [smem:$0x3FB9];
	_ =	sdelay $0x3  }
0x33: {  	p0 =	seq.s32 s10, $0x1;
	s10 =	sld [smem:$0x3FBB];
	_ =	sdelay $0x3  }
0x34: {  	[smem:$0x3FBB] =	sst s10  }
0x35: {  	s10 =	sld [smem:$0x3FBA];
	_ =	sdelay $0x3  }
0x36: {  	p1 =	seq.s32 s10, $0x1;
	s10 =	sld [smem:$0x3FBB];
	_ =	sdelay $0x3  }
0x37: {  	[smem:$0x3FBB] =	sst s10  }
0x38: {  	s10 =	sld [smem:$0x3FBC]  }
0x39: {  	_ = 	snop;
	(pc) =	sbr.ind lr, $3  }
0x3a: {  	_ = 	snop  }
0x3b: {  	_ = 	snop  }
0x3c: {  	p2 =	seq.s32 s10, $0x1;
	s10 =	sld [smem:$0x3FBB]  }
0x3d: {  	_ =	shalt  }
0x3e: {  	_ =	shalt  }
0x3f: {  	_ =	shalt  }
0x40: {  	_ =	shalt  }
0x41: {  	_ =	shalt  }
0x42: {  	_ =	shalt  }
0x43: {  	_ =	shalt  }
0x44: {  	_ =	shalt  }
0x45: {  	_ =	shalt  }
0x46: {  	_ =	shalt  }
0x47: {  	_ =	shalt  }
0x48: {  	_ =	shalt  }
0x49: {  	_ =	shalt  }
0x4a: {  	_ =	shalt  }
0x4b: {  	_ =	shalt  }
0x4c: {  	_ =	shalt  }
0x4d: {  	_ =	shalt  }
0x4e: {  	_ =	shalt  }
0x4f: {  	_ =	shalt  }
0x50: {  	_ =	shalt  }
0x51: {  	_ =	shalt  }
0x52: {  	_ =	shalt  }
0x53: {  	_ =	shalt  }
0x54: {  	_ =	shalt  }
0x55: {  	_ =	shalt  }
0x56: {  	_ =	shalt  }
0x57: {  	_ =	shalt  }
0x58: {  	_ =	shalt  }
0x59: {  	_ =	shalt  }
0x5a: {  	_ =	shalt  }
0x5b: {  	_ =	shalt  }
0x5c: {  	_ =	shalt  }
0x5d: {  	_ =	shalt  }
0x5e: {  	_ =	shalt  }
0x5f: {  	_ =	shalt  }
0x60: {  	_ =	shalt  }
0x61: {  	_ =	shalt  }
0x62: {  	_ =	shalt  }
0x63: {  	_ =	shalt  }
0x64: {  	_ =	shalt  }
0x65: {  	_ =	shalt  }
0x66: {  	_ =	shalt  }
0x67: {  	_ =	shalt  }
0x68: {  	_ =	shalt  }
0x69: {  	_ =	shalt  }
0x6a: {  	_ =	shalt  }
0x6b: {  	_ =	shalt  }
0x6c: {  	_ =	shalt  }
0x6d: {  	_ =	shalt  }
0x6e: {  	_ =	shalt  }
0x6f: {  	_ =	shalt  }
0x70: {  	_ =	shalt  }
0x71: {  	_ =	shalt  }
0x72: {  	_ =	shalt  }
0x73: {  	_ =	shalt  }
0x74: {  	_ =	shalt  }
0x75: {  	_ =	shalt  }
0x76: {  	_ =	shalt  }
0x77: {  	_ =	shalt  }
0x78: {  	_ =	shalt  }
0x79: {  	_ =	shalt  }
0x7a: {  	_ =	shalt  }
0x7b: {  	_ =	shalt  }
0x7c: {  	_ =	shalt  }
0x7d: {  	_ =	shalt  }
0x7e: {  	_ =	shalt  }
0x7f: {  	_ =	shalt  }
0x80: {  	_ =	shalt  }
0x81: {  	_ =	shalt  }
0x82: {  	_ =	shalt  }
0x83: {  	_ =	shalt  }
0x84: {  	_ =	shalt  }
0x85: {  	_ =	shalt  }
0x86: {  	_ =	shalt  }
0x87: {  	_ =	shalt  }
.Lfunc_end0:
.L_simem_size_0:
called_computation_lowered:
.L_overlay_start_0:
0x88: {  	s2 =	sld [smem:$0x3FD9]  }
0x89: {  	s3 =	sld [smem:$0x3FFE];
	_ =	sdelay $0x1  }
0x8a: {  	s1 =	srdreg.scid  }
0x8b: {  	s0 =	sand.u32 $0x1, s1  }
0x8c: {  	s14 =	sshll.u32 s0, $0xA;
	s2 =	sadd.s32 s3, s2  }
0x8d: {  	s2 =	sadd.s32 s2, s14  }
0x8e: {  	[smem:$0x3FC7] =	sst s2  }
0x8f: {  	_ = 	snop  }
0x90: {  	s2 =	sld [smem:$0x3FD0];
	_ =	sdelay $0x2  }
0x91: {  	s15 =	simm.s32 $0xD;
	s4 =	simm.s32 $0x10  }
0x92: {  	[smem:s4], [sflag:s15] =	dma.local [hbm:s2], $0x1  }
0x93: {  	_ =	swait.eq [sflag:s15], $0x1  }
0x94: {  	[sflag:s15] =	ssyncset.done $0x0  }
0x95: {  	[sflag:s15] =	ssyncadd.s32 $0xFFFFFFFF  }
0x96: {  	s16 =	sld [smem:$0x10];
	(tm) =	ssettm $0x1  }
0x97: {  	s17 =	sld [smem:$0x3FFB];
	_ =	sdelay $0x3  }
0x98: {  	_ =	strace s17  }
0x99: {  	s3 =	sld [smem:$0x3FFC];
	_ =	sdelay $0x3  }
0x9a: {  	_ =	strace s3  }
0x9b: {  	s3 =	sld [smem:$0x3FFD];
	_ =	sdelay $0x3  }
0x9c: {  	_ =	strace s3  }
0x9d: {  	_ =	strace $0x8FFFFFFF  }
0x9e: {  	s18 =	sld [smem:$0x3FDB];
	_ =	sdelay $0x1  }
0x9f: {  	s19 =	simm.s32 $_scs_section_size  }
0xa0: {  	s5 =	simm.s32 $_size__tile_overlayer_lowered;
	s6 =	simm.s32 $_tile_overlayer_lowered  }
0xa1: {  	s22 =	simm.s32 $0x1BFF;
	s21 =	sshll.u32 s6, $0x1;
	s3 =	sadd.s32 s19, s18  }
0xa2: {  	s7 =	simm.s32 $0x0;
	s20 =	sshll.u32 s5, $0x1;
	s5 =	sadd.s32 s21, s3  }
0xa3: {  	[timem:s7], [sflag:s22] =	dma.local [hbm:s5], s20  }
0xa4: {  	_ =	swait.ge [sflag:s22], s20  }
0xa5: {  	s4 =	ssub.s32 $0x0, s20;
	[sflag:s22] =	ssyncset.done $0x0  }
0xa6: {  	[sflag:s22] =	ssyncadd.s32 s4;
	_ =	sdelay $0x1  }
0xa7: {  	s23 =	simm.s32 $0x1B8B  }
0xa8: {  	_ =	swait.ge [sflag:s23], $0x1  }
0xa9: {  	[sflag:s23] =	ssyncset.done $0x0  }
0xaa: {  	s25 =	simm.s32 $0x1B8E;
	s24 =	sld [smem:$0x3FFE];
	[sflag:s23] =	ssyncadd.s32 $0xFFFFFFFF  }
0xab: {  	s26 =	simm.s32 $execute0_lowered;
	[smem:$0x3FD2] =	sst s25  }
0xac: {  	s5 =	sshll.u32 s26, $0x1;
	_ =	strace $0x80000046;
	[dreg:$0x1] =	wrdreg $0xFFFFFFFF  }
0xad: {  	s28 =	simm.s32 $_size_execute0_lowered;
	s3 =	sadd.s32 s3, s5;
	[dreg:$0x0] =	wrdreg $0x0  }
0xae: {  	s5 =	sshll.u32 s28, $0x1;
	[dreg:$0x2] =	wrdreg s3  }
0xaf: {  	[dreg:$0x3] =	wrdreg s5  }
0xb0: {  	[dreg:$0x4] =	wrdreg $0xC0  }
0xb1: {  	_ =	task [dreg:s7], $0x5FFFF  }
0xb2: {  	[dreg:$0x1] =	wrdreg $0xFFFFFFFF  }
0xb3: {  	[dreg:$0x0] =	wrdreg $0x60  }
0xb4: {  	[dreg:$0x2] =	wrdreg s16  }
0xb5: {  	[dreg:$0x3] =	wrdreg s24  }
0xb6: {  	[dreg:$0x4] =	wrdreg $0x9  }
0xb7: {  	_ =	task.clear_ibuf [dreg:s7], $0x5FFFF;
	_ =	strace $0x90000046  }
0xb8: {  	s29 =	simm.s32 $0x9;
	_ =	strace $0x80000048  }
0xb9: {  	_ =	swait.ge [sflag:s29], $0x1  }
0xba: {  	[sflag:s29] =	ssyncadd.s32 $0xFFFFFFFF  }
0xbb: {  	_ =	strace $0x90000048  }
0xbc: {  	_ =	sfence  }
0xbd: {  	s30 =	sld [smem:$0x0];
	_ =	sdelay $0x2  }
0xbe: {  	s31 =	sshll.u32 s1, $0xD;
	s1 =	sshrl.u32 s1, $0x2  }
0xbf: {  	s3 =	sand.u32 $0x4000, s31;
	s1 =	sadd.s32 s1, s30  }
0xc0: {  	s0 =	sor.u32 s3, s0;
	s1 =	sshll.u32 s1, $0x11  }
0xc1: {  	s0 =	sor.u32 s1, s0  }
0xc2: {  	s0 =	sadd.s32 $0x8F2B, s0  }
0xc3: {  	[sflag:s0] =	ssyncadd.remote.s32 $0x1  }
0xc4: {  	_ =	sfence.sel $0xFFFF  }
0xc5: {  	[dreg:$0x0] =	wrdreg $0xFFFFFFFF;
	(pc) =	sbr.abs _section_cstart, $3  }
0xc6: {  	[dreg:$0x1] =	wrdreg $0xFFFFFFFF  }
0xc7: {  	_ =	task.clear_ibuf [dreg:s7], $0x2FFFF;
	_ =	strace $0x9FFFFFFF  }
0xc8: {  	(tm) =	ssettm $0x7FFFFFFF  }
0xc9: {  	_ =	shalt  }
tec
execute0_lowered:
.L_overlay_start_1:
0x0: {  	(tag) =	ssettag $0x1  }
0x1: {  	s3 =	rddreg [dreg:$0x0]  }
0x2: {  	s4 =	rddreg [dreg:$0x1];
	s2 =	srdreg.scid  }
0x3: {  	s0 =	rddreg [dreg:$0x2];
	s1 =	stileid.u32;
	s5 =	sand.u32 $0x1, s2  }
0x4: {  	s2 =	simm.s32 $0x0;
	s6 =	sshll.u32 s1, $0xA;
	s7 =	sshll.u32 s5, $0x9  }
0x5: {  	[smem:$0x7FF] =	sst s2;
	s5 =	ssub.s32 $0x2, s5;
	s6 =	sor.u32 s7, s6  }
0x6: {  	v0 =	vlaneseq.u32;
	_ =	strace $0x80000047;
	s8 =	sshrl.u32 s5, $0x1;
	s7 =	sshrl.u32 s6, $0x3  }
0x7: {  	v1 =	vmul.u32 $0xFFFFFFFF, v0;
	s5 =	ssub.s32 s5, s8;
	s6 =	sshll.u32 s6, $0x4;
	s8 =	simm.s32 $0x0  }
0x8: {  	s4 =	sadd.s32 s7, s4;
	s3 =	sadd.s32 s3, s6;
	s5 =	smax.u32 s5, $0x1  }
0x9: {  	v1 =	vadd.s32 $0xF, v1;
	s6 =	simm.s32 $0x1;
	s7 =	simm.s32 $0x10000;
	s4 =	sadd.s32 $0x3000, s4  }
.LBB2_1:
0xa: {  	[tilespmem:s2], [sflag:$0x1] =	stream.linear.gather [hbm4b:s3+s2], $0x10000, $0x38;
	[tilespmem:$0x10200] =	vst v63  }
0xb: {  	_ =	swait.ge [sflag:s6], $0x10000  }
0xc: {  	[sflag:s6] =	ssyncset.done $0x0  }
0xd: {  	s9 =	simm.s32 $0x40;
	s10 =	simm.s32 $0x0;
	[sflag:s6] =	ssyncadd.s32 $0xFFFF0000  }
.LBB2_2:
0xe: {  	v2 =	vld [tilespmem:s9+$0xFFFFFFC0]  }
0xf: {  	v3 =	vld [tilespmem:s9+$0xFFFFFFE0]  }
0x10: {  	v4 =	vld [tilespmem:s9+$0x0]  }
0x11: {  	v5 =	vld [tilespmem:s9+$0xFFFFFFD0]  }
0x12: {  	v6 =	vld [tilespmem:s9+$0x30]  }
0x13: {  	v7 =	vld [tilespmem:s9+$0x20];
	(xrf1) =	vsort.ascd.msk.f32 $0xffff, v2, v2  }
0x14: {  	v2 =	vld [tilespmem:s9+$0x10];
	(xrf1) =	vsort.ascd.msk.f32 $0xffff, v3, v3  }
0x15: {  	(xrf1) =	vsort.ascd.msk.f32 $0xffff, v4, v4  }
0x16: {  	(xrf1) =	vsort.ascd.msk.f32 $0xffff, v5, v5  }
0x17: {  	(xrf1) =	vsort.ascd.msk.f32 $0xffff, v6, v6  }
0x18: {  	(xrf1) =	vsort.ascd.msk.f32 $0xffff, v7, v7  }
0x19: {  	(xrf1) =	vsort.ascd.msk.f32 $0xffff, v2, v2  }
0x1a: {  	v3 =	vld [tilespmem:s9+$0xFFFFFFF0];
	_ =	sdelay $0x4  }
0x1b: {  	(xrf1) =	vsort.ascd.msk.f32 $0xffff, v3, v3  }
0x1c: {  	s11 =	sadd.s32 $0x80, s9  }
0x1d: {  	v2 =	vld [tilespmem:s11+$0xFFFFFFC0];
	v3, _, _ =	vpop (xrf1)  }
0x1e: {  	v4 =	vld [tilespmem:s11+$0xFFFFFFE0];
	v5, _, _ =	vpop (xrf1)  }
0x1f: {  	v6 =	vld [tilespmem:s11+$0x0];
	v7, _, _ =	vpop (xrf1)  }
0x20: {  	v8, _, _ =	vpop (xrf1)  }
0x21: {  	v9, _, _ =	vpop (xrf1)  }
0x22: {  	v10 =	vld [tilespmem:s11+$0xFFFFFFD0];
	v8 =	vperm.xlane v8, v1;
	(xrf1) =	vsort.ascd.msk.f32 $0xffff, v2, v2;
	v2, _, _ =	vpop (xrf1)  }
0x23: {  	(xrf1) =	vsort.ascd.msk.f32 $0xffff, v4, v4;
	v4, _, _ =	vpop (xrf1)  }
0x24: {  	v12 =	vld [tilespmem:s11+$0x30];
	v11 =	vmin.f32 v3, v8;
	(xrf1) =	vsort.ascd.msk.f32 $0xffff, v6, v6;
	v4 =	vperm.xlane v4, v1  }
0x25: {  	v6 =	vld [tilespmem:s11+$0x20];
	v3 =	vmax.f32 v3, v8;
	(xrf1) =	vsort.ascd.msk.f32 $0xffff, v11, v11  }
0x26: {  	v8 =	vld [tilespmem:s11+$0x10];
	(xrf1) =	vsort.ascd.msk.f32 $0xffff, v3, v3;
	v3 =	vmax.f32 v7, v4  }
0x27: {  	(xrf1) =	vsort.ascd.msk.f32 $0xffff, v10, v10  }
0x28: {  	(xrf1) =	vsort.ascd.msk.f32 $0xffff, v3, v3  }
0x29: {  	(xrf1) =	vsort.ascd.msk.f32 $0xffff, v12, v12;
	v3, _, _ =	vpop (xrf1)  }
0x2a: {  	v10 =	vld [tilespmem:s11+$0xFFFFFFF0];
	(xrf1) =	vsort.ascd.msk.f32 $0xffff, v6, v6;
	v3 =	vperm.xlane v3, v1  }
0x2b: {  	v6 =	vperm.xlane v9, v1;
	(xrf1) =	vsort.ascd.msk.f32 $0xffff, v8, v8  }
0x2c: {  	v8 =	vmax.f32 v5, v3  }
0x2d: {  	v9 =	vmax.f32 v2, v6;
	(xrf1) =	vsort.ascd.msk.f32 $0xffff, v8, v8  }
0x2e: {  	(xrf1) =	vsort.ascd.msk.f32 $0xffff, v9, v9  }
0x2f: {  	(xrf1) =	vsort.ascd.msk.f32 $0xffff, v10, v10  }
0x30: {  	v2 =	vmin.f32 v2, v6;
	v8, _, _ =	vpop (xrf1)  }
0x31: {  	s11 =	sadd.s32 $0x80, s11;
	v4 =	vmin.f32 v7, v4;
	v9, _, _ =	vpop (xrf1)  }
0x32: {  	v10 =	vld [tilespmem:s11+$0xFFFFFFC0];
	(xrf1) =	vsort.ascd.msk.f32 $0xffff, v2, v2;
	v6, _, _ =	vpop (xrf1)  }
0x33: {  	v7 =	vld [tilespmem:s11+$0xFFFFFFE0];
	v3 =	vmin.f32 v5, v3;
	(xrf1) =	vsort.ascd.msk.f32 $0xffff, v4, v4;
	v2, _, _ =	vpop (xrf1)  }
0x34: {  	v11 =	vld [tilespmem:s11+$0x0];
	v4, _, _ =	vpop (xrf1)  }
0x35: {  	(xrf1) =	vsort.ascd.msk.f32 $0xffff, v3, v3;
	v5, _, _ =	vpop (xrf1)  }
0x36: {  	v3, _, _ =	vpop (xrf1)  }
0x37: {  	v13 =	vld [tilespmem:s11+$0xFFFFFFD0];
	(xrf1) =	vsort.ascd.msk.f32 $0xffff, v10, v10;
	v5 =	vperm.xlane v5, v1;
	v12, _, _ =	vpop (xrf1)  }
0x38: {  	(xrf1) =	vsort.ascd.msk.f32 $0xffff, v7, v7;
	v10, _, _ =	vpop (xrf1)  }
0x39: {  	v15 =	vld [tilespmem:s11+$0x30];
	(xrf1) =	vsort.ascd.msk.f32 $0xffff, v11, v11;
	v14 =	vmin.f32 v8, v5;
	v5 =	vmax.f32 v8, v5;
	v7, _, _ =	vpop (xrf1)  }
0x3a: {  	v11 =	vld [tilespmem:s11+$0x20];
	(xrf1) =	vsort.ascd.msk.f32 $0xffff, v14, v14;
	v7 =	vperm.xlane v7, v1  }
0x3b: {  	v14 =	vld [tilespmem:s11+$0x10];
	(xrf1) =	vsort.ascd.msk.f32 $0xffff, v5, v5;
	v8, _, _ =	vpop (xrf1)  }
0x3c: {  	(xrf1) =	vsort.ascd.msk.f32 $0xffff, v13, v13;
	v16 =	vmax.f32 v6, v7;
	v5, _, _ =	vpop (xrf1)  }
0x3d: {  	(xrf1) =	vsort.ascd.msk.f32 $0xffff, v16, v16;
	v13, _, _ =	vpop (xrf1)  }
0x3e: {  	v12 =	vperm.xlane v12, v1;
	v16 =	vld [tilespmem:s11+$0xFFFFFFF0];
	(xrf1) =	vsort.ascd.msk.f32 $0xffff, v15, v15;
	v13 =	vperm.xlane v13, v1  }
0x3f: {  	v6 =	vmin.f32 v6, v7;
	v5 =	vperm.xlane v5, v1;
	(xrf1) =	vsort.ascd.msk.f32 $0xffff, v11, v11  }
0x40: {  	v11, _, _ =	vpop (xrf1);
	(xrf1) =	vsort.ascd.msk.f32 $0xffff, v14, v14;
	v14 =	vmax.f32 v10, v12;
	v7 =	vmax.f32 v9, v13  }
0x41: {  	(xrf1) =	vsort.ascd.msk.f32 $0xffff, v7, v7;
	v7 =	vperm.xlane v8, v1;
	v8 =	vperm.xlane v11, v1;
	v11, _, _ =	vpop (xrf1)  }
0x42: {  	v10 =	vmin.f32 v10, v12;
	(xrf1) =	vsort.ascd.msk.f32 $0xffff, v14, v14;
	v14 =	vmax.f32 v11, v5  }
0x43: {  	v5 =	vmin.f32 v11, v5;
	v11, _, _ =	vpop (xrf1);
	(xrf1) =	vsort.ascd.msk.f32 $0xffff, v16, v16;
	v12 =	vmin.f32 v3, v8  }
0x44: {  	(xrf1) =	vsort.ascd.msk.f32 $0xffff, v10, v10;
	v10 =	vperm.xlane v11, v1  }
0x45: {  	v15, _, _ =	vpop (xrf1);
	v11 =	vmin.f32 v5, v12;
	v5 =	vmax.f32 v5, v12;
	(xrf1) =	vsort.ascd.msk.f32 $0xffff, v6, v6  }
0x46: {  	v6 =	vmax.f32 v2, v7;
	v12, _, _ =	vpop (xrf1);
	(xrf1) =	vsort.ascd.msk.f32 $0xffff, v11, v11;
	v11 =	vmax.f32 v4, v10  }
0x47: {  	v9 =	vmin.f32 v9, v13;
	v13, _, _ =	vpop (xrf1);
	(xrf1) =	vsort.ascd.msk.f32 $0xffff, v5, v5;
	v5 =	vmin.f32 v6, v11  }
0x48: {  	v8 =	vmax.f32 v3, v8;
	v3, _, _ =	vpop (xrf1)  }
0x49: {  	(xrf1) =	vsort.ascd.msk.f32 $0xffff, v9, v9;
	v16, _, _ =	vpop (xrf1)  }
0x4a: {  	s16 =	sadd.s32 $0x80, s11;
	v4 =	vmin.f32 v4, v10;
	v9 =	vmin.f32 v14, v8;
	(xrf1) =	vsort.ascd.msk.f32 $0xffff, v5, v5;
	v5, _, _ =	vpop (xrf1)  }
0x4b: {  	v6 =	vmax.f32 v6, v11;
	v8 =	vmax.f32 v14, v8;
	(xrf1) =	vsort.ascd.msk.f32 $0xffff, v9, v9;
	v9 =	vld [tilespmem:s16+$0xFFFFFFC0];
	v10, _, _ =	vpop (xrf1)  }
0x4c: {  	v2 =	vmin.f32 v2, v7;
	v14 =	vld [tilespmem:s16+$0xFFFFFFE0];
	(xrf1) =	vsort.ascd.msk.f32 $0xffff, v6, v6;
	v11, _, _ =	vpop (xrf1)  }
0x4d: {  	v17 =	vmax.f32 v2, v4;
	v6 =	vld [tilespmem:s16+$0x0];
	(xrf1) =	vsort.ascd.msk.f32 $0xffff, v8, v8;
	v7, _, _ =	vpop (xrf1)  }
0x4e: {  	v2 =	vmin.f32 v2, v4;
	v8, _, _ =	vpop (xrf1);
	(xrf1) =	vsort.ascd.msk.f32 $0xffff, v17, v17  }
0x4f: {  	v11 =	vperm.xlane v11, v1;
	v4 =	vperm.xlane v8, v1;
	v8, _, _ =	vpop (xrf1);
	(xrf1) =	vsort.ascd.msk.f32 $0xffff, v2, v2  }
0x50: {  	v5 =	vperm.xlane v5, v1;
	v2 =	vld [tilespmem:s16+$0xFFFFFFD0];
	v17, _, _ =	vpop (xrf1);
	(xrf1) =	vsort.ascd.msk.f32 $0xffff, v9, v9  }
0x51: {  	v22 =	vmin.f32 v7, v11;
	v18, _, _ =	vpop (xrf1);
	(xrf1) =	vsort.ascd.msk.f32 $0xffff, v14, v14  }
0x52: {  	v19 =	vld [tilespmem:s16+$0x30];
	v14 =	vmin.f32 v15, v5;
	v5 =	vmax.f32 v15, v5;
	(xrf1) =	vsort.ascd.msk.f32 $0xffff, v6, v6  }
0x53: {  	v21 =	vld [tilespmem:s16+$0x20];
	v9 =	vmin.f32 v13, v4;
	v17 =	vperm.xlane v17, v1;
	v20, _, _ =	vpop (xrf1);
	(xrf1) =	vsort.ascd.msk.f32 $0xffff, v14, v14  }
0x54: {  	v4 =	vmax.f32 v13, v4;
	v6 =	vperm.xlane v8, v1;
	v8, _, _ =	vpop (xrf1);
	v14 =	vld [tilespmem:s16+$0x10];
	(xrf1) =	vsort.ascd.msk.f32 $0xffff, v5, v5  }
0x55: {  	v7 =	vmax.f32 v7, v11;
	v18 =	vperm.xlane v18, v1;
	v5, _, _ =	vpop (xrf1);
	(xrf1) =	vsort.ascd.msk.f32 $0xffff, v2, v2  }
0x56: {  	v15 =	vperm.xlane v20, v1;
	v60 =	vmax.f32 v8, v17;
	v2, _, _ =	vpop (xrf1);
	(xrf1) =	vsort.ascd.msk.f32 $0xffff, v4, v4  }
0x57: {  	v11 =	vld [tilespmem:s16+$0xFFFFFFF0];
	v8 =	vmin.f32 v8, v17;
	v13 =	vmax.f32 v12, v18;
	v4, _, _ =	vpop (xrf1);
	(xrf1) =	vsort.ascd.msk.f32 $0xffff, v19, v19  }
0x58: {  	v62 =	vmax.f32 v3, v6;
	v18 =	vmin.f32 v12, v18;
	v17, _, _ =	vpop (xrf1);
	(xrf1) =	vsort.ascd.msk.f32 $0xffff, v21, v21  }
0x59: {  	v5 =	vperm.xlane v5, v1;
	v2 =	vperm.xlane v2, v1;
	v61, _, _ =	vpop (xrf1);
	(xrf1) =	vsort.ascd.msk.f32 $0xffff, v14, v14  }
0x5a: {  	v4 =	vperm.xlane v4, v1;
	v19 =	vmin.f32 v10, v15;
	v25, _, _ =	vpop (xrf1);
	(xrf1) =	vsort.ascd.msk.f32 $0xffff, v13, v13  }
0x5b: {  	v23 =	vmin.f32 v8, v19;
	v8 =	vmax.f32 v8, v19;
	(xrf1) =	vsort.ascd.msk.f32 $0xffff, v7, v7;
	v7, _, _ =	vpop (xrf1)  }
0x5c: {  	v2 =	vmax.f32 v17, v2;
	v14 =	vperm.xlane v61, v1;
	(xrf1) =	vsort.ascd.msk.f32 $0xffff, v11, v11;
	v11, _, _ =	vpop (xrf1)  }
0x5d: {  	v24 =	vmax.f32 v16, v4;
	v12 =	vmin.f32 v16, v4;
	v16 =	vmax.f32 v10, v15;
	v19, _, _ =	vpop (xrf1)  }
0x5e: {  	v13 =	vmin.f32 v62, v24;
	v15 =	vmin.f32 v60, v16;
	(xrf1) =	vsort.ascd.msk.f32 $0xffff, v22, v22;
	v10, _, _ =	vpop (xrf1)  }
0x5f: {  	v5 =	vmax.f32 v25, v5;
	v7 =	vperm.xlane v7, v1;
	(xrf1) =	vsort.ascd.msk.f32 $0xffff, v9, v9;
	v4, _, _ =	vpop (xrf1)  }
0x60: {  	v63 =	vmax.f32 v11, v14;
	v14 =	vmax.f32 v60, v16;
	(xrf1) =	vsort.ascd.msk.f32 $0xffff, v23, v23;
	v9, _, _ =	vpop (xrf1)  }
0x61: {  	s13 =	simm.s32 $0x0;
	s12 =	simm.s32 $0x1;
	s14 =	simm.s32 $0x3;
	v16 =	vmax.f32 v62, v24;
	(xrf1) =	vsort.ascd.msk.f32 $0xffff, v8, v8;
	v8 =	vmax.f32 v19, v7;
	v11, _, _ =	vpop (xrf1)  }
0x62: {  	s15 =	simm.s32 $0x4;
	s11 =	simm.s32 $0x2;
	s16 =	sadd.s32 $0x80, s16;
	v7 =	vmin.f32 v2, v5;
	v2 =	vimm.f32 $0.0e+00;
	(xrf1) =	vsort.ascd.msk.f32 $0xffff, v18, v18;
	v8 =	vmin.f32 v8, v63;
	v5, _, _ =	vpop (xrf1)  }
.LBB2_3:
0x63: {  	v17 =	vld [tilespmem:s16+$0x20];
	p0 =	sne.s32 s15, $0xF;
	v18, _, _ =	vpop (xrf1);
	(xrf1) =	vsort.ascd.msk.f32 $0xffff, v13, v13;
	s17 =	smov.u32 s15;
	s15 =	sadd.s32 $0x1, s15  }
0x64: {  	v7 =	vmin.f32 v8, v7;
	v13 =	vld [tilespmem:s16+$0xFFFFFFC0];
	v19, _, _ =	vpop (xrf1);
	(xrf1) =	vsort.ascd.msk.f32 $0xffff, v15, v15  }
0x65: {  	v8 =	vld [tilespmem:s16+$0x0];
	v15, _, _ =	vpop (xrf1);
	(xrf0) =	vmin.scan.msk.f32 $0xffff, v7  }
0x66: {  	v6 =	vmin.f32 v3, v6;
	v3 =	vmov v11;
	v7 =	vld [tilespmem:s16+$0xFFFFFFE0];
	v20, _, _ =	vpop (xrf1);
	(xrf1) =	vsort.ascd.msk.f32 $0xffff, v16, v16  }
0x67: {  	v21 =	vmax.f32 v6, v12;
	v11 =	vld [tilespmem:s16+$0xFFFFFFD0];
	v16, _, _ =	vpop (xrf1);
	(xrf1) =	vsort.ascd.msk.f32 $0xffff, v14, v14  }
0x68: {  	v6 =	vmin.f32 v6, v12;
	v14 =	vld [tilespmem:s16+$0xFFFFFFF0];
	v16 =	vperm.xlane v16, v1;
	v22, _, _ =	vpop (xrf1);
	(xrf1) =	vsort.ascd.msk.f32 $0xffff, v21, v21  }
0x69: {  	v12 =	vperm.xlane v18, v1;
	v18, _, _ =	vpop (xrf1);
	(xrf1) =	vsort.ascd.msk.f32 $0xffff, v6, v6  }
0x6a: {  	v21 =	vld [tilespmem:s16+$0x10];
	(xrf1) =	vsort.ascd.msk.f32 $0xffff, v13, v13;
	v23 =	vmin.f32 v9, v16;
	v13 =	vperm.xlane v15, v1;
	v15, _, _ =	vpop (xrf1)  }
0x6b: {  	v18 =	vperm.xlane v18, v1;
	(xrf1) =	vsort.ascd.msk.f32 $0xffff, v7, v7;
	v7 =	vmin.f32 v10, v12;
	v24, _, _ =	vpop (xrf0)  }
0x6c: {  	v6 =	vperm.xlane v22, v1;
	v25 =	vld [tilespmem:s16+$0x30];
	(xrf1) =	vsort.ascd.msk.f32 $0xffff, v8, v8;
	v8 =	vmax.f32 v10, v12;
	v10, _, _ =	vpop (xrf1);
	v12 =	vbroadcast v24, $0xF  }
0x6d: {  	v9 =	vmax.f32 v9, v16;
	(xrf1) =	vsort.ascd.msk.f32 $0xffff, v7, v7;
	v7 =	vperm.xlane v10, v1;
	v10, _, _ =	vpop (xrf1)  }
0x6e: {  	v22 =	vmov s13;
	s13 =	smov.u32 s12;
	s12 =	smov.u32 s11;
	s11 =	smov.u32 s14;
	v15 =	vperm.xlane v15, v1;
	(xrf1) =	vsort.ascd.msk.f32 $0xffff, v8, v8;
	v8 =	vmax.f32 v10, v18;
	v16, _, _ =	vpop (xrf1)  }
0x6f: {  	s14 =	smov.u32 s17;
	vm0 =	veq.s32 v22, v0;
	(xrf1) =	vsort.ascd.msk.f32 $0xffff, v11, v11;
	v11 =	vmin.f32 v20, v13;
	v24, _, _ =	vpop (xrf1)  }
0x70: {  	v13 =	vmax.f32 v20, v13;
	(xrf1) =	vsort.ascd.msk.f32 $0xffff, v9, v9;
	v9 =	vmin.f32 v10, v18;
	v10, _, _ =	vpop (xrf1)  }
0x71: {  	v2 =	vsel vm0, v12, v2;
	v18 =	vmax.f32 v4, v15;
	(xrf1) =	vsort.ascd.msk.f32 $0xffff, v25, v25;
	v20, _, _ =	vpop (xrf1)  }
0x72: {  	v10 =	vperm.xlane v10, v1;
	(xrf1) =	vsort.ascd.msk.f32 $0xffff, v17, v17;
	v17 =	vmin.f32 v19, v7;
	v12, _, _ =	vpop (xrf1)  }
0x73: {  	(xrf1) =	vsort.ascd.msk.f32 $0xffff, v21, v21;
	v21 =	vmin.f32 v9, v17;
	v22 =	vperm.xlane v12, v1  }
0x74: {  	v25 =	vmax.f32 v5, v10;
	(xrf1) =	vsort.ascd.msk.f32 $0xffff, v18, v18;
	v18 =	vmax.f32 v3, v6;
	v26, _, _ =	vpop (xrf1)  }
0x75: {  	v24 =	vperm.xlane v24, v1;
	(xrf1) =	vsort.ascd.msk.f32 $0xffff, v13, v13;
	v13 =	vmin.f32 v18, v25;
	v27, _, _ =	vpop (xrf1)  }
0x76: {  	v28 =	vmin.f32 v4, v15;
	v16 =	vperm.xlane v16, v1;
	(xrf1) =	vsort.ascd.msk.f32 $0xffff, v14, v14;
	v4, _, _ =	vpop (xrf1)  }
0x77: {  	v12 =	vmin.f32 v5, v10;
	v5 =	vmax.f32 v19, v7;
	v7 =	vmax.f32 v9, v17;
	v17, _, _ =	vpop (xrf1)  }
.Ltmp0:
0x78: {  	v15 =	vmin.f32 v8, v5;
	v19 =	vmax.f32 v4, v22;
	v10, _, _ =	vpop (xrf1);
	(xrf1) =	vsort.ascd.msk.f32 $0xffff, v11, v11;
	(pc) =	sbr.rel @p0 .LBB2_3-.Ltmp0, $4  }
0x79: {  	v14 =	vmax.f32 v8, v5;
	v22 =	vperm.xlane v27, v1;
	v4, _, _ =	vpop (xrf1);
	(xrf1) =	vsort.ascd.msk.f32 $0xffff, v23, v23  }
0x7a: {  	v16 =	vmax.f32 v26, v16;
	v8 =	vmax.f32 v20, v24;
	v9, _, _ =	vpop (xrf1);
	(xrf1) =	vsort.ascd.msk.f32 $0xffff, v21, v21  }
0x7b: {  	v17 =	vmax.f32 v17, v22;
	v11, _, _ =	vpop (xrf1);
	(xrf1) =	vsort.ascd.msk.f32 $0xffff, v7, v7;
	v7 =	vmin.f32 v8, v16  }
0x7c: {  	s16 =	sadd.s32 $0x80, s16;
	v16 =	vmax.f32 v18, v25;
	v8 =	vmin.f32 v17, v19;
	v5, _, _ =	vpop (xrf1);
	(xrf1) =	vsort.ascd.msk.f32 $0xffff, v28, v28  }
0x7d: {  	v17, _, _ =	vpop (xrf1)  }
0x7e: {  	v18, _, _ =	vpop (xrf1)  }
0x7f: {  	(xrf1) =	vsort.ascd.msk.f32 $0xffff, v13, v13;
	v3 =	vmin.f32 v3, v6;
	v24, _, _ =	vpop (xrf1)  }
0x80: {  	(xrf1) =	vsort.ascd.msk.f32 $0xffff, v15, v15;
	v27 =	vmax.f32 v3, v12;
	v25, _, _ =	vpop (xrf1)  }
0x81: {  	v17 =	vperm.xlane v17, v1;
	v3 =	vmin.f32 v3, v12;
	(xrf1) =	vsort.ascd.msk.f32 $0xffff, v16, v16;
	v26, _, _ =	vpop (xrf1)  }
0x82: {  	(xrf1) =	vsort.ascd.msk.f32 $0xffff, v14, v14;
	v28, _, _ =	vpop (xrf1)  }
0x83: {  	v30 =	vmin.f32 v10, v17;
	(xrf1) =	vsort.ascd.msk.f32 $0xffff, v27, v27;
	v29, _, _ =	vpop (xrf1)  }
0x84: {  	v31 =	vmax.f32 v10, v17;
	v6 =	vperm.xlane v26, v1;
	(xrf1) =	vsort.ascd.msk.f32 $0xffff, v3, v3;
	v3, _, _ =	vpop (xrf1)  }
0x85: {  	v13 =	vperm.xlane v24, v1;
	(xrf1) =	vsort.ascd.msk.f32 $0xffff, v30, v30;
	v3 =	vperm.xlane v3, v1  }
0x86: {  	v32 =	vmax.f32 v9, v6;
	(xrf1) =	vsort.ascd.msk.f32 $0xffff, v31, v31  }
0x87: {  	v36 =	vmax.f32 v25, v13;
	v34, _, _ =	vpop (xrf1);
	(xrf1) =	vsort.ascd.msk.f32 $0xffff, v32, v32;
	v35 =	vmax.f32 v4, v3  }
0x88: {  	v33 =	vperm.xlane v29, v1;
	v12 =	vperm.xlane v34, v1;
	(xrf1) =	vsort.ascd.msk.f32 $0xffff, v35, v35  }
0x89: {  	v13 =	vmin.f32 v25, v13;
	v6 =	vmin.f32 v9, v6;
	v37, _, _ =	vpop (xrf1);
	(xrf1) =	vsort.ascd.msk.f32 $0xffff, v36, v36  }
0x8a: {  	v38, _, _ =	vpop (xrf1);
	v39 =	vmin.f32 v37, v33;
	v40 =	vmin.f32 v18, v12;
	(xrf1) =	vsort.ascd.msk.f32 $0xffff, v13, v13  }
0x8b: {  	v41, _, _ =	vpop (xrf1);
	v19 =	vmin.f32 v39, v40;
	(xrf1) =	vsort.ascd.msk.f32 $0xffff, v6, v6  }
0x8c: {  	v3 =	vmin.f32 v4, v3;
	v42, _, _ =	vpop (xrf1);
	v16 =	vmax.f32 v39, v40;
	(xrf1) =	vsort.ascd.msk.f32 $0xffff, v19, v19  }
0x8d: {  	v43, _, _ =	vpop (xrf1);
	(xrf1) =	vsort.ascd.msk.f32 $0xffff, v16, v16  }
0x8e: {  	v44, _, _ =	vpop (xrf1);
	(xrf1) =	vsort.ascd.msk.f32 $0xffff, v3, v3  }
0x8f: {  	v3, _, _ =	vpop (xrf1)  }
0x90: {  	v45, _, _ =	vpop (xrf1)  }
0x91: {  	v46, _, _ =	vpop (xrf1)  }
0x92: {  	v20, _, _ =	vpop (xrf1)  }
0x93: {  	v21, _, _ =	vpop (xrf1)  }
0x94: {  	v14 =	vperm.xlane v28, v1;
	v6 =	vperm.xlane v42, v1;
	v22, _, _ =	vpop (xrf1)  }
0x95: {  	v25, _, _ =	vpop (xrf1)  }
0x96: {  	v23 =	vmax.f32 v11, v14;
	v53 =	vmin.f32 v11, v14;
	v24 =	vmax.f32 v5, v6;
	v48, _, _ =	vpop (xrf1)  }
0x97: {  	v9 =	vmax.f32 v37, v33;
	v12 =	vmax.f32 v18, v12;
	v47 =	vmin.f32 v23, v24;
	v49, _, _ =	vpop (xrf1)  }
0x98: {  	v26 =	vmin.f32 v9, v12;
	v9 =	vmax.f32 v9, v12;
	(xrf1) =	vsort.ascd.msk.f32 $0xffff, v47, v47;
	v52, _, _ =	vpop (xrf1)  }
0x99: {  	v50 =	vmin.f32 v5, v6;
	v51 =	vmax.f32 v23, v24;
	(xrf1) =	vsort.ascd.msk.f32 $0xffff, v26, v26;
	v54, _, _ =	vpop (xrf1)  }
0x9a: {  	v55 =	vmax.f32 v53, v50;
	v59 =	vperm.xlane v48, v1;
	(xrf1) =	vsort.ascd.msk.f32 $0xffff, v51, v51;
	v56, _, _ =	vpop (xrf1)  }
0x9b: {  	v10 =	vperm.xlane v49, v1;
	(xrf1) =	vsort.ascd.msk.f32 $0xffff, v9, v9;
	v57 =	vperm.xlane v52, v1;
	v58, _, _ =	vpop (xrf1)  }
0x9c: {  	v5 =	vmin.f32 v53, v50;
	v63 =	vmax.f32 v21, v59;
	(xrf1) =	vsort.ascd.msk.f32 $0xffff, v55, v55;
	v60, _, _ =	vpop (xrf1)  }
0x9d: {  	v61 =	vmin.f32 v54, v10;
	v23 =	vmin.f32 v25, v57;
	v14 =	vperm.xlane v60, v1  }
0x9e: {  	v6 =	vmax.f32 v54, v10;
	(xrf1) =	vsort.ascd.msk.f32 $0xffff, v5, v5;
	v62 =	vmin.f32 v61, v23  }
0x9f: {  	v18 =	vmax.f32 v61, v23;
	(xrf1) =	vsort.ascd.msk.f32 $0xffff, v62, v62;
	v27 =	vmax.f32 v22, v14  }
0xa0: {  	v11 =	vmax.f32 v25, v57;
	(xrf1) =	vsort.ascd.msk.f32 $0xffff, v18, v18;
	v28 =	vmin.f32 v63, v27  }
0xa1: {  	v29 =	vmin.f32 v6, v11;
	(xrf1) =	vsort.ascd.msk.f32 $0xffff, v28, v28  }
0xa2: {  	v5 =	vmin.f32 v21, v59;
	v31 =	vmax.f32 v63, v27;
	(xrf1) =	vsort.ascd.msk.f32 $0xffff, v29, v29  }
0xa3: {  	v6 =	vmax.f32 v6, v11;
	v30 =	vmin.f32 v22, v14;
	(xrf1) =	vsort.ascd.msk.f32 $0xffff, v31, v31  }
0xa4: {  	v32 =	vmax.f32 v5, v30;
	(xrf1) =	vsort.ascd.msk.f32 $0xffff, v6, v6  }
0xa5: {  	v5 =	vmin.f32 v5, v30;
	(xrf1) =	vsort.ascd.msk.f32 $0xffff, v32, v32  }
0xa6: {  	(xrf1) =	vsort.ascd.msk.f32 $0xffff, v5, v5  }
0xa7: {  	v33, _, _ =	vpop (xrf1)  }
0xa8: {  	v34, _, _ =	vpop (xrf1)  }
0xa9: {  	v35, _, _ =	vpop (xrf1)  }
0xaa: {  	v36, _, _ =	vpop (xrf1)  }
0xab: {  	v37 =	vperm.xlane v38, v1;
	v13 =	vperm.xlane v41, v1;
	v38, _, _ =	vpop (xrf1)  }
0xac: {  	v4 =	vperm.xlane v44, v1;
	v16 =	vperm.xlane v45, v1;
	v39, _, _ =	vpop (xrf1)  }
0xad: {  	v13 =	vmax.f32 v43, v13;
	v3 =	vmax.f32 v3, v37;
	v40, _, _ =	vpop (xrf1)  }
0xae: {  	v3 =	vmin.f32 v13, v3;
	v4 =	vmax.f32 v46, v4;
	v16 =	vmax.f32 v20, v16;
	v41, _, _ =	vpop (xrf1)  }
0xaf: {  	v4 =	vmin.f32 v16, v4;
	v43 =	vperm.xlane v56, v1;
	v12 =	vperm.xlane v58, v1;
	v42, _, _ =	vpop (xrf1)  }
0xb0: {  	v7 =	vmin.f32 v8, v7;
	v3 =	vmin.f32 v4, v3;
	v6 =	vperm.xlane v34, v1;
	v44, _, _ =	vpop (xrf1)  }
0xb1: {  	v5 =	vmax.f32 v33, v12;
	v4 =	vmax.f32 v35, v43;
	v45 =	vperm.xlane v36, v1;
	v46, _, _ =	vpop (xrf1)  }
0xb2: {  	v6 =	vmax.f32 v38, v6;
	v49 =	vperm.xlane v40, v1;
	v47 =	vperm.xlane v41, v1;
	v48, _, _ =	vpop (xrf1)  }
0xb3: {  	(xrf0) =	vmin.scan.msk.f32 $0xffff, v7;
	v9 =	vmax.f32 v39, v45;
	v8 =	vperm.xlane v44, v1;
	v50, _, _ =	vpop (xrf1);
	v12 =	vperm.xlane v48, v1  }
0xb4: {  	(xrf0) =	vmin.scan.msk.f32 $0xffff, v3;
	v4 =	vmin.f32 v5, v4;
	v51 =	vmin.f32 v9, v6;
	v3 =	vmax.f32 v42, v47;
	v52, _, _ =	vpop (xrf1)  }
0xb5: {  	v54 =	vmax.f32 v46, v49;
	v53 =	vmax.f32 v50, v8;
	v6 =	vmax.f32 v52, v12  }
0xb6: {  	v4 =	vmin.f32 v51, v4;
	v3 =	vmin.f32 v3, v54;
	v55 =	vmin.f32 v6, v53  }
0xb7: {  	(xrf0) =	vmin.scan.msk.f32 $0xffff, v4;
	v3 =	vmin.f32 v55, v3  }
0xb8: {  	(xrf0) =	vmin.scan.msk.f32 $0xffff, v3;
	_ =	sdelay $0x2  }
0xb9: {  	v57 =	vmov s13;
	v3, _, _ =	vpop (xrf0)  }
0xba: {  	s31 =	sshll.u32 s10, $0x4;
	s10 =	sadd.s32 $0x1, s10;
	vm0 =	veq.s32 v57, v0;
	v58 =	vmov s12;
	v56, _, _ =	vpop (xrf0);
	v3 =	vbroadcast v3, $0xF  }
0xbb: {  	p0 =	sne.s32 s10, $0x20;
	vm13 =	veq.s32 v58, v0;
	v60 =	vmov s11;
	v4 =	vbroadcast v56, $0xF;
	v59, _, _ =	vpop (xrf0)  }
.Ltmp1:
0xbc: {  	vm14 =	veq.s32 v60, v0;
	v2 =	vsel vm0, v3, v2;
	v3 =	vbroadcast v59, $0xF;
	v61, _, _ =	vpop (xrf0);
	(pc) =	sbr.rel @p0 .LBB2_2-.Ltmp1, $4  }
0xbd: {  	v63 =	vmov s14;
	v2 =	vsel vm13, v4, v2;
	v62 =	vbroadcast v61, $0xF  }
0xbe: {  	vm15 =	veq.s32 v63, v0;
	v2 =	vsel vm14, v3, v2  }
0xbf: {  	s11 =	sand.u32 $0x3FFFFFF0, s31;
	v2 =	vsel vm15, v62, v2  }
0xc0: {  	s9 =	sadd.s32 $0x800, s9;
	[tilespmem:s11+$0x10000] =	vst v2  }
0xc1: {  	s8 =	sadd.s32 $0x1, s8  }
0xc2: {  	p0 =	sne.s32 s8, s5  }
.Ltmp2:
0xc3: {  	_ = 	snop;
	(pc) =	sbr.rel @p0 .LBB2_1-.Ltmp2, $4  }
0xc4: {  	[hbm4b:s4+s2] =	stream.linear.scatter [tilespmem:s7], [sflag:$0x1], $0x200, $0x38;
	[tilespmem:$0x10200] =	vst v63  }
0xc5: {  	_ =	swait.ge [sflag:s6], $0x200  }
0xc6: {  	[sflag:s6] =	ssyncset.done $0x0  }
0xc7: {  	[sflag:s6] =	ssyncadd.s32 $0xFFFFFE00  }
0xc8: {  	_ =	sfence.sel $0x180000  }
0xc9: {  	[bflag:$0x0] =	sbarrier.arrive $0xFFFF  }
0xca: {  	p0 =	sne.s32 s1, $0x0;
	_ =	strace $0x90000047  }
0xcb: {  	s0 =	sadd.s32 @!p0 $0x100000, s0;
	[bflag:$0x2] =	sbarrier.arrive $0xFFFF  }
0xcc: {  	[sflag:s0] =	ssyncadd.tile.s32 @!p0 $0x1;
	_ =	shalt  }
.Lfunc_end2:
_tile_overlayer_lowered:
.L_overlay_start_2:
0xcd: {  	(tag) =	ssettag $0x2  }
0xce: {  	s0 =	rddreg [dreg:$0x0];
	s2 =	stileid.u32  }
0xcf: {  	s1 =	rddreg [dreg:$0x1];
	p0 =	sne.s32 s2, $0x0  }
0xd0: {  	s3 =	rddreg [dreg:$0x2];
	[bflag:$0x3] =	sbarrier.arrive $0xFFFF;
	s2 =	simm.s32 @!p0 $0x1C01  }
0xd1: {  	[timem:s3], [sflag:s2] =	dma.local @!p0 [hbm:s0], s1  }
0xd2: {  	s0 =	simm.s32 @!p0 $0x1  }
0xd3: {  	_ =	swait.ge @!p0 [sflag:s0], s1  }
0xd4: {  	s1 =	ssub.s32 @!p0 $0x0, s1;
	[sflag:s0] =	ssyncset.done @!p0 $0x0  }
0xd5: {  	[sflag:s0] =	ssyncadd.s32 @!p0 s1  }
0xd6: {  	[bflag:$0x3] =	sbarrier.arrive $0xFFFF  }
0xd7: {  	_ =	shalt  }

// kernel: kernel.18.cloned.1.call-start
scs
__scs_entry_jumppad:
0x0: {  	(pc) =	sbr.rel $0x88, $3  }
0x1: {  	(tag) =	ssettag $0x0;
	lr =	simm.s32 $0x1  }
0x2: {  	[smem:$0x3FA0] =	sst lr;
	_ =	strace $0xD0000000  }
0x3: {  	_ = 	snop  }
0x4: {  	_ = 	snop  }
0x5: {  	_ = 	snop  }
0x6: {  	_ = 	snop  }
0x7: {  	_ = 	snop  }
__scs_overlays_trampoline_lowered:
0x8: {  	[smem:$0x3FAF] =	sst s0  }
0x9: {  	[smem:$0x3FB0] =	sst s1  }
0xa: {  	[smem:$0x3FB1] =	sst s2  }
0xb: {  	[smem:$0x3FB2] =	sst s3  }
0xc: {  	[smem:$0x3FB3] =	sst s4  }
0xd: {  	[smem:$0x3FB4] =	sst s5  }
0xe: {  	[smem:$0x3FB5] =	sst s6  }
0xf: {  	[smem:$0x3FB6] =	sst s7  }
0x10: {  	[smem:$0x3FB7] =	sst s8  }
0x11: {  	[smem:$0x3FB8] =	sst s9;
	s0 =	simm.s32 @!p0 $0x0  }
0x12: {  	s1 =	sld [smem:$0x3F9E];
	s0 =	simm.s32 @p0 $0x1  }
0x13: {  	[smem:$0x3FB9] =	sst s0;
	s0 =	simm.s32 @!p1 $0x0  }
0x14: {  	s2 =	sld [smem:$0x3F9D];
	s0 =	simm.s32 @p1 $0x1  }
0x15: {  	[smem:$0x3FBA] =	sst s0;
	s0 =	simm.s32 @!p2 $0x0  }
0x16: {  	s3 =	sld [smem:$0x3FDB];
	s0 =	simm.s32 @p2 $0x1  }
0x17: {  	s4 =	simm.s32 $0x1BF5;
	[smem:$0x3FBC] =	sst s0  }
0x18: {  	s0 =	sld [smem:$0x3F9F];
	_ =	swait.ge [sflag:s4], $0x0  }
0x19: {  	s7 =	sld [smem:$0x3FA0]  }
0x1a: {  	s8 =	sadd.s32 $0xFFFFE003, lr  }
0x1b: {  	s9 =	sadd.s32 $0xFFFFFEF7, lr;
	s5 =	simm.s32 $0xFFFFFFFF;
	p2 =	slt.u32 s8, $0xFFFFF086  }
0x1c: {  	p1 =	slt.u32 s9, $0xF7A;
	s5 =	simm.s32 @!p2 $0x0  }
0x1d: {  	s5 =	simm.s32 @p1 $0x1;
	p0 =	seq.s32 s7, s2  }
0x1e: {  	s7 =	smul.u32 @!p0 $0xF7A, s2;
	p2 =	seq.s32 @!p0 s5, $0x0  }
0x1f: {  	s9 =	smul.u32 $0xF7A, s1;
	s8 =	simm.s32 @!p0 $0x1BF5;
	p2 =	por !p2, p0  }
0x20: {  	[sflag:s8] =	ssyncset.s32 @!p0 $0xFFFFF086;
	s6 =	sadd.s32 @!p0 s3, s7;
	s7 =	simm.s32 @!p0 $0x108  }
0x21: {  	s3 =	sadd.s32 s3, s9;
	s6 =	sadd.s32 @!p0 $0x88, s6;
	s7 =	simm.s32 @p2 $0x1082  }
0x22: {  	[simem:s7], [sflag:s8] =	dma.local @!p0 [hbm:s6], $0xF7A  }
0x23: {  	s9 =	sor.u32 $0xD0000000, s2;
	s6 =	simm.s32 $0x108;
	_ =	swait.ge @!p0 [sflag:s8], $0x0  }
0x24: {  	s3 =	sadd.s32 $0x88, s3;
	s6 =	simm.s32 @!p1 $0x1082;
	[sflag:s4] =	ssyncset.s32 $0xFFFFF086  }
0x25: {  	[simem:s6], [sflag:s4] =	dma.local [hbm:s3], $0xF7A  }
0x26: {  	[smem:$0x3FA0] =	sst s1;
	(tag) =	ssettag s2;
	_ =	strace s9  }
0x27: {  	s1 =	sld [smem:$0x3FB0]  }
0x28: {  	s2 =	sld [smem:$0x3FB1]  }
0x29: {  	s4 =	sld [smem:$0x3FB3]  }
0x2a: {  	p0 =	seq.s32 s5, $0x0;
	s5 =	sld [smem:$0x3FB4]  }
0x2b: {  	s6 =	sld [smem:$0x3FB5]  }
0x2c: {  	s7 =	sld [smem:$0x3FB6]  }
0x2d: {  	s3 =	simm.s32 $0x108;
	s8 =	sld [smem:$0x3FB7]  }
0x2e: {  	s3 =	simm.s32 @!p0 $0x1082;
	s9 =	sld [smem:$0x3FB8]  }
0x2f: {  	lr =	sadd.s32 s0, s3;
	s0 =	sld [smem:$0x3FAF]  }
0x30: {  	s3 =	sld [smem:$0x3FB2]  }
0x31: {  	[smem:$0x3FBB] =	sst s10  }
0x32: {  	s10 =	sld [smem:$0x3FB9];
	_ =	sdelay $0x3  }
0x33: {  	p0 =	seq.s32 s10, $0x1;
	s10 =	sld [smem:$0x3FBB];
	_ =	sdelay $0x3  }
0x34: {  	[smem:$0x3FBB] =	sst s10  }
0x35: {  	s10 =	sld [smem:$0x3FBA];
	_ =	sdelay $0x3  }
0x36: {  	p1 =	seq.s32 s10, $0x1;
	s10 =	sld [smem:$0x3FBB];
	_ =	sdelay $0x3  }
0x37: {  	[smem:$0x3FBB] =	sst s10  }
0x38: {  	s10 =	sld [smem:$0x3FBC]  }
0x39: {  	_ = 	snop;
	(pc) =	sbr.ind lr, $3  }
0x3a: {  	_ = 	snop  }
0x3b: {  	_ = 	snop  }
0x3c: {  	p2 =	seq.s32 s10, $0x1;
	s10 =	sld [smem:$0x3FBB]  }
0x3d: {  	_ =	shalt  }
0x3e: {  	_ =	shalt  }
0x3f: {  	_ =	shalt  }
0x40: {  	_ =	shalt  }
0x41: {  	_ =	shalt  }
0x42: {  	_ =	shalt  }
0x43: {  	_ =	shalt  }
0x44: {  	_ =	shalt  }
0x45: {  	_ =	shalt  }
0x46: {  	_ =	shalt  }
0x47: {  	_ =	shalt  }
0x48: {  	_ =	shalt  }
0x49: {  	_ =	shalt  }
0x4a: {  	_ =	shalt  }
0x4b: {  	_ =	shalt  }
0x4c: {  	_ =	shalt  }
0x4d: {  	_ =	shalt  }
0x4e: {  	_ =	shalt  }
0x4f: {  	_ =	shalt  }
0x50: {  	_ =	shalt  }
0x51: {  	_ =	shalt  }
0x52: {  	_ =	shalt  }
0x53: {  	_ =	shalt  }
0x54: {  	_ =	shalt  }
0x55: {  	_ =	shalt  }
0x56: {  	_ =	shalt  }
0x57: {  	_ =	shalt  }
0x58: {  	_ =	shalt  }
0x59: {  	_ =	shalt  }
0x5a: {  	_ =	shalt  }
0x5b: {  	_ =	shalt  }
0x5c: {  	_ =	shalt  }
0x5d: {  	_ =	shalt  }
0x5e: {  	_ =	shalt  }
0x5f: {  	_ =	shalt  }
0x60: {  	_ =	shalt  }
0x61: {  	_ =	shalt  }
0x62: {  	_ =	shalt  }
0x63: {  	_ =	shalt  }
0x64: {  	_ =	shalt  }
0x65: {  	_ =	shalt  }
0x66: {  	_ =	shalt  }
0x67: {  	_ =	shalt  }
0x68: {  	_ =	shalt  }
0x69: {  	_ =	shalt  }
0x6a: {  	_ =	shalt  }
0x6b: {  	_ =	shalt  }
0x6c: {  	_ =	shalt  }
0x6d: {  	_ =	shalt  }
0x6e: {  	_ =	shalt  }
0x6f: {  	_ =	shalt  }
0x70: {  	_ =	shalt  }
0x71: {  	_ =	shalt  }
0x72: {  	_ =	shalt  }
0x73: {  	_ =	shalt  }
0x74: {  	_ =	shalt  }
0x75: {  	_ =	shalt  }
0x76: {  	_ =	shalt  }
0x77: {  	_ =	shalt  }
0x78: {  	_ =	shalt  }
0x79: {  	_ =	shalt  }
0x7a: {  	_ =	shalt  }
0x7b: {  	_ =	shalt  }
0x7c: {  	_ =	shalt  }
0x7d: {  	_ =	shalt  }
0x7e: {  	_ =	shalt  }
0x7f: {  	_ =	shalt  }
0x80: {  	_ =	shalt  }
0x81: {  	_ =	shalt  }
0x82: {  	_ =	shalt  }
0x83: {  	_ =	shalt  }
0x84: {  	_ =	shalt  }
0x85: {  	_ =	shalt  }
0x86: {  	_ =	shalt  }
0x87: {  	_ =	shalt  }
.Lfunc_end0:
.L_simem_size_0:
called_computation.1_lowered:
.L_overlay_start_0:
0x88: {  	s2 =	sld [smem:$0x3FD9]  }
0x89: {  	s3 =	sld [smem:$0x3FFE];
	_ =	sdelay $0x1  }
0x8a: {  	s1 =	srdreg.scid  }
0x8b: {  	s0 =	sand.u32 $0x1, s1  }
0x8c: {  	s17 =	sshll.u32 s0, $0xA;
	s2 =	sadd.s32 s3, s2  }
0x8d: {  	s2 =	sadd.s32 s2, s17  }
0x8e: {  	[smem:$0x3FC7] =	sst s2  }
0x8f: {  	_ = 	snop  }
0x90: {  	(tm) =	ssettm $0x1  }
0x91: {  	s18 =	sld [smem:$0x3FFB];
	_ =	sdelay $0x3  }
0x92: {  	_ =	strace s18  }
0x93: {  	s2 =	sld [smem:$0x3FFC];
	_ =	sdelay $0x3  }
0x94: {  	_ =	strace s2  }
0x95: {  	s2 =	sld [smem:$0x3FFD];
	_ =	sdelay $0x3  }
0x96: {  	_ =	strace s2  }
0x97: {  	_ =	strace $0x8FFFFFFF  }
0x98: {  	s19 =	sld [smem:$0x3FDB];
	_ =	sdelay $0x1  }
0x99: {  	s20 =	simm.s32 $_scs_section_size  }
0x9a: {  	s4 =	simm.s32 $_size__tile_overlayer_lowered;
	s5 =	simm.s32 $_tile_overlayer_lowered  }
0x9b: {  	s6 =	simm.s32 $0x1BFF;
	s21 =	sshll.u32 s5, $0x1;
	s3 =	sadd.s32 s20, s19  }
0x9c: {  	s22 =	simm.s32 $0x0;
	s4 =	sshll.u32 s4, $0x1;
	s5 =	sadd.s32 s21, s3  }
0x9d: {  	[timem:s22], [sflag:s6] =	dma.local [hbm:s5], s4  }
0x9e: {  	_ =	swait.ge [sflag:s6], s4  }
0x9f: {  	s4 =	ssub.s32 $0x0, s4;
	[sflag:s6] =	ssyncset.done $0x0  }
0xa0: {  	[sflag:s6] =	ssyncadd.s32 s4;
	_ =	sdelay $0x1  }
0xa1: {  	s23 =	simm.s32 $0x1B8B  }
0xa2: {  	_ =	swait.ge [sflag:s23], $0x1  }
0xa3: {  	[sflag:s23] =	ssyncset.done $0x0  }
0xa4: {  	[sflag:s23] =	ssyncadd.s32 $0xFFFFFFFF  }
0xa5: {  	s4 =	sld [smem:$0x0]  }
0xa6: {  	s5 =	sand.u32 $0xFFFFFFFE, s1  }
0xa7: {  	p0 =	sne.s32 s1, s5  }
0xa8: {  	s5 =	sshll.u32 @p0 s5, $0xE  }
0xa9: {  	s5 =	sadd.s32 @p0 $0x11B8D, s5;
	s6 =	sshll.u32 @p0 s4, $0x11  }
0xaa: {  	s5 =	sor.u32 @p0 s6, s5  }
0xab: {  	[sflag:s5] =	ssyncadd.remote.s32 @p0 $0x1;
	_ =	sdelay $0x1  }
0xac: {  	s5 =	simm.s32 @p0 $0x1B8D  }
0xad: {  	_ =	swait.eq @p0 [sflag:s5], $0x1  }
0xae: {  	[sflag:s5] =	ssyncadd.s32 @p0 $0xFFFFFFFF  }
0xaf: {  	s6 =	sshll.u32 @!p0 s1, $0xE  }
0xb0: {  	s6 =	sor.u32 @!p0 $0x4000, s6;
	s5 =	simm.s32 @!p0 $0x1B8D  }
0xb1: {  	s4 =	sshll.u32 @!p0 s4, $0x11;
	s6 =	sadd.s32 @!p0 $0x11B8D, s6;
	_ =	swait.eq @!p0 [sflag:s5], $0x1  }
0xb2: {  	s4 =	sor.u32 @!p0 s4, s6;
	[sflag:s5] =	ssyncadd.s32 @!p0 $0xFFFFFFFF  }
0xb3: {  	s25 =	simm.s32 $0x1B8E;
	s24 =	sld [smem:$0x3FFE];
	[sflag:s4] =	ssyncadd.remote.s32 @!p0 $0x1  }
0xb4: {  	s26 =	simm.s32 $execute0_lowered;
	[smem:$0x3FD2] =	sst s25  }
0xb5: {  	s5 =	sshll.u32 s26, $0x1;
	_ =	strace $0x80000049;
	[dreg:$0x1] =	wrdreg $0xFFFFFFFF  }
0xb6: {  	s28 =	simm.s32 $_size_execute0_lowered;
	s3 =	sadd.s32 s3, s5;
	[dreg:$0x0] =	wrdreg $0x0  }
0xb7: {  	s5 =	sshll.u32 s28, $0x1;
	[dreg:$0x2] =	wrdreg s3  }
0xb8: {  	[dreg:$0x3] =	wrdreg s5  }
0xb9: {  	[dreg:$0x4] =	wrdreg $0xC0  }
0xba: {  	_ =	task [dreg:s22], $0x5FFFF  }
0xbb: {  	[dreg:$0x1] =	wrdreg $0xFFFFFFFF  }
0xbc: {  	[dreg:$0x0] =	wrdreg $0x60  }
0xbd: {  	[dreg:$0x2] =	wrdreg s24  }
0xbe: {  	[dreg:$0x3] =	wrdreg $0xA  }
0xbf: {  	_ =	task.clear_ibuf [dreg:s22], $0x4FFFF;
	_ =	strace $0x90000049  }
0xc0: {  	s29 =	simm.s32 $0xA;
	_ =	strace $0x8000004B  }
0xc1: {  	_ =	swait.ge [sflag:s29], $0x1  }
0xc2: {  	[sflag:s29] =	ssyncadd.s32 $0xFFFFFFFF  }
0xc3: {  	_ =	strace $0x9000004B  }
0xc4: {  	_ =	sfence  }
0xc5: {  	s30 =	sld [smem:$0x0];
	_ =	sdelay $0x2  }
0xc6: {  	s31 =	sshll.u32 s1, $0xD;
	s1 =	sshrl.u32 s1, $0x2  }
0xc7: {  	s4 =	sand.u32 $0x4000, s31;
	s1 =	sadd.s32 s1, s30  }
0xc8: {  	s0 =	sor.u32 s4, s0;
	s1 =	sshll.u32 s1, $0x11  }
0xc9: {  	s0 =	sor.u32 s1, s0  }
0xca: {  	s0 =	sadd.s32 $0x8F2B, s0  }
0xcb: {  	[sflag:s0] =	ssyncadd.remote.s32 $0x1  }
0xcc: {  	_ =	sfence.sel $0xFFFF  }
0xcd: {  	[dreg:$0x0] =	wrdreg $0xFFFFFFFF;
	(pc) =	sbr.abs _section_cstart, $3  }
0xce: {  	[dreg:$0x1] =	wrdreg $0xFFFFFFFF  }
0xcf: {  	_ =	task.clear_ibuf [dreg:s22], $0x2FFFF;
	_ =	strace $0x9FFFFFFF  }
0xd0: {  	(tm) =	ssettm $0x7FFFFFFF  }
0xd1: {  	_ =	shalt  }
tec
execute0_lowered:
.L_overlay_start_1:
0x0: {  	(tag) =	ssettag $0x1  }
0x1: {  	s3 =	rddreg [dreg:$0x0]  }
0x2: {  	s0 =	rddreg [dreg:$0x1];
	s4 =	srdreg.scid  }
0x3: {  	s2 =	simm.s32 $0x0;
	s1 =	stileid.u32;
	s4 =	sand.u32 $0x1, s4  }
0x4: {  	[smem:$0x7FF] =	sst s2;
	s5 =	sshll.u32 s1, $0xA;
	s6 =	sshll.u32 s4, $0x9  }
0x5: {  	s8 =	simm.s32 $0x0;
	_ =	strace $0x8000004A;
	s5 =	sor.u32 s6, s5  }
0x6: {  	v0 =	vlaneseq.u32;
	s4 =	ssub.s32 $0x2, s4;
	s6 =	sshll.u32 s5, $0x4;
	s5 =	sshrl.u32 s5, $0x3  }
0x7: {  	v1 =	vmul.u32 $0xFFFFFFFF, v0;
	s7 =	sshrl.u32 s4, $0x1;
	s6 =	sadd.s32 s6, s3;
	s5 =	sadd.s32 s5, s3  }
0x8: {  	s7 =	ssub.s32 s4, s7;
	s3 =	sadd.s32 $0x3800, s6;
	s4 =	sadd.s32 $0x43800, s5  }
0x9: {  	v1 =	vadd.s32 $0xF, v1;
	s5 =	smax.u32 s7, $0x1;
	s6 =	simm.s32 $0x1;
	s7 =	simm.s32 $0x10000  }
.LBB2_1:
0xa: {  	[tilespmem:s2], [sflag:$0x1] =	stream.linear.gather [hbm4b:s3+s2], $0x10000, $0x38;
	[tilespmem:$0x10200] =	vst v63  }
0xb: {  	_ =	swait.ge [sflag:s6], $0x10000  }
0xc: {  	[sflag:s6] =	ssyncset.done $0x0  }
0xd: {  	s9 =	simm.s32 $0x40;
	s10 =	simm.s32 $0x0;
	[sflag:s6] =	ssyncadd.s32 $0xFFFF0000  }
.LBB2_2:
0xe: {  	v2 =	vld [tilespmem:s9+$0xFFFFFFC0]  }
0xf: {  	v3 =	vld [tilespmem:s9+$0xFFFFFFE0]  }
0x10: {  	v4 =	vld [tilespmem:s9+$0x0]  }
0x11: {  	v5 =	vld [tilespmem:s9+$0xFFFFFFD0]  }
0x12: {  	v6 =	vld [tilespmem:s9+$0x30]  }
0x13: {  	v7 =	vld [tilespmem:s9+$0x20];
	(xrf1) =	vsort.ascd.msk.f32 $0xffff, v2, v2  }
0x14: {  	v2 =	vld [tilespmem:s9+$0x10];
	(xrf1) =	vsort.ascd.msk.f32 $0xffff, v3, v3  }
0x15: {  	(xrf1) =	vsort.ascd.msk.f32 $0xffff, v4, v4  }
0x16: {  	(xrf1) =	vsort.ascd.msk.f32 $0xffff, v5, v5  }
0x17: {  	(xrf1) =	vsort.ascd.msk.f32 $0xffff, v6, v6  }
0x18: {  	(xrf1) =	vsort.ascd.msk.f32 $0xffff, v7, v7  }
0x19: {  	(xrf1) =	vsort.ascd.msk.f32 $0xffff, v2, v2  }
0x1a: {  	v3 =	vld [tilespmem:s9+$0xFFFFFFF0];
	_ =	sdelay $0x4  }
0x1b: {  	(xrf1) =	vsort.ascd.msk.f32 $0xffff, v3, v3  }
0x1c: {  	s11 =	sadd.s32 $0x80, s9  }
0x1d: {  	v2 =	vld [tilespmem:s11+$0xFFFFFFC0];
	v3, _, _ =	vpop (xrf1)  }
0x1e: {  	v4 =	vld [tilespmem:s11+$0xFFFFFFE0];
	v5, _, _ =	vpop (xrf1)  }
0x1f: {  	v6 =	vld [tilespmem:s11+$0x0];
	v7, _, _ =	vpop (xrf1)  }
0x20: {  	v8, _, _ =	vpop (xrf1)  }
0x21: {  	v9, _, _ =	vpop (xrf1)  }
0x22: {  	v10 =	vld [tilespmem:s11+$0xFFFFFFD0];
	v8 =	vperm.xlane v8, v1;
	(xrf1) =	vsort.ascd.msk.f32 $0xffff, v2, v2;
	v2, _, _ =	vpop (xrf1)  }
0x23: {  	(xrf1) =	vsort.ascd.msk.f32 $0xffff, v4, v4;
	v4, _, _ =	vpop (xrf1)  }
0x24: {  	v12 =	vld [tilespmem:s11+$0x30];
	v11 =	vmin.f32 v3, v8;
	(xrf1) =	vsort.ascd.msk.f32 $0xffff, v6, v6;
	v4 =	vperm.xlane v4, v1  }
0x25: {  	v6 =	vld [tilespmem:s11+$0x20];
	v3 =	vmax.f32 v3, v8;
	(xrf1) =	vsort.ascd.msk.f32 $0xffff, v11, v11  }
0x26: {  	v8 =	vld [tilespmem:s11+$0x10];
	(xrf1) =	vsort.ascd.msk.f32 $0xffff, v3, v3;
	v3 =	vmax.f32 v7, v4  }
0x27: {  	(xrf1) =	vsort.ascd.msk.f32 $0xffff, v10, v10  }
0x28: {  	(xrf1) =	vsort.ascd.msk.f32 $0xffff, v3, v3  }
0x29: {  	(xrf1) =	vsort.ascd.msk.f32 $0xffff, v12, v12;
	v3, _, _ =	vpop (xrf1)  }
0x2a: {  	v10 =	vld [tilespmem:s11+$0xFFFFFFF0];
	(xrf1) =	vsort.ascd.msk.f32 $0xffff, v6, v6;
	v3 =	vperm.xlane v3, v1  }
0x2b: {  	v6 =	vperm.xlane v9, v1;
	(xrf1) =	vsort.ascd.msk.f32 $0xffff, v8, v8  }
0x2c: {  	v8 =	vmax.f32 v5, v3  }
0x2d: {  	v9 =	vmax.f32 v2, v6;
	(xrf1) =	vsort.ascd.msk.f32 $0xffff, v8, v8  }
0x2e: {  	(xrf1) =	vsort.ascd.msk.f32 $0xffff, v9, v9  }
0x2f: {  	(xrf1) =	vsort.ascd.msk.f32 $0xffff, v10, v10  }
0x30: {  	v2 =	vmin.f32 v2, v6;
	v8, _, _ =	vpop (xrf1)  }
0x31: {  	s11 =	sadd.s32 $0x80, s11;
	v4 =	vmin.f32 v7, v4;
	v9, _, _ =	vpop (xrf1)  }
0x32: {  	v10 =	vld [tilespmem:s11+$0xFFFFFFC0];
	(xrf1) =	vsort.ascd.msk.f32 $0xffff, v2, v2;
	v6, _, _ =	vpop (xrf1)  }
0x33: {  	v7 =	vld [tilespmem:s11+$0xFFFFFFE0];
	v3 =	vmin.f32 v5, v3;
	(xrf1) =	vsort.ascd.msk.f32 $0xffff, v4, v4;
	v2, _, _ =	vpop (xrf1)  }
0x34: {  	v11 =	vld [tilespmem:s11+$0x0];
	v4, _, _ =	vpop (xrf1)  }
0x35: {  	(xrf1) =	vsort.ascd.msk.f32 $0xffff, v3, v3;
	v5, _, _ =	vpop (xrf1)  }
0x36: {  	v3, _, _ =	vpop (xrf1)  }
0x37: {  	v13 =	vld [tilespmem:s11+$0xFFFFFFD0];
	(xrf1) =	vsort.ascd.msk.f32 $0xffff, v10, v10;
	v5 =	vperm.xlane v5, v1;
	v12, _, _ =	vpop (xrf1)  }
0x38: {  	(xrf1) =	vsort.ascd.msk.f32 $0xffff, v7, v7;
	v10, _, _ =	vpop (xrf1)  }
0x39: {  	v15 =	vld [tilespmem:s11+$0x30];
	(xrf1) =	vsort.ascd.msk.f32 $0xffff, v11, v11;
	v14 =	vmin.f32 v8, v5;
	v5 =	vmax.f32 v8, v5;
	v7, _, _ =	vpop (xrf1)  }
0x3a: {  	v11 =	vld [tilespmem:s11+$0x20];
	(xrf1) =	vsort.ascd.msk.f32 $0xffff, v14, v14;
	v7 =	vperm.xlane v7, v1  }
0x3b: {  	v14 =	vld [tilespmem:s11+$0x10];
	(xrf1) =	vsort.ascd.msk.f32 $0xffff, v5, v5;
	v8, _, _ =	vpop (xrf1)  }
0x3c: {  	(xrf1) =	vsort.ascd.msk.f32 $0xffff, v13, v13;
	v16 =	vmax.f32 v6, v7;
	v5, _, _ =	vpop (xrf1)  }
0x3d: {  	(xrf1) =	vsort.ascd.msk.f32 $0xffff, v16, v16;
	v13, _, _ =	vpop (xrf1)  }
0x3e: {  	v12 =	vperm.xlane v12, v1;
	v16 =	vld [tilespmem:s11+$0xFFFFFFF0];
	(xrf1) =	vsort.ascd.msk.f32 $0xffff, v15, v15;
	v13 =	vperm.xlane v13, v1  }
0x3f: {  	v6 =	vmin.f32 v6, v7;
	v5 =	vperm.xlane v5, v1;
	(xrf1) =	vsort.ascd.msk.f32 $0xffff, v11, v11  }
0x40: {  	v11, _, _ =	vpop (xrf1);
	(xrf1) =	vsort.ascd.msk.f32 $0xffff, v14, v14;
	v14 =	vmax.f32 v10, v12;
	v7 =	vmax.f32 v9, v13  }
0x41: {  	(xrf1) =	vsort.ascd.msk.f32 $0xffff, v7, v7;
	v7 =	vperm.xlane v8, v1;
	v8 =	vperm.xlane v11, v1;
	v11, _, _ =	vpop (xrf1)  }
0x42: {  	v10 =	vmin.f32 v10, v12;
	(xrf1) =	vsort.ascd.msk.f32 $0xffff, v14, v14;
	v14 =	vmax.f32 v11, v5  }
0x43: {  	v5 =	vmin.f32 v11, v5;
	v11, _, _ =	vpop (xrf1);
	(xrf1) =	vsort.ascd.msk.f32 $0xffff, v16, v16;
	v12 =	vmin.f32 v3, v8  }
0x44: {  	(xrf1) =	vsort.ascd.msk.f32 $0xffff, v10, v10;
	v10 =	vperm.xlane v11, v1  }
0x45: {  	v15, _, _ =	vpop (xrf1);
	v11 =	vmin.f32 v5, v12;
	v5 =	vmax.f32 v5, v12;
	(xrf1) =	vsort.ascd.msk.f32 $0xffff, v6, v6  }
0x46: {  	v6 =	vmax.f32 v2, v7;
	v12, _, _ =	vpop (xrf1);
	(xrf1) =	vsort.ascd.msk.f32 $0xffff, v11, v11;
	v11 =	vmax.f32 v4, v10  }
0x47: {  	v9 =	vmin.f32 v9, v13;
	v13, _, _ =	vpop (xrf1);
	(xrf1) =	vsort.ascd.msk.f32 $0xffff, v5, v5;
	v5 =	vmin.f32 v6, v11  }
0x48: {  	v8 =	vmax.f32 v3, v8;
	v3, _, _ =	vpop (xrf1)  }
0x49: {  	(xrf1) =	vsort.ascd.msk.f32 $0xffff, v9, v9;
	v16, _, _ =	vpop (xrf1)  }
0x4a: {  	s16 =	sadd.s32 $0x80, s11;
	v4 =	vmin.f32 v4, v10;
	v9 =	vmin.f32 v14, v8;
	(xrf1) =	vsort.ascd.msk.f32 $0xffff, v5, v5;
	v5, _, _ =	vpop (xrf1)  }
0x4b: {  	v6 =	vmax.f32 v6, v11;
	v8 =	vmax.f32 v14, v8;
	(xrf1) =	vsort.ascd.msk.f32 $0xffff, v9, v9;
	v9 =	vld [tilespmem:s16+$0xFFFFFFC0];
	v10, _, _ =	vpop (xrf1)  }
0x4c: {  	v2 =	vmin.f32 v2, v7;
	v14 =	vld [tilespmem:s16+$0xFFFFFFE0];
	(xrf1) =	vsort.ascd.msk.f32 $0xffff, v6, v6;
	v11, _, _ =	vpop (xrf1)  }
0x4d: {  	v17 =	vmax.f32 v2, v4;
	v6 =	vld [tilespmem:s16+$0x0];
	(xrf1) =	vsort.ascd.msk.f32 $0xffff, v8, v8;
	v7, _, _ =	vpop (xrf1)  }
0x4e: {  	v2 =	vmin.f32 v2, v4;
	v8, _, _ =	vpop (xrf1);
	(xrf1) =	vsort.ascd.msk.f32 $0xffff, v17, v17  }
0x4f: {  	v11 =	vperm.xlane v11, v1;
	v4 =	vperm.xlane v8, v1;
	v8, _, _ =	vpop (xrf1);
	(xrf1) =	vsort.ascd.msk.f32 $0xffff, v2, v2  }
0x50: {  	v5 =	vperm.xlane v5, v1;
	v2 =	vld [tilespmem:s16+$0xFFFFFFD0];
	v17, _, _ =	vpop (xrf1);
	(xrf1) =	vsort.ascd.msk.f32 $0xffff, v9, v9  }
0x51: {  	v22 =	vmin.f32 v7, v11;
	v18, _, _ =	vpop (xrf1);
	(xrf1) =	vsort.ascd.msk.f32 $0xffff, v14, v14  }
0x52: {  	v19 =	vld [tilespmem:s16+$0x30];
	v14 =	vmin.f32 v15, v5;
	v5 =	vmax.f32 v15, v5;
	(xrf1) =	vsort.ascd.msk.f32 $0xffff, v6, v6  }
0x53: {  	v21 =	vld [tilespmem:s16+$0x20];
	v9 =	vmin.f32 v13, v4;
	v17 =	vperm.xlane v17, v1;
	v20, _, _ =	vpop (xrf1);
	(xrf1) =	vsort.ascd.msk.f32 $0xffff, v14, v14  }
0x54: {  	v4 =	vmax.f32 v13, v4;
	v6 =	vperm.xlane v8, v1;
	v8, _, _ =	vpop (xrf1);
	v14 =	vld [tilespmem:s16+$0x10];
	(xrf1) =	vsort.ascd.msk.f32 $0xffff, v5, v5  }
0x55: {  	v7 =	vmax.f32 v7, v11;
	v18 =	vperm.xlane v18, v1;
	v5, _, _ =	vpop (xrf1);
	(xrf1) =	vsort.ascd.msk.f32 $0xffff, v2, v2  }
0x56: {  	v15 =	vperm.xlane v20, v1;
	v60 =	vmax.f32 v8, v17;
	v2, _, _ =	vpop (xrf1);
	(xrf1) =	vsort.ascd.msk.f32 $0xffff, v4, v4  }
0x57: {  	v11 =	vld [tilespmem:s16+$0xFFFFFFF0];
	v8 =	vmin.f32 v8, v17;
	v13 =	vmax.f32 v12, v18;
	v4, _, _ =	vpop (xrf1);
	(xrf1) =	vsort.ascd.msk.f32 $0xffff, v19, v19  }
0x58: {  	v62 =	vmax.f32 v3, v6;
	v18 =	vmin.f32 v12, v18;
	v17, _, _ =	vpop (xrf1);
	(xrf1) =	vsort.ascd.msk.f32 $0xffff, v21, v21  }
0x59: {  	v5 =	vperm.xlane v5, v1;
	v2 =	vperm.xlane v2, v1;
	v61, _, _ =	vpop (xrf1);
	(xrf1) =	vsort.ascd.msk.f32 $0xffff, v14, v14  }
0x5a: {  	v4 =	vperm.xlane v4, v1;
	v19 =	vmin.f32 v10, v15;
	v25, _, _ =	vpop (xrf1);
	(xrf1) =	vsort.ascd.msk.f32 $0xffff, v13, v13  }
0x5b: {  	v23 =	vmin.f32 v8, v19;
	v8 =	vmax.f32 v8, v19;
	(xrf1) =	vsort.ascd.msk.f32 $0xffff, v7, v7;
	v7, _, _ =	vpop (xrf1)  }
0x5c: {  	v2 =	vmax.f32 v17, v2;
	v14 =	vperm.xlane v61, v1;
	(xrf1) =	vsort.ascd.msk.f32 $0xffff, v11, v11;
	v11, _, _ =	vpop (xrf1)  }
0x5d: {  	v24 =	vmax.f32 v16, v4;
	v12 =	vmin.f32 v16, v4;
	v16 =	vmax.f32 v10, v15;
	v19, _, _ =	vpop (xrf1)  }
0x5e: {  	v13 =	vmin.f32 v62, v24;
	v15 =	vmin.f32 v60, v16;
	(xrf1) =	vsort.ascd.msk.f32 $0xffff, v22, v22;
	v10, _, _ =	vpop (xrf1)  }
0x5f: {  	v5 =	vmax.f32 v25, v5;
	v7 =	vperm.xlane v7, v1;
	(xrf1) =	vsort.ascd.msk.f32 $0xffff, v9, v9;
	v4, _, _ =	vpop (xrf1)  }
0x60: {  	v63 =	vmax.f32 v11, v14;
	v14 =	vmax.f32 v60, v16;
	(xrf1) =	vsort.ascd.msk.f32 $0xffff, v23, v23;
	v9, _, _ =	vpop (xrf1)  }
0x61: {  	s13 =	simm.s32 $0x0;
	s12 =	simm.s32 $0x1;
	s14 =	simm.s32 $0x3;
	v16 =	vmax.f32 v62, v24;
	(xrf1) =	vsort.ascd.msk.f32 $0xffff, v8, v8;
	v8 =	vmax.f32 v19, v7;
	v11, _, _ =	vpop (xrf1)  }
0x62: {  	s15 =	simm.s32 $0x4;
	s11 =	simm.s32 $0x2;
	s16 =	sadd.s32 $0x80, s16;
	v7 =	vmin.f32 v2, v5;
	v2 =	vimm.f32 $0.0e+00;
	(xrf1) =	vsort.ascd.msk.f32 $0xffff, v18, v18;
	v8 =	vmin.f32 v8, v63;
	v5, _, _ =	vpop (xrf1)  }
.LBB2_3:
0x63: {  	v17 =	vld [tilespmem:s16+$0x20];
	p0 =	sne.s32 s15, $0xF;
	v18, _, _ =	vpop (xrf1);
	(xrf1) =	vsort.ascd.msk.f32 $0xffff, v13, v13;
	s17 =	smov.u32 s15;
	s15 =	sadd.s32 $0x1, s15  }
0x64: {  	v7 =	vmin.f32 v8, v7;
	v13 =	vld [tilespmem:s16+$0xFFFFFFC0];
	v19, _, _ =	vpop (xrf1);
	(xrf1) =	vsort.ascd.msk.f32 $0xffff, v15, v15  }
0x65: {  	v8 =	vld [tilespmem:s16+$0x0];
	v15, _, _ =	vpop (xrf1);
	(xrf0) =	vmin.scan.msk.f32 $0xffff, v7  }
0x66: {  	v6 =	vmin.f32 v3, v6;
	v3 =	vmov v11;
	v7 =	vld [tilespmem:s16+$0xFFFFFFE0];
	v20, _, _ =	vpop (xrf1);
	(xrf1) =	vsort.ascd.msk.f32 $0xffff, v16, v16  }
0x67: {  	v21 =	vmax.f32 v6, v12;
	v11 =	vld [tilespmem:s16+$0xFFFFFFD0];
	v16, _, _ =	vpop (xrf1);
	(xrf1) =	vsort.ascd.msk.f32 $0xffff, v14, v14  }
0x68: {  	v6 =	vmin.f32 v6, v12;
	v14 =	vld [tilespmem:s16+$0xFFFFFFF0];
	v16 =	vperm.xlane v16, v1;
	v22, _, _ =	vpop (xrf1);
	(xrf1) =	vsort.ascd.msk.f32 $0xffff, v21, v21  }
0x69: {  	v12 =	vperm.xlane v18, v1;
	v18, _, _ =	vpop (xrf1);
	(xrf1) =	vsort.ascd.msk.f32 $0xffff, v6, v6  }
0x6a: {  	v21 =	vld [tilespmem:s16+$0x10];
	(xrf1) =	vsort.ascd.msk.f32 $0xffff, v13, v13;
	v23 =	vmin.f32 v9, v16;
	v13 =	vperm.xlane v15, v1;
	v15, _, _ =	vpop (xrf1)  }
0x6b: {  	v18 =	vperm.xlane v18, v1;
	(xrf1) =	vsort.ascd.msk.f32 $0xffff, v7, v7;
	v7 =	vmin.f32 v10, v12;
	v24, _, _ =	vpop (xrf0)  }
0x6c: {  	v6 =	vperm.xlane v22, v1;
	v25 =	vld [tilespmem:s16+$0x30];
	(xrf1) =	vsort.ascd.msk.f32 $0xffff, v8, v8;
	v8 =	vmax.f32 v10, v12;
	v10, _, _ =	vpop (xrf1);
	v12 =	vbroadcast v24, $0xF  }
0x6d: {  	v9 =	vmax.f32 v9, v16;
	(xrf1) =	vsort.ascd.msk.f32 $0xffff, v7, v7;
	v7 =	vperm.xlane v10, v1;
	v10, _, _ =	vpop (xrf1)  }
0x6e: {  	v22 =	vmov s13;
	s13 =	smov.u32 s12;
	s12 =	smov.u32 s11;
	s11 =	smov.u32 s14;
	v15 =	vperm.xlane v15, v1;
	(xrf1) =	vsort.ascd.msk.f32 $0xffff, v8, v8;
	v8 =	vmax.f32 v10, v18;
	v16, _, _ =	vpop (xrf1)  }
0x6f: {  	s14 =	smov.u32 s17;
	vm0 =	veq.s32 v22, v0;
	(xrf1) =	vsort.ascd.msk.f32 $0xffff, v11, v11;
	v11 =	vmin.f32 v20, v13;
	v24, _, _ =	vpop (xrf1)  }
0x70: {  	v13 =	vmax.f32 v20, v13;
	(xrf1) =	vsort.ascd.msk.f32 $0xffff, v9, v9;
	v9 =	vmin.f32 v10, v18;
	v10, _, _ =	vpop (xrf1)  }
0x71: {  	v2 =	vsel vm0, v12, v2;
	v18 =	vmax.f32 v4, v15;
	(xrf1) =	vsort.ascd.msk.f32 $0xffff, v25, v25;
	v20, _, _ =	vpop (xrf1)  }
0x72: {  	v10 =	vperm.xlane v10, v1;
	(xrf1) =	vsort.ascd.msk.f32 $0xffff, v17, v17;
	v17 =	vmin.f32 v19, v7;
	v12, _, _ =	vpop (xrf1)  }
0x73: {  	(xrf1) =	vsort.ascd.msk.f32 $0xffff, v21, v21;
	v21 =	vmin.f32 v9, v17;
	v22 =	vperm.xlane v12, v1  }
0x74: {  	v25 =	vmax.f32 v5, v10;
	(xrf1) =	vsort.ascd.msk.f32 $0xffff, v18, v18;
	v18 =	vmax.f32 v3, v6;
	v26, _, _ =	vpop (xrf1)  }
0x75: {  	v24 =	vperm.xlane v24, v1;
	(xrf1) =	vsort.ascd.msk.f32 $0xffff, v13, v13;
	v13 =	vmin.f32 v18, v25;
	v27, _, _ =	vpop (xrf1)  }
0x76: {  	v28 =	vmin.f32 v4, v15;
	v16 =	vperm.xlane v16, v1;
	(xrf1) =	vsort.ascd.msk.f32 $0xffff, v14, v14;
	v4, _, _ =	vpop (xrf1)  }
0x77: {  	v12 =	vmin.f32 v5, v10;
	v5 =	vmax.f32 v19, v7;
	v7 =	vmax.f32 v9, v17;
	v17, _, _ =	vpop (xrf1)  }
.Ltmp0:
0x78: {  	v15 =	vmin.f32 v8, v5;
	v19 =	vmax.f32 v4, v22;
	v10, _, _ =	vpop (xrf1);
	(xrf1) =	vsort.ascd.msk.f32 $0xffff, v11, v11;
	(pc) =	sbr.rel @p0 .LBB2_3-.Ltmp0, $4  }
0x79: {  	v14 =	vmax.f32 v8, v5;
	v22 =	vperm.xlane v27, v1;
	v4, _, _ =	vpop (xrf1);
	(xrf1) =	vsort.ascd.msk.f32 $0xffff, v23, v23  }
0x7a: {  	v16 =	vmax.f32 v26, v16;
	v8 =	vmax.f32 v20, v24;
	v9, _, _ =	vpop (xrf1);
	(xrf1) =	vsort.ascd.msk.f32 $0xffff, v21, v21  }
0x7b: {  	v17 =	vmax.f32 v17, v22;
	v11, _, _ =	vpop (xrf1);
	(xrf1) =	vsort.ascd.msk.f32 $0xffff, v7, v7;
	v7 =	vmin.f32 v8, v16  }
0x7c: {  	s16 =	sadd.s32 $0x80, s16;
	v16 =	vmax.f32 v18, v25;
	v8 =	vmin.f32 v17, v19;
	v5, _, _ =	vpop (xrf1);
	(xrf1) =	vsort.ascd.msk.f32 $0xffff, v28, v28  }
0x7d: {  	v17, _, _ =	vpop (xrf1)  }
0x7e: {  	v18, _, _ =	vpop (xrf1)  }
0x7f: {  	(xrf1) =	vsort.ascd.msk.f32 $0xffff, v13, v13;
	v3 =	vmin.f32 v3, v6;
	v24, _, _ =	vpop (xrf1)  }
0x80: {  	(xrf1) =	vsort.ascd.msk.f32 $0xffff, v15, v15;
	v27 =	vmax.f32 v3, v12;
	v25, _, _ =	vpop (xrf1)  }
0x81: {  	v17 =	vperm.xlane v17, v1;
	v3 =	vmin.f32 v3, v12;
	(xrf1) =	vsort.ascd.msk.f32 $0xffff, v16, v16;
	v26, _, _ =	vpop (xrf1)  }
0x82: {  	(xrf1) =	vsort.ascd.msk.f32 $0xffff, v14, v14;
	v28, _, _ =	vpop (xrf1)  }
0x83: {  	v30 =	vmin.f32 v10, v17;
	(xrf1) =	vsort.ascd.msk.f32 $0xffff, v27, v27;
	v29, _, _ =	vpop (xrf1)  }
0x84: {  	v31 =	vmax.f32 v10, v17;
	v6 =	vperm.xlane v26, v1;
	(xrf1) =	vsort.ascd.msk.f32 $0xffff, v3, v3;
	v3, _, _ =	vpop (xrf1)  }
0x85: {  	v13 =	vperm.xlane v24, v1;
	(xrf1) =	vsort.ascd.msk.f32 $0xffff, v30, v30;
	v3 =	vperm.xlane v3, v1  }
0x86: {  	v32 =	vmax.f32 v9, v6;
	(xrf1) =	vsort.ascd.msk.f32 $0xffff, v31, v31  }
0x87: {  	v36 =	vmax.f32 v25, v13;
	v34, _, _ =	vpop (xrf1);
	(xrf1) =	vsort.ascd.msk.f32 $0xffff, v32, v32;
	v35 =	vmax.f32 v4, v3  }
0x88: {  	v33 =	vperm.xlane v29, v1;
	v12 =	vperm.xlane v34, v1;
	(xrf1) =	vsort.ascd.msk.f32 $0xffff, v35, v35  }
0x89: {  	v13 =	vmin.f32 v25, v13;
	v6 =	vmin.f32 v9, v6;
	v37, _, _ =	vpop (xrf1);
	(xrf1) =	vsort.ascd.msk.f32 $0xffff, v36, v36  }
0x8a: {  	v38, _, _ =	vpop (xrf1);
	v39 =	vmin.f32 v37, v33;
	v40 =	vmin.f32 v18, v12;
	(xrf1) =	vsort.ascd.msk.f32 $0xffff, v13, v13  }
0x8b: {  	v41, _, _ =	vpop (xrf1);
	v19 =	vmin.f32 v39, v40;
	(xrf1) =	vsort.ascd.msk.f32 $0xffff, v6, v6  }
0x8c: {  	v3 =	vmin.f32 v4, v3;
	v42, _, _ =	vpop (xrf1);
	v16 =	vmax.f32 v39, v40;
	(xrf1) =	vsort.ascd.msk.f32 $0xffff, v19, v19  }
0x8d: {  	v43, _, _ =	vpop (xrf1);
	(xrf1) =	vsort.ascd.msk.f32 $0xffff, v16, v16  }
0x8e: {  	v44, _, _ =	vpop (xrf1);
	(xrf1) =	vsort.ascd.msk.f32 $0xffff, v3, v3  }
0x8f: {  	v3, _, _ =	vpop (xrf1)  }
0x90: {  	v45, _, _ =	vpop (xrf1)  }
0x91: {  	v46, _, _ =	vpop (xrf1)  }
0x92: {  	v20, _, _ =	vpop (xrf1)  }
0x93: {  	v21, _, _ =	vpop (xrf1)  }
0x94: {  	v14 =	vperm.xlane v28, v1;
	v6 =	vperm.xlane v42, v1;
	v22, _, _ =	vpop (xrf1)  }
0x95: {  	v25, _, _ =	vpop (xrf1)  }
0x96: {  	v23 =	vmax.f32 v11, v14;
	v53 =	vmin.f32 v11, v14;
	v24 =	vmax.f32 v5, v6;
	v48, _, _ =	vpop (xrf1)  }
0x97: {  	v9 =	vmax.f32 v37, v33;
	v12 =	vmax.f32 v18, v12;
	v47 =	vmin.f32 v23, v24;
	v49, _, _ =	vpop (xrf1)  }
0x98: {  	v26 =	vmin.f32 v9, v12;
	v9 =	vmax.f32 v9, v12;
	(xrf1) =	vsort.ascd.msk.f32 $0xffff, v47, v47;
	v52, _, _ =	vpop (xrf1)  }
0x99: {  	v50 =	vmin.f32 v5, v6;
	v51 =	vmax.f32 v23, v24;
	(xrf1) =	vsort.ascd.msk.f32 $0xffff, v26, v26;
	v54, _, _ =	vpop (xrf1)  }
0x9a: {  	v55 =	vmax.f32 v53, v50;
	v59 =	vperm.xlane v48, v1;
	(xrf1) =	vsort.ascd.msk.f32 $0xffff, v51, v51;
	v56, _, _ =	vpop (xrf1)  }
0x9b: {  	v10 =	vperm.xlane v49, v1;
	(xrf1) =	vsort.ascd.msk.f32 $0xffff, v9, v9;
	v57 =	vperm.xlane v52, v1;
	v58, _, _ =	vpop (xrf1)  }
0x9c: {  	v5 =	vmin.f32 v53, v50;
	v63 =	vmax.f32 v21, v59;
	(xrf1) =	vsort.ascd.msk.f32 $0xffff, v55, v55;
	v60, _, _ =	vpop (xrf1)  }
0x9d: {  	v61 =	vmin.f32 v54, v10;
	v23 =	vmin.f32 v25, v57;
	v14 =	vperm.xlane v60, v1  }
0x9e: {  	v6 =	vmax.f32 v54, v10;
	(xrf1) =	vsort.ascd.msk.f32 $0xffff, v5, v5;
	v62 =	vmin.f32 v61, v23  }
0x9f: {  	v18 =	vmax.f32 v61, v23;
	(xrf1) =	vsort.ascd.msk.f32 $0xffff, v62, v62;
	v27 =	vmax.f32 v22, v14  }
0xa0: {  	v11 =	vmax.f32 v25, v57;
	(xrf1) =	vsort.ascd.msk.f32 $0xffff, v18, v18;
	v28 =	vmin.f32 v63, v27  }
0xa1: {  	v29 =	vmin.f32 v6, v11;
	(xrf1) =	vsort.ascd.msk.f32 $0xffff, v28, v28  }
0xa2: {  	v5 =	vmin.f32 v21, v59;
	v31 =	vmax.f32 v63, v27;
	(xrf1) =	vsort.ascd.msk.f32 $0xffff, v29, v29  }
0xa3: {  	v6 =	vmax.f32 v6, v11;
	v30 =	vmin.f32 v22, v14;
	(xrf1) =	vsort.ascd.msk.f32 $0xffff, v31, v31  }
0xa4: {  	v32 =	vmax.f32 v5, v30;
	(xrf1) =	vsort.ascd.msk.f32 $0xffff, v6, v6  }
0xa5: {  	v5 =	vmin.f32 v5, v30;
	(xrf1) =	vsort.ascd.msk.f32 $0xffff, v32, v32  }
0xa6: {  	(xrf1) =	vsort.ascd.msk.f32 $0xffff, v5, v5  }
0xa7: {  	v33, _, _ =	vpop (xrf1)  }
0xa8: {  	v34, _, _ =	vpop (xrf1)  }
0xa9: {  	v35, _, _ =	vpop (xrf1)  }
0xaa: {  	v36, _, _ =	vpop (xrf1)  }
0xab: {  	v37 =	vperm.xlane v38, v1;
	v13 =	vperm.xlane v41, v1;
	v38, _, _ =	vpop (xrf1)  }
0xac: {  	v4 =	vperm.xlane v44, v1;
	v16 =	vperm.xlane v45, v1;
	v39, _, _ =	vpop (xrf1)  }
0xad: {  	v13 =	vmax.f32 v43, v13;
	v3 =	vmax.f32 v3, v37;
	v40, _, _ =	vpop (xrf1)  }
0xae: {  	v3 =	vmin.f32 v13, v3;
	v4 =	vmax.f32 v46, v4;
	v16 =	vmax.f32 v20, v16;
	v41, _, _ =	vpop (xrf1)  }
0xaf: {  	v4 =	vmin.f32 v16, v4;
	v43 =	vperm.xlane v56, v1;
	v12 =	vperm.xlane v58, v1;
	v42, _, _ =	vpop (xrf1)  }
0xb0: {  	v7 =	vmin.f32 v8, v7;
	v3 =	vmin.f32 v4, v3;
	v6 =	vperm.xlane v34, v1;
	v44, _, _ =	vpop (xrf1)  }
0xb1: {  	v5 =	vmax.f32 v33, v12;
	v4 =	vmax.f32 v35, v43;
	v45 =	vperm.xlane v36, v1;
	v46, _, _ =	vpop (xrf1)  }
0xb2: {  	v6 =	vmax.f32 v38, v6;
	v49 =	vperm.xlane v40, v1;
	v47 =	vperm.xlane v41, v1;
	v48, _, _ =	vpop (xrf1)  }
0xb3: {  	(xrf0) =	vmin.scan.msk.f32 $0xffff, v7;
	v9 =	vmax.f32 v39, v45;
	v8 =	vperm.xlane v44, v1;
	v50, _, _ =	vpop (xrf1);
	v12 =	vperm.xlane v48, v1  }
0xb4: {  	(xrf0) =	vmin.scan.msk.f32 $0xffff, v3;
	v4 =	vmin.f32 v5, v4;
	v51 =	vmin.f32 v9, v6;
	v3 =	vmax.f32 v42, v47;
	v52, _, _ =	vpop (xrf1)  }
0xb5: {  	v54 =	vmax.f32 v46, v49;
	v53 =	vmax.f32 v50, v8;
	v6 =	vmax.f32 v52, v12  }
0xb6: {  	v4 =	vmin.f32 v51, v4;
	v3 =	vmin.f32 v3, v54;
	v55 =	vmin.f32 v6, v53  }
0xb7: {  	(xrf0) =	vmin.scan.msk.f32 $0xffff, v4;
	v3 =	vmin.f32 v55, v3  }
0xb8: {  	(xrf0) =	vmin.scan.msk.f32 $0xffff, v3;
	_ =	sdelay $0x2  }
0xb9: {  	v57 =	vmov s13;
	v3, _, _ =	vpop (xrf0)  }
0xba: {  	s31 =	sshll.u32 s10, $0x4;
	s10 =	sadd.s32 $0x1, s10;
	vm0 =	veq.s32 v57, v0;
	v58 =	vmov s12;
	v56, _, _ =	vpop (xrf0);
	v3 =	vbroadcast v3, $0xF  }
0xbb: {  	p0 =	sne.s32 s10, $0x20;
	vm13 =	veq.s32 v58, v0;
	v60 =	vmov s11;
	v4 =	vbroadcast v56, $0xF;
	v59, _, _ =	vpop (xrf0)  }
.Ltmp1:
0xbc: {  	vm14 =	veq.s32 v60, v0;
	v2 =	vsel vm0, v3, v2;
	v3 =	vbroadcast v59, $0xF;
	v61, _, _ =	vpop (xrf0);
	(pc) =	sbr.rel @p0 .LBB2_2-.Ltmp1, $4  }
0xbd: {  	v63 =	vmov s14;
	v2 =	vsel vm13, v4, v2;
	v62 =	vbroadcast v61, $0xF  }
0xbe: {  	vm15 =	veq.s32 v63, v0;
	v2 =	vsel vm14, v3, v2  }
0xbf: {  	s11 =	sand.u32 $0x3FFFFFF0, s31;
	v2 =	vsel vm15, v62, v2  }
0xc0: {  	s9 =	sadd.s32 $0x800, s9;
	[tilespmem:s11+$0x10000] =	vst v2  }
0xc1: {  	s8 =	sadd.s32 $0x1, s8  }
0xc2: {  	p0 =	sne.s32 s8, s5  }
.Ltmp2:
0xc3: {  	_ = 	snop;
	(pc) =	sbr.rel @p0 .LBB2_1-.Ltmp2, $4  }
0xc4: {  	[hbm4b:s4+s2] =	stream.linear.scatter [tilespmem:s7], [sflag:$0x1], $0x200, $0x38;
	[tilespmem:$0x10200] =	vst v63  }
0xc5: {  	_ =	swait.ge [sflag:s6], $0x200  }
0xc6: {  	[sflag:s6] =	ssyncset.done $0x0  }
0xc7: {  	[sflag:s6] =	ssyncadd.s32 $0xFFFFFE00  }
0xc8: {  	_ =	sfence.sel $0x180000  }
0xc9: {  	[bflag:$0x0] =	sbarrier.arrive $0xFFFF  }
0xca: {  	p0 =	sne.s32 s1, $0x0;
	_ =	strace $0x9000004A  }
0xcb: {  	s0 =	sadd.s32 @!p0 $0x100000, s0;
	[bflag:$0x2] =	sbarrier.arrive $0xFFFF  }
0xcc: {  	[sflag:s0] =	ssyncadd.tile.s32 @!p0 $0x1;
	_ =	shalt  }
.Lfunc_end2:
_tile_overlayer_lowered:
.L_overlay_start_2:
0xcd: {  	(tag) =	ssettag $0x2  }
0xce: {  	s0 =	rddreg [dreg:$0x0];
	s2 =	stileid.u32  }
0xcf: {  	s1 =	rddreg [dreg:$0x1];
	p0 =	sne.s32 s2, $0x0  }
0xd0: {  	s3 =	rddreg [dreg:$0x2];
	[bflag:$0x3] =	sbarrier.arrive $0xFFFF;
	s2 =	simm.s32 @!p0 $0x1C01  }
0xd1: {  	[timem:s3], [sflag:s2] =	dma.local @!p0 [hbm:s0], s1  }
0xd2: {  	s0 =	simm.s32 @!p0 $0x1  }
0xd3: {  	_ =	swait.ge @!p0 [sflag:s0], s1  }
0xd4: {  	s1 =	ssub.s32 @!p0 $0x0, s1;
	[sflag:s0] =	ssyncset.done @!p0 $0x0  }
0xd5: {  	[sflag:s0] =	ssyncadd.s32 @!p0 s1  }
0xd6: {  	[bflag:$0x3] =	sbarrier.arrive $0xFFFF  }
0xd7: {  	_ =	shalt  }

// kernel: kernel.21.cloned.1.call-start
scs
__scs_entry_jumppad:
0x0: {  	(pc) =	sbr.rel $0x88, $3  }
0x1: {  	(tag) =	ssettag $0x0;
	lr =	simm.s32 $0x1  }
0x2: {  	[smem:$0x3FA0] =	sst lr;
	_ =	strace $0xD0000000  }
0x3: {  	_ = 	snop  }
0x4: {  	_ = 	snop  }
0x5: {  	_ = 	snop  }
0x6: {  	_ = 	snop  }
0x7: {  	_ = 	snop  }
__scs_overlays_trampoline_lowered:
0x8: {  	[smem:$0x3FAF] =	sst s0  }
0x9: {  	[smem:$0x3FB0] =	sst s1  }
0xa: {  	[smem:$0x3FB1] =	sst s2  }
0xb: {  	[smem:$0x3FB2] =	sst s3  }
0xc: {  	[smem:$0x3FB3] =	sst s4  }
0xd: {  	[smem:$0x3FB4] =	sst s5  }
0xe: {  	[smem:$0x3FB5] =	sst s6  }
0xf: {  	[smem:$0x3FB6] =	sst s7  }
0x10: {  	[smem:$0x3FB7] =	sst s8  }
0x11: {  	[smem:$0x3FB8] =	sst s9;
	s0 =	simm.s32 @!p0 $0x0  }
0x12: {  	s1 =	sld [smem:$0x3F9E];
	s0 =	simm.s32 @p0 $0x1  }
0x13: {  	[smem:$0x3FB9] =	sst s0;
	s0 =	simm.s32 @!p1 $0x0  }
0x14: {  	s2 =	sld [smem:$0x3F9D];
	s0 =	simm.s32 @p1 $0x1  }
0x15: {  	[smem:$0x3FBA] =	sst s0;
	s0 =	simm.s32 @!p2 $0x0  }
0x16: {  	s3 =	sld [smem:$0x3FDB];
	s0 =	simm.s32 @p2 $0x1  }
0x17: {  	s4 =	simm.s32 $0x1BF5;
	[smem:$0x3FBC] =	sst s0  }
0x18: {  	s0 =	sld [smem:$0x3F9F];
	_ =	swait.ge [sflag:s4], $0x0  }
0x19: {  	s7 =	sld [smem:$0x3FA0]  }
0x1a: {  	s8 =	sadd.s32 $0xFFFFE003, lr  }
0x1b: {  	s9 =	sadd.s32 $0xFFFFFEF7, lr;
	s5 =	simm.s32 $0xFFFFFFFF;
	p2 =	slt.u32 s8, $0xFFFFF086  }
0x1c: {  	p1 =	slt.u32 s9, $0xF7A;
	s5 =	simm.s32 @!p2 $0x0  }
0x1d: {  	s5 =	simm.s32 @p1 $0x1;
	p0 =	seq.s32 s7, s2  }
0x1e: {  	s7 =	smul.u32 @!p0 $0xF7A, s2;
	p2 =	seq.s32 @!p0 s5, $0x0  }
0x1f: {  	s9 =	smul.u32 $0xF7A, s1;
	s8 =	simm.s32 @!p0 $0x1BF5;
	p2 =	por !p2, p0  }
0x20: {  	[sflag:s8] =	ssyncset.s32 @!p0 $0xFFFFF086;
	s6 =	sadd.s32 @!p0 s3, s7;
	s7 =	simm.s32 @!p0 $0x108  }
0x21: {  	s3 =	sadd.s32 s3, s9;
	s6 =	sadd.s32 @!p0 $0x88, s6;
	s7 =	simm.s32 @p2 $0x1082  }
0x22: {  	[simem:s7], [sflag:s8] =	dma.local @!p0 [hbm:s6], $0xF7A  }
0x23: {  	s9 =	sor.u32 $0xD0000000, s2;
	s6 =	simm.s32 $0x108;
	_ =	swait.ge @!p0 [sflag:s8], $0x0  }
0x24: {  	s3 =	sadd.s32 $0x88, s3;
	s6 =	simm.s32 @!p1 $0x1082;
	[sflag:s4] =	ssyncset.s32 $0xFFFFF086  }
0x25: {  	[simem:s6], [sflag:s4] =	dma.local [hbm:s3], $0xF7A  }
0x26: {  	[smem:$0x3FA0] =	sst s1;
	(tag) =	ssettag s2;
	_ =	strace s9  }
0x27: {  	s1 =	sld [smem:$0x3FB0]  }
0x28: {  	s2 =	sld [smem:$0x3FB1]  }
0x29: {  	s4 =	sld [smem:$0x3FB3]  }
0x2a: {  	p0 =	seq.s32 s5, $0x0;
	s5 =	sld [smem:$0x3FB4]  }
0x2b: {  	s6 =	sld [smem:$0x3FB5]  }
0x2c: {  	s7 =	sld [smem:$0x3FB6]  }
0x2d: {  	s3 =	simm.s32 $0x108;
	s8 =	sld [smem:$0x3FB7]  }
0x2e: {  	s3 =	simm.s32 @!p0 $0x1082;
	s9 =	sld [smem:$0x3FB8]  }
0x2f: {  	lr =	sadd.s32 s0, s3;
	s0 =	sld [smem:$0x3FAF]  }
0x30: {  	s3 =	sld [smem:$0x3FB2]  }
0x31: {  	[smem:$0x3FBB] =	sst s10  }
0x32: {  	s10 =	sld [smem:$0x3FB9];
	_ =	sdelay $0x3  }
0x33: {  	p0 =	seq.s32 s10, $0x1;
	s10 =	sld [smem:$0x3FBB];
	_ =	sdelay $0x3  }
0x34: {  	[smem:$0x3FBB] =	sst s10  }
0x35: {  	s10 =	sld [smem:$0x3FBA];
	_ =	sdelay $0x3  }
0x36: {  	p1 =	seq.s32 s10, $0x1;
	s10 =	sld [smem:$0x3FBB];
	_ =	sdelay $0x3  }
0x37: {  	[smem:$0x3FBB] =	sst s10  }
0x38: {  	s10 =	sld [smem:$0x3FBC]  }
0x39: {  	_ = 	snop;
	(pc) =	sbr.ind lr, $3  }
0x3a: {  	_ = 	snop  }
0x3b: {  	_ = 	snop  }
0x3c: {  	p2 =	seq.s32 s10, $0x1;
	s10 =	sld [smem:$0x3FBB]  }
0x3d: {  	_ =	shalt  }
0x3e: {  	_ =	shalt  }
0x3f: {  	_ =	shalt  }
0x40: {  	_ =	shalt  }
0x41: {  	_ =	shalt  }
0x42: {  	_ =	shalt  }
0x43: {  	_ =	shalt  }
0x44: {  	_ =	shalt  }
0x45: {  	_ =	shalt  }
0x46: {  	_ =	shalt  }
0x47: {  	_ =	shalt  }
0x48: {  	_ =	shalt  }
0x49: {  	_ =	shalt  }
0x4a: {  	_ =	shalt  }
0x4b: {  	_ =	shalt  }
0x4c: {  	_ =	shalt  }
0x4d: {  	_ =	shalt  }
0x4e: {  	_ =	shalt  }
0x4f: {  	_ =	shalt  }
0x50: {  	_ =	shalt  }
0x51: {  	_ =	shalt  }
0x52: {  	_ =	shalt  }
0x53: {  	_ =	shalt  }
0x54: {  	_ =	shalt  }
0x55: {  	_ =	shalt  }
0x56: {  	_ =	shalt  }
0x57: {  	_ =	shalt  }
0x58: {  	_ =	shalt  }
0x59: {  	_ =	shalt  }
0x5a: {  	_ =	shalt  }
0x5b: {  	_ =	shalt  }
0x5c: {  	_ =	shalt  }
0x5d: {  	_ =	shalt  }
0x5e: {  	_ =	shalt  }
0x5f: {  	_ =	shalt  }
0x60: {  	_ =	shalt  }
0x61: {  	_ =	shalt  }
0x62: {  	_ =	shalt  }
0x63: {  	_ =	shalt  }
0x64: {  	_ =	shalt  }
0x65: {  	_ =	shalt  }
0x66: {  	_ =	shalt  }
0x67: {  	_ =	shalt  }
0x68: {  	_ =	shalt  }
0x69: {  	_ =	shalt  }
0x6a: {  	_ =	shalt  }
0x6b: {  	_ =	shalt  }
0x6c: {  	_ =	shalt  }
0x6d: {  	_ =	shalt  }
0x6e: {  	_ =	shalt  }
0x6f: {  	_ =	shalt  }
0x70: {  	_ =	shalt  }
0x71: {  	_ =	shalt  }
0x72: {  	_ =	shalt  }
0x73: {  	_ =	shalt  }
0x74: {  	_ =	shalt  }
0x75: {  	_ =	shalt  }
0x76: {  	_ =	shalt  }
0x77: {  	_ =	shalt  }
0x78: {  	_ =	shalt  }
0x79: {  	_ =	shalt  }
0x7a: {  	_ =	shalt  }
0x7b: {  	_ =	shalt  }
0x7c: {  	_ =	shalt  }
0x7d: {  	_ =	shalt  }
0x7e: {  	_ =	shalt  }
0x7f: {  	_ =	shalt  }
0x80: {  	_ =	shalt  }
0x81: {  	_ =	shalt  }
0x82: {  	_ =	shalt  }
0x83: {  	_ =	shalt  }
0x84: {  	_ =	shalt  }
0x85: {  	_ =	shalt  }
0x86: {  	_ =	shalt  }
0x87: {  	_ =	shalt  }
.Lfunc_end0:
.L_simem_size_0:
called_computation.2_lowered:
.L_overlay_start_0:
0x88: {  	s2 =	sld [smem:$0x3FD9]  }
0x89: {  	s3 =	sld [smem:$0x3FFE];
	_ =	sdelay $0x1  }
0x8a: {  	s1 =	srdreg.scid  }
0x8b: {  	s0 =	sand.u32 $0x1, s1  }
0x8c: {  	s17 =	sshll.u32 s0, $0xA;
	s2 =	sadd.s32 s3, s2  }
0x8d: {  	s2 =	sadd.s32 s2, s17  }
0x8e: {  	[smem:$0x3FC7] =	sst s2  }
0x8f: {  	_ = 	snop  }
0x90: {  	(tm) =	ssettm $0x1  }
0x91: {  	s18 =	sld [smem:$0x3FFB];
	_ =	sdelay $0x3  }
0x92: {  	_ =	strace s18  }
0x93: {  	s2 =	sld [smem:$0x3FFC];
	_ =	sdelay $0x3  }
0x94: {  	_ =	strace s2  }
0x95: {  	s2 =	sld [smem:$0x3FFD];
	_ =	sdelay $0x3  }
0x96: {  	_ =	strace s2  }
0x97: {  	_ =	strace $0x8FFFFFFF  }
0x98: {  	s19 =	sld [smem:$0x3FDB];
	_ =	sdelay $0x1  }
0x99: {  	s20 =	simm.s32 $_scs_section_size  }
0x9a: {  	s4 =	simm.s32 $_size__tile_overlayer_lowered;
	s5 =	simm.s32 $_tile_overlayer_lowered  }
0x9b: {  	s6 =	simm.s32 $0x1BFF;
	s21 =	sshll.u32 s5, $0x1;
	s3 =	sadd.s32 s20, s19  }
0x9c: {  	s22 =	simm.s32 $0x0;
	s4 =	sshll.u32 s4, $0x1;
	s5 =	sadd.s32 s21, s3  }
0x9d: {  	[timem:s22], [sflag:s6] =	dma.local [hbm:s5], s4  }
0x9e: {  	_ =	swait.ge [sflag:s6], s4  }
0x9f: {  	s4 =	ssub.s32 $0x0, s4;
	[sflag:s6] =	ssyncset.done $0x0  }
0xa0: {  	[sflag:s6] =	ssyncadd.s32 s4;
	_ =	sdelay $0x1  }
0xa1: {  	s23 =	simm.s32 $0x1B8B  }
0xa2: {  	_ =	swait.ge [sflag:s23], $0x1  }
0xa3: {  	[sflag:s23] =	ssyncset.done $0x0  }
0xa4: {  	[sflag:s23] =	ssyncadd.s32 $0xFFFFFFFF  }
0xa5: {  	s4 =	sld [smem:$0x0]  }
0xa6: {  	s5 =	sand.u32 $0xFFFFFFFE, s1  }
0xa7: {  	p0 =	sne.s32 s1, s5  }
0xa8: {  	s5 =	sshll.u32 @p0 s5, $0xE  }
0xa9: {  	s5 =	sadd.s32 @p0 $0x11B8D, s5;
	s6 =	sshll.u32 @p0 s4, $0x11  }
0xaa: {  	s5 =	sor.u32 @p0 s6, s5  }
0xab: {  	[sflag:s5] =	ssyncadd.remote.s32 @p0 $0x1;
	_ =	sdelay $0x1  }
0xac: {  	s5 =	simm.s32 @p0 $0x1B8D  }
0xad: {  	_ =	swait.eq @p0 [sflag:s5], $0x1  }
0xae: {  	[sflag:s5] =	ssyncadd.s32 @p0 $0xFFFFFFFF  }
0xaf: {  	s6 =	sshll.u32 @!p0 s1, $0xE  }
0xb0: {  	s6 =	sor.u32 @!p0 $0x4000, s6;
	s5 =	simm.s32 @!p0 $0x1B8D  }
0xb1: {  	s4 =	sshll.u32 @!p0 s4, $0x11;
	s6 =	sadd.s32 @!p0 $0x11B8D, s6;
	_ =	swait.eq @!p0 [sflag:s5], $0x1  }
0xb2: {  	s4 =	sor.u32 @!p0 s4, s6;
	[sflag:s5] =	ssyncadd.s32 @!p0 $0xFFFFFFFF  }
0xb3: {  	s25 =	simm.s32 $0x1B8E;
	s24 =	sld [smem:$0x3FFE];
	[sflag:s4] =	ssyncadd.remote.s32 @!p0 $0x1  }
0xb4: {  	s26 =	simm.s32 $execute0_lowered;
	[smem:$0x3FD2] =	sst s25  }
0xb5: {  	s5 =	sshll.u32 s26, $0x1;
	_ =	strace $0x8000004C;
	[dreg:$0x1] =	wrdreg $0xFFFFFFFF  }
0xb6: {  	s28 =	simm.s32 $_size_execute0_lowered;
	s3 =	sadd.s32 s3, s5;
	[dreg:$0x0] =	wrdreg $0x0  }
0xb7: {  	s5 =	sshll.u32 s28, $0x1;
	[dreg:$0x2] =	wrdreg s3  }
0xb8: {  	[dreg:$0x3] =	wrdreg s5  }
0xb9: {  	[dreg:$0x4] =	wrdreg $0xC0  }
0xba: {  	_ =	task [dreg:s22], $0x5FFFF  }
0xbb: {  	[dreg:$0x1] =	wrdreg $0xFFFFFFFF  }
0xbc: {  	[dreg:$0x0] =	wrdreg $0x60  }
0xbd: {  	[dreg:$0x2] =	wrdreg s24  }
0xbe: {  	[dreg:$0x3] =	wrdreg $0xB  }
0xbf: {  	_ =	task.clear_ibuf [dreg:s22], $0x4FFFF;
	_ =	strace $0x9000004C  }
0xc0: {  	s29 =	simm.s32 $0xB;
	_ =	strace $0x8000004E  }
0xc1: {  	_ =	swait.ge [sflag:s29], $0x1  }
0xc2: {  	[sflag:s29] =	ssyncadd.s32 $0xFFFFFFFF  }
0xc3: {  	_ =	strace $0x9000004E  }
0xc4: {  	_ =	sfence  }
0xc5: {  	s30 =	sld [smem:$0x0];
	_ =	sdelay $0x2  }
0xc6: {  	s31 =	sshll.u32 s1, $0xD;
	s1 =	sshrl.u32 s1, $0x2  }
0xc7: {  	s4 =	sand.u32 $0x4000, s31;
	s1 =	sadd.s32 s1, s30  }
0xc8: {  	s0 =	sor.u32 s4, s0;
	s1 =	sshll.u32 s1, $0x11  }
0xc9: {  	s0 =	sor.u32 s1, s0  }
0xca: {  	s0 =	sadd.s32 $0x8F2B, s0  }
0xcb: {  	[sflag:s0] =	ssyncadd.remote.s32 $0x1  }
0xcc: {  	_ =	sfence.sel $0xFFFF  }
0xcd: {  	[dreg:$0x0] =	wrdreg $0xFFFFFFFF;
	(pc) =	sbr.abs _section_cstart, $3  }
0xce: {  	[dreg:$0x1] =	wrdreg $0xFFFFFFFF  }
0xcf: {  	_ =	task.clear_ibuf [dreg:s22], $0x2FFFF;
	_ =	strace $0x9FFFFFFF  }
0xd0: {  	(tm) =	ssettm $0x7FFFFFFF  }
0xd1: {  	_ =	shalt  }
tec
execute0_lowered:
.L_overlay_start_1:
0x0: {  	(tag) =	ssettag $0x1  }
0x1: {  	s3 =	rddreg [dreg:$0x0]  }
0x2: {  	s0 =	rddreg [dreg:$0x1];
	s4 =	srdreg.scid  }
0x3: {  	s2 =	simm.s32 $0x0;
	s1 =	stileid.u32;
	s4 =	sand.u32 $0x1, s4  }
0x4: {  	[smem:$0x7FF] =	sst s2;
	s5 =	sshll.u32 s1, $0xA;
	s6 =	sshll.u32 s4, $0x9  }
0x5: {  	s8 =	simm.s32 $0x0;
	_ =	strace $0x8000004D;
	s5 =	sor.u32 s6, s5  }
0x6: {  	v0 =	vlaneseq.u32;
	s4 =	ssub.s32 $0x2, s4;
	s6 =	sshll.u32 s5, $0x4;
	s5 =	sshrl.u32 s5, $0x3  }
0x7: {  	v1 =	vmul.u32 $0xFFFFFFFF, v0;
	s7 =	sshrl.u32 s4, $0x1;
	s6 =	sadd.s32 s6, s3;
	s5 =	sadd.s32 s5, s3  }
0x8: {  	s7 =	ssub.s32 s4, s7;
	s3 =	sadd.s32 $0x44000, s6;
	s4 =	sadd.s32 $0x84000, s5  }
0x9: {  	v1 =	vadd.s32 $0xF, v1;
	s5 =	smax.u32 s7, $0x1;
	s6 =	simm.s32 $0x1;
	s7 =	simm.s32 $0x10000  }
.LBB2_1:
0xa: {  	[tilespmem:s2], [sflag:$0x1] =	stream.linear.gather [hbm4b:s3+s2], $0x10000, $0x38;
	[tilespmem:$0x10200] =	vst v63  }
0xb: {  	_ =	swait.ge [sflag:s6], $0x10000  }
0xc: {  	[sflag:s6] =	ssyncset.done $0x0  }
0xd: {  	s9 =	simm.s32 $0x40;
	s10 =	simm.s32 $0x0;
	[sflag:s6] =	ssyncadd.s32 $0xFFFF0000  }
.LBB2_2:
0xe: {  	v2 =	vld [tilespmem:s9+$0xFFFFFFC0]  }
0xf: {  	v3 =	vld [tilespmem:s9+$0xFFFFFFE0]  }
0x10: {  	v4 =	vld [tilespmem:s9+$0x0]  }
0x11: {  	v5 =	vld [tilespmem:s9+$0xFFFFFFD0]  }
0x12: {  	v6 =	vld [tilespmem:s9+$0x30]  }
0x13: {  	v7 =	vld [tilespmem:s9+$0x20];
	(xrf1) =	vsort.ascd.msk.f32 $0xffff, v2, v2  }
0x14: {  	v2 =	vld [tilespmem:s9+$0x10];
	(xrf1) =	vsort.ascd.msk.f32 $0xffff, v3, v3  }
0x15: {  	(xrf1) =	vsort.ascd.msk.f32 $0xffff, v4, v4  }
0x16: {  	(xrf1) =	vsort.ascd.msk.f32 $0xffff, v5, v5  }
0x17: {  	(xrf1) =	vsort.ascd.msk.f32 $0xffff, v6, v6  }
0x18: {  	(xrf1) =	vsort.ascd.msk.f32 $0xffff, v7, v7  }
0x19: {  	(xrf1) =	vsort.ascd.msk.f32 $0xffff, v2, v2  }
0x1a: {  	v3 =	vld [tilespmem:s9+$0xFFFFFFF0];
	_ =	sdelay $0x4  }
0x1b: {  	(xrf1) =	vsort.ascd.msk.f32 $0xffff, v3, v3  }
0x1c: {  	s11 =	sadd.s32 $0x80, s9  }
0x1d: {  	v2 =	vld [tilespmem:s11+$0xFFFFFFC0];
	v3, _, _ =	vpop (xrf1)  }
0x1e: {  	v4 =	vld [tilespmem:s11+$0xFFFFFFE0];
	v5, _, _ =	vpop (xrf1)  }
0x1f: {  	v6 =	vld [tilespmem:s11+$0x0];
	v7, _, _ =	vpop (xrf1)  }
0x20: {  	v8, _, _ =	vpop (xrf1)  }
0x21: {  	v9, _, _ =	vpop (xrf1)  }
0x22: {  	v10 =	vld [tilespmem:s11+$0xFFFFFFD0];
	v8 =	vperm.xlane v8, v1;
	(xrf1) =	vsort.ascd.msk.f32 $0xffff, v2, v2;
	v2, _, _ =	vpop (xrf1)  }
0x23: {  	(xrf1) =	vsort.ascd.msk.f32 $0xffff, v4, v4;
	v4, _, _ =	vpop (xrf1)  }
0x24: {  	v12 =	vld [tilespmem:s11+$0x30];
	v11 =	vmin.f32 v3, v8;
	(xrf1) =	vsort.ascd.msk.f32 $0xffff, v6, v6;
	v4 =	vperm.xlane v4, v1  }
0x25: {  	v6 =	vld [tilespmem:s11+$0x20];
	v3 =	vmax.f32 v3, v8;
	(xrf1) =	vsort.ascd.msk.f32 $0xffff, v11, v11  }
0x26: {  	v8 =	vld [tilespmem:s11+$0x10];
	(xrf1) =	vsort.ascd.msk.f32 $0xffff, v3, v3;
	v3 =	vmax.f32 v7, v4  }
0x27: {  	(xrf1) =	vsort.ascd.msk.f32 $0xffff, v10, v10  }
0x28: {  	(xrf1) =	vsort.ascd.msk.f32 $0xffff, v3, v3  }
0x29: {  	(xrf1) =	vsort.ascd.msk.f32 $0xffff, v12, v12;
	v3, _, _ =	vpop (xrf1)  }
0x2a: {  	v10 =	vld [tilespmem:s11+$0xFFFFFFF0];
	(xrf1) =	vsort.ascd.msk.f32 $0xffff, v6, v6;
	v3 =	vperm.xlane v3, v1  }
0x2b: {  	v6 =	vperm.xlane v9, v1;
	(xrf1) =	vsort.ascd.msk.f32 $0xffff, v8, v8  }
0x2c: {  	v8 =	vmax.f32 v5, v3  }
0x2d: {  	v9 =	vmax.f32 v2, v6;
	(xrf1) =	vsort.ascd.msk.f32 $0xffff, v8, v8  }
0x2e: {  	(xrf1) =	vsort.ascd.msk.f32 $0xffff, v9, v9  }
0x2f: {  	(xrf1) =	vsort.ascd.msk.f32 $0xffff, v10, v10  }
0x30: {  	v2 =	vmin.f32 v2, v6;
	v8, _, _ =	vpop (xrf1)  }
0x31: {  	s11 =	sadd.s32 $0x80, s11;
	v4 =	vmin.f32 v7, v4;
	v9, _, _ =	vpop (xrf1)  }
0x32: {  	v10 =	vld [tilespmem:s11+$0xFFFFFFC0];
	(xrf1) =	vsort.ascd.msk.f32 $0xffff, v2, v2;
	v6, _, _ =	vpop (xrf1)  }
0x33: {  	v7 =	vld [tilespmem:s11+$0xFFFFFFE0];
	v3 =	vmin.f32 v5, v3;
	(xrf1) =	vsort.ascd.msk.f32 $0xffff, v4, v4;
	v2, _, _ =	vpop (xrf1)  }
0x34: {  	v11 =	vld [tilespmem:s11+$0x0];
	v4, _, _ =	vpop (xrf1)  }
0x35: {  	(xrf1) =	vsort.ascd.msk.f32 $0xffff, v3, v3;
	v5, _, _ =	vpop (xrf1)  }
0x36: {  	v3, _, _ =	vpop (xrf1)  }
0x37: {  	v13 =	vld [tilespmem:s11+$0xFFFFFFD0];
	(xrf1) =	vsort.ascd.msk.f32 $0xffff, v10, v10;
	v5 =	vperm.xlane v5, v1;
	v12, _, _ =	vpop (xrf1)  }
0x38: {  	(xrf1) =	vsort.ascd.msk.f32 $0xffff, v7, v7;
	v10, _, _ =	vpop (xrf1)  }
0x39: {  	v15 =	vld [tilespmem:s11+$0x30];
	(xrf1) =	vsort.ascd.msk.f32 $0xffff, v11, v11;
	v14 =	vmin.f32 v8, v5;
	v5 =	vmax.f32 v8, v5;
	v7, _, _ =	vpop (xrf1)  }
0x3a: {  	v11 =	vld [tilespmem:s11+$0x20];
	(xrf1) =	vsort.ascd.msk.f32 $0xffff, v14, v14;
	v7 =	vperm.xlane v7, v1  }
0x3b: {  	v14 =	vld [tilespmem:s11+$0x10];
	(xrf1) =	vsort.ascd.msk.f32 $0xffff, v5, v5;
	v8, _, _ =	vpop (xrf1)  }
0x3c: {  	(xrf1) =	vsort.ascd.msk.f32 $0xffff, v13, v13;
	v16 =	vmax.f32 v6, v7;
	v5, _, _ =	vpop (xrf1)  }
0x3d: {  	(xrf1) =	vsort.ascd.msk.f32 $0xffff, v16, v16;
	v13, _, _ =	vpop (xrf1)  }
0x3e: {  	v12 =	vperm.xlane v12, v1;
	v16 =	vld [tilespmem:s11+$0xFFFFFFF0];
	(xrf1) =	vsort.ascd.msk.f32 $0xffff, v15, v15;
	v13 =	vperm.xlane v13, v1  }
0x3f: {  	v6 =	vmin.f32 v6, v7;
	v5 =	vperm.xlane v5, v1;
	(xrf1) =	vsort.ascd.msk.f32 $0xffff, v11, v11  }
0x40: {  	v11, _, _ =	vpop (xrf1);
	(xrf1) =	vsort.ascd.msk.f32 $0xffff, v14, v14;
	v14 =	vmax.f32 v10, v12;
	v7 =	vmax.f32 v9, v13  }
0x41: {  	(xrf1) =	vsort.ascd.msk.f32 $0xffff, v7, v7;
	v7 =	vperm.xlane v8, v1;
	v8 =	vperm.xlane v11, v1;
	v11, _, _ =	vpop (xrf1)  }
0x42: {  	v10 =	vmin.f32 v10, v12;
	(xrf1) =	vsort.ascd.msk.f32 $0xffff, v14, v14;
	v14 =	vmax.f32 v11, v5  }
0x43: {  	v5 =	vmin.f32 v11, v5;
	v11, _, _ =	vpop (xrf1);
	(xrf1) =	vsort.ascd.msk.f32 $0xffff, v16, v16;
	v12 =	vmin.f32 v3, v8  }
0x44: {  	(xrf1) =	vsort.ascd.msk.f32 $0xffff, v10, v10;
	v10 =	vperm.xlane v11, v1  }
0x45: {  	v15, _, _ =	vpop (xrf1);
	v11 =	vmin.f32 v5, v12;
	v5 =	vmax.f32 v5, v12;
	(xrf1) =	vsort.ascd.msk.f32 $0xffff, v6, v6  }
0x46: {  	v6 =	vmax.f32 v2, v7;
	v12, _, _ =	vpop (xrf1);
	(xrf1) =	vsort.ascd.msk.f32 $0xffff, v11, v11;
	v11 =	vmax.f32 v4, v10  }
0x47: {  	v9 =	vmin.f32 v9, v13;
	v13, _, _ =	vpop (xrf1);
	(xrf1) =	vsort.ascd.msk.f32 $0xffff, v5, v5;
	v5 =	vmin.f32 v6, v11  }
0x48: {  	v8 =	vmax.f32 v3, v8;
	v3, _, _ =	vpop (xrf1)  }
0x49: {  	(xrf1) =	vsort.ascd.msk.f32 $0xffff, v9, v9;
	v16, _, _ =	vpop (xrf1)  }
0x4a: {  	s16 =	sadd.s32 $0x80, s11;
	v4 =	vmin.f32 v4, v10;
	v9 =	vmin.f32 v14, v8;
	(xrf1) =	vsort.ascd.msk.f32 $0xffff, v5, v5;
	v5, _, _ =	vpop (xrf1)  }
0x4b: {  	v6 =	vmax.f32 v6, v11;
	v8 =	vmax.f32 v14, v8;
	(xrf1) =	vsort.ascd.msk.f32 $0xffff, v9, v9;
	v9 =	vld [tilespmem:s16+$0xFFFFFFC0];
	v10, _, _ =	vpop (xrf1)  }
0x4c: {  	v2 =	vmin.f32 v2, v7;
	v14 =	vld [tilespmem:s16+$0xFFFFFFE0];
	(xrf1) =	vsort.ascd.msk.f32 $0xffff, v6, v6;
	v11, _, _ =	vpop (xrf1)  }
0x4d: {  	v17 =	vmax.f32 v2, v4;
	v6 =	vld [tilespmem:s16+$0x0];
	(xrf1) =	vsort.ascd.msk.f32 $0xffff, v8, v8;
	v7, _, _ =	vpop (xrf1)  }
0x4e: {  	v2 =	vmin.f32 v2, v4;
	v8, _, _ =	vpop (xrf1);
	(xrf1) =	vsort.ascd.msk.f32 $0xffff, v17, v17  }
0x4f: {  	v11 =	vperm.xlane v11, v1;
	v4 =	vperm.xlane v8, v1;
	v8, _, _ =	vpop (xrf1);
	(xrf1) =	vsort.ascd.msk.f32 $0xffff, v2, v2  }
0x50: {  	v5 =	vperm.xlane v5, v1;
	v2 =	vld [tilespmem:s16+$0xFFFFFFD0];
	v17, _, _ =	vpop (xrf1);
	(xrf1) =	vsort.ascd.msk.f32 $0xffff, v9, v9  }
0x51: {  	v22 =	vmin.f32 v7, v11;
	v18, _, _ =	vpop (xrf1);
	(xrf1) =	vsort.ascd.msk.f32 $0xffff, v14, v14  }
0x52: {  	v19 =	vld [tilespmem:s16+$0x30];
	v14 =	vmin.f32 v15, v5;
	v5 =	vmax.f32 v15, v5;
	(xrf1) =	vsort.ascd.msk.f32 $0xffff, v6, v6  }
0x53: {  	v21 =	vld [tilespmem:s16+$0x20];
	v9 =	vmin.f32 v13, v4;
	v17 =	vperm.xlane v17, v1;
	v20, _, _ =	vpop (xrf1);
	(xrf1) =	vsort.ascd.msk.f32 $0xffff, v14, v14  }
0x54: {  	v4 =	vmax.f32 v13, v4;
	v6 =	vperm.xlane v8, v1;
	v8, _, _ =	vpop (xrf1);
	v14 =	vld [tilespmem:s16+$0x10];
	(xrf1) =	vsort.ascd.msk.f32 $0xffff, v5, v5  }
0x55: {  	v7 =	vmax.f32 v7, v11;
	v18 =	vperm.xlane v18, v1;
	v5, _, _ =	vpop (xrf1);
	(xrf1) =	vsort.ascd.msk.f32 $0xffff, v2, v2  }
0x56: {  	v15 =	vperm.xlane v20, v1;
	v60 =	vmax.f32 v8, v17;
	v2, _, _ =	vpop (xrf1);
	(xrf1) =	vsort.ascd.msk.f32 $0xffff, v4, v4  }
0x57: {  	v11 =	vld [tilespmem:s16+$0xFFFFFFF0];
	v8 =	vmin.f32 v8, v17;
	v13 =	vmax.f32 v12, v18;
	v4, _, _ =	vpop (xrf1);
	(xrf1) =	vsort.ascd.msk.f32 $0xffff, v19, v19  }
0x58: {  	v62 =	vmax.f32 v3, v6;
	v18 =	vmin.f32 v12, v18;
	v17, _, _ =	vpop (xrf1);
	(xrf1) =	vsort.ascd.msk.f32 $0xffff, v21, v21  }
0x59: {  	v5 =	vperm.xlane v5, v1;
	v2 =	vperm.xlane v2, v1;
	v61, _, _ =	vpop (xrf1);
	(xrf1) =	vsort.ascd.msk.f32 $0xffff, v14, v14  }
0x5a: {  	v4 =	vperm.xlane v4, v1;
	v19 =	vmin.f32 v10, v15;
	v25, _, _ =	vpop (xrf1);
	(xrf1) =	vsort.ascd.msk.f32 $0xffff, v13, v13  }
0x5b: {  	v23 =	vmin.f32 v8, v19;
	v8 =	vmax.f32 v8, v19;
	(xrf1) =	vsort.ascd.msk.f32 $0xffff, v7, v7;
	v7, _, _ =	vpop (xrf1)  }
0x5c: {  	v2 =	vmax.f32 v17, v2;
	v14 =	vperm.xlane v61, v1;
	(xrf1) =	vsort.ascd.msk.f32 $0xffff, v11, v11;
	v11, _, _ =	vpop (xrf1)  }
0x5d: {  	v24 =	vmax.f32 v16, v4;
	v12 =	vmin.f32 v16, v4;
	v16 =	vmax.f32 v10, v15;
	v19, _, _ =	vpop (xrf1)  }
0x5e: {  	v13 =	vmin.f32 v62, v24;
	v15 =	vmin.f32 v60, v16;
	(xrf1) =	vsort.ascd.msk.f32 $0xffff, v22, v22;
	v10, _, _ =	vpop (xrf1)  }
0x5f: {  	v5 =	vmax.f32 v25, v5;
	v7 =	vperm.xlane v7, v1;
	(xrf1) =	vsort.ascd.msk.f32 $0xffff, v9, v9;
	v4, _, _ =	vpop (xrf1)  }
0x60: {  	v63 =	vmax.f32 v11, v14;
	v14 =	vmax.f32 v60, v16;
	(xrf1) =	vsort.ascd.msk.f32 $0xffff, v23, v23;
	v9, _, _ =	vpop (xrf1)  }
0x61: {  	s13 =	simm.s32 $0x0;
	s12 =	simm.s32 $0x1;
	s14 =	simm.s32 $0x3;
	v16 =	vmax.f32 v62, v24;
	(xrf1) =	vsort.ascd.msk.f32 $0xffff, v8, v8;
	v8 =	vmax.f32 v19, v7;
	v11, _, _ =	vpop (xrf1)  }
0x62: {  	s15 =	simm.s32 $0x4;
	s11 =	simm.s32 $0x2;
	s16 =	sadd.s32 $0x80, s16;
	v7 =	vmin.f32 v2, v5;
	v2 =	vimm.f32 $0.0e+00;
	(xrf1) =	vsort.ascd.msk.f32 $0xffff, v18, v18;
	v8 =	vmin.f32 v8, v63;
	v5, _, _ =	vpop (xrf1)  }
.LBB2_3:
0x63: {  	v17 =	vld [tilespmem:s16+$0x20];
	p0 =	sne.s32 s15, $0xF;
	v18, _, _ =	vpop (xrf1);
	(xrf1) =	vsort.ascd.msk.f32 $0xffff, v13, v13;
	s17 =	smov.u32 s15;
	s15 =	sadd.s32 $0x1, s15  }
0x64: {  	v7 =	vmin.f32 v8, v7;
	v13 =	vld [tilespmem:s16+$0xFFFFFFC0];
	v19, _, _ =	vpop (xrf1);
	(xrf1) =	vsort.ascd.msk.f32 $0xffff, v15, v15  }
0x65: {  	v8 =	vld [tilespmem:s16+$0x0];
	v15, _, _ =	vpop (xrf1);
	(xrf0) =	vmin.scan.msk.f32 $0xffff, v7  }
0x66: {  	v6 =	vmin.f32 v3, v6;
	v3 =	vmov v11;
	v7 =	vld [tilespmem:s16+$0xFFFFFFE0];
	v20, _, _ =	vpop (xrf1);
	(xrf1) =	vsort.ascd.msk.f32 $0xffff, v16, v16  }
0x67: {  	v21 =	vmax.f32 v6, v12;
	v11 =	vld [tilespmem:s16+$0xFFFFFFD0];
	v16, _, _ =	vpop (xrf1);
	(xrf1) =	vsort.ascd.msk.f32 $0xffff, v14, v14  }
0x68: {  	v6 =	vmin.f32 v6, v12;
	v14 =	vld [tilespmem:s16+$0xFFFFFFF0];
	v16 =	vperm.xlane v16, v1;
	v22, _, _ =	vpop (xrf1);
	(xrf1) =	vsort.ascd.msk.f32 $0xffff, v21, v21  }
0x69: {  	v12 =	vperm.xlane v18, v1;
	v18, _, _ =	vpop (xrf1);
	(xrf1) =	vsort.ascd.msk.f32 $0xffff, v6, v6  }
0x6a: {  	v21 =	vld [tilespmem:s16+$0x10];
	(xrf1) =	vsort.ascd.msk.f32 $0xffff, v13, v13;
	v23 =	vmin.f32 v9, v16;
	v13 =	vperm.xlane v15, v1;
	v15, _, _ =	vpop (xrf1)  }
0x6b: {  	v18 =	vperm.xlane v18, v1;
	(xrf1) =	vsort.ascd.msk.f32 $0xffff, v7, v7;
	v7 =	vmin.f32 v10, v12;
	v24, _, _ =	vpop (xrf0)  }
0x6c: {  	v6 =	vperm.xlane v22, v1;
	v25 =	vld [tilespmem:s16+$0x30];
	(xrf1) =	vsort.ascd.msk.f32 $0xffff, v8, v8;
	v8 =	vmax.f32 v10, v12;
	v10, _, _ =	vpop (xrf1);
	v12 =	vbroadcast v24, $0xF  }
0x6d: {  	v9 =	vmax.f32 v9, v16;
	(xrf1) =	vsort.ascd.msk.f32 $0xffff, v7, v7;
	v7 =	vperm.xlane v10, v1;
	v10, _, _ =	vpop (xrf1)  }
0x6e: {  	v22 =	vmov s13;
	s13 =	smov.u32 s12;
	s12 =	smov.u32 s11;
	s11 =	smov.u32 s14;
	v15 =	vperm.xlane v15, v1;
	(xrf1) =	vsort.ascd.msk.f32 $0xffff, v8, v8;
	v8 =	vmax.f32 v10, v18;
	v16, _, _ =	vpop (xrf1)  }
0x6f: {  	s14 =	smov.u32 s17;
	vm0 =	veq.s32 v22, v0;
	(xrf1) =	vsort.ascd.msk.f32 $0xffff, v11, v11;
	v11 =	vmin.f32 v20, v13;
	v24, _, _ =	vpop (xrf1)  }
0x70: {  	v13 =	vmax.f32 v20, v13;
	(xrf1) =	vsort.ascd.msk.f32 $0xffff, v9, v9;
	v9 =	vmin.f32 v10, v18;
	v10, _, _ =	vpop (xrf1)  }
0x71: {  	v2 =	vsel vm0, v12, v2;
	v18 =	vmax.f32 v4, v15;
	(xrf1) =	vsort.ascd.msk.f32 $0xffff, v25, v25;
	v20, _, _ =	vpop (xrf1)  }
0x72: {  	v10 =	vperm.xlane v10, v1;
	(xrf1) =	vsort.ascd.msk.f32 $0xffff, v17, v17;
	v17 =	vmin.f32 v19, v7;
	v12, _, _ =	vpop (xrf1)  }
0x73: {  	(xrf1) =	vsort.ascd.msk.f32 $0xffff, v21, v21;
	v21 =	vmin.f32 v9, v17;
	v22 =	vperm.xlane v12, v1  }
0x74: {  	v25 =	vmax.f32 v5, v10;
	(xrf1) =	vsort.ascd.msk.f32 $0xffff, v18, v18;
	v18 =	vmax.f32 v3, v6;
	v26, _, _ =	vpop (xrf1)  }
0x75: {  	v24 =	vperm.xlane v24, v1;
	(xrf1) =	vsort.ascd.msk.f32 $0xffff, v13, v13;
	v13 =	vmin.f32 v18, v25;
	v27, _, _ =	vpop (xrf1)  }
0x76: {  	v28 =	vmin.f32 v4, v15;
	v16 =	vperm.xlane v16, v1;
	(xrf1) =	vsort.ascd.msk.f32 $0xffff, v14, v14;
	v4, _, _ =	vpop (xrf1)  }
0x77: {  	v12 =	vmin.f32 v5, v10;
	v5 =	vmax.f32 v19, v7;
	v7 =	vmax.f32 v9, v17;
	v17, _, _ =	vpop (xrf1)  }
.Ltmp0:
0x78: {  	v15 =	vmin.f32 v8, v5;
	v19 =	vmax.f32 v4, v22;
	v10, _, _ =	vpop (xrf1);
	(xrf1) =	vsort.ascd.msk.f32 $0xffff, v11, v11;
	(pc) =	sbr.rel @p0 .LBB2_3-.Ltmp0, $4  }
0x79: {  	v14 =	vmax.f32 v8, v5;
	v22 =	vperm.xlane v27, v1;
	v4, _, _ =	vpop (xrf1);
	(xrf1) =	vsort.ascd.msk.f32 $0xffff, v23, v23  }
0x7a: {  	v16 =	vmax.f32 v26, v16;
	v8 =	vmax.f32 v20, v24;
	v9, _, _ =	vpop (xrf1);
	(xrf1) =	vsort.ascd.msk.f32 $0xffff, v21, v21  }
0x7b: {  	v17 =	vmax.f32 v17, v22;
	v11, _, _ =	vpop (xrf1);
	(xrf1) =	vsort.ascd.msk.f32 $0xffff, v7, v7;
	v7 =	vmin.f32 v8, v16  }
0x7c: {  	s16 =	sadd.s32 $0x80, s16;
	v16 =	vmax.f32 v18, v25;
	v8 =	vmin.f32 v17, v19;
	v5, _, _ =	vpop (xrf1);
	(xrf1) =	vsort.ascd.msk.f32 $0xffff, v28, v28  }
0x7d: {  	v17, _, _ =	vpop (xrf1)  }
0x7e: {  	v18, _, _ =	vpop (xrf1)  }
0x7f: {  	(xrf1) =	vsort.ascd.msk.f32 $0xffff, v13, v13;
	v3 =	vmin.f32 v3, v6;
	v24, _, _ =	vpop (xrf1)  }
0x80: {  	(xrf1) =	vsort.ascd.msk.f32 $0xffff, v15, v15;
	v27 =	vmax.f32 v3, v12;
	v25, _, _ =	vpop (xrf1)  }
0x81: {  	v17 =	vperm.xlane v17, v1;
	v3 =	vmin.f32 v3, v12;
	(xrf1) =	vsort.ascd.msk.f32 $0xffff, v16, v16;
	v26, _, _ =	vpop (xrf1)  }
0x82: {  	(xrf1) =	vsort.ascd.msk.f32 $0xffff, v14, v14;
	v28, _, _ =	vpop (xrf1)  }
0x83: {  	v30 =	vmin.f32 v10, v17;
	(xrf1) =	vsort.ascd.msk.f32 $0xffff, v27, v27;
	v29, _, _ =	vpop (xrf1)  }
0x84: {  	v31 =	vmax.f32 v10, v17;
	v6 =	vperm.xlane v26, v1;
	(xrf1) =	vsort.ascd.msk.f32 $0xffff, v3, v3;
	v3, _, _ =	vpop (xrf1)  }
0x85: {  	v13 =	vperm.xlane v24, v1;
	(xrf1) =	vsort.ascd.msk.f32 $0xffff, v30, v30;
	v3 =	vperm.xlane v3, v1  }
0x86: {  	v32 =	vmax.f32 v9, v6;
	(xrf1) =	vsort.ascd.msk.f32 $0xffff, v31, v31  }
0x87: {  	v36 =	vmax.f32 v25, v13;
	v34, _, _ =	vpop (xrf1);
	(xrf1) =	vsort.ascd.msk.f32 $0xffff, v32, v32;
	v35 =	vmax.f32 v4, v3  }
0x88: {  	v33 =	vperm.xlane v29, v1;
	v12 =	vperm.xlane v34, v1;
	(xrf1) =	vsort.ascd.msk.f32 $0xffff, v35, v35  }
0x89: {  	v13 =	vmin.f32 v25, v13;
	v6 =	vmin.f32 v9, v6;
	v37, _, _ =	vpop (xrf1);
	(xrf1) =	vsort.ascd.msk.f32 $0xffff, v36, v36  }
0x8a: {  	v38, _, _ =	vpop (xrf1);
	v39 =	vmin.f32 v37, v33;
	v40 =	vmin.f32 v18, v12;
	(xrf1) =	vsort.ascd.msk.f32 $0xffff, v13, v13  }
0x8b: {  	v41, _, _ =	vpop (xrf1);
	v19 =	vmin.f32 v39, v40;
	(xrf1) =	vsort.ascd.msk.f32 $0xffff, v6, v6  }
0x8c: {  	v3 =	vmin.f32 v4, v3;
	v42, _, _ =	vpop (xrf1);
	v16 =	vmax.f32 v39, v40;
	(xrf1) =	vsort.ascd.msk.f32 $0xffff, v19, v19  }
0x8d: {  	v43, _, _ =	vpop (xrf1);
	(xrf1) =	vsort.ascd.msk.f32 $0xffff, v16, v16  }
0x8e: {  	v44, _, _ =	vpop (xrf1);
	(xrf1) =	vsort.ascd.msk.f32 $0xffff, v3, v3  }
0x8f: {  	v3, _, _ =	vpop (xrf1)  }
0x90: {  	v45, _, _ =	vpop (xrf1)  }
0x91: {  	v46, _, _ =	vpop (xrf1)  }
0x92: {  	v20, _, _ =	vpop (xrf1)  }
0x93: {  	v21, _, _ =	vpop (xrf1)  }
0x94: {  	v14 =	vperm.xlane v28, v1;
	v6 =	vperm.xlane v42, v1;
	v22, _, _ =	vpop (xrf1)  }
0x95: {  	v25, _, _ =	vpop (xrf1)  }
0x96: {  	v23 =	vmax.f32 v11, v14;
	v53 =	vmin.f32 v11, v14;
	v24 =	vmax.f32 v5, v6;
	v48, _, _ =	vpop (xrf1)  }
0x97: {  	v9 =	vmax.f32 v37, v33;
	v12 =	vmax.f32 v18, v12;
	v47 =	vmin.f32 v23, v24;
	v49, _, _ =	vpop (xrf1)  }
0x98: {  	v26 =	vmin.f32 v9, v12;
	v9 =	vmax.f32 v9, v12;
	(xrf1) =	vsort.ascd.msk.f32 $0xffff, v47, v47;
	v52, _, _ =	vpop (xrf1)  }
0x99: {  	v50 =	vmin.f32 v5, v6;
	v51 =	vmax.f32 v23, v24;
	(xrf1) =	vsort.ascd.msk.f32 $0xffff, v26, v26;
	v54, _, _ =	vpop (xrf1)  }
0x9a: {  	v55 =	vmax.f32 v53, v50;
	v59 =	vperm.xlane v48, v1;
	(xrf1) =	vsort.ascd.msk.f32 $0xffff, v51, v51;
	v56, _, _ =	vpop (xrf1)  }
0x9b: {  	v10 =	vperm.xlane v49, v1;
	(xrf1) =	vsort.ascd.msk.f32 $0xffff, v9, v9;
	v57 =	vperm.xlane v52, v1;
	v58, _, _ =	vpop (xrf1)  }
0x9c: {  	v5 =	vmin.f32 v53, v50;
	v63 =	vmax.f32 v21, v59;
	(xrf1) =	vsort.ascd.msk.f32 $0xffff, v55, v55;
	v60, _, _ =	vpop (xrf1)  }
0x9d: {  	v61 =	vmin.f32 v54, v10;
	v23 =	vmin.f32 v25, v57;
	v14 =	vperm.xlane v60, v1  }
0x9e: {  	v6 =	vmax.f32 v54, v10;
	(xrf1) =	vsort.ascd.msk.f32 $0xffff, v5, v5;
	v62 =	vmin.f32 v61, v23  }
0x9f: {  	v18 =	vmax.f32 v61, v23;
	(xrf1) =	vsort.ascd.msk.f32 $0xffff, v62, v62;
	v27 =	vmax.f32 v22, v14  }
0xa0: {  	v11 =	vmax.f32 v25, v57;
	(xrf1) =	vsort.ascd.msk.f32 $0xffff, v18, v18;
	v28 =	vmin.f32 v63, v27  }
0xa1: {  	v29 =	vmin.f32 v6, v11;
	(xrf1) =	vsort.ascd.msk.f32 $0xffff, v28, v28  }
0xa2: {  	v5 =	vmin.f32 v21, v59;
	v31 =	vmax.f32 v63, v27;
	(xrf1) =	vsort.ascd.msk.f32 $0xffff, v29, v29  }
0xa3: {  	v6 =	vmax.f32 v6, v11;
	v30 =	vmin.f32 v22, v14;
	(xrf1) =	vsort.ascd.msk.f32 $0xffff, v31, v31  }
0xa4: {  	v32 =	vmax.f32 v5, v30;
	(xrf1) =	vsort.ascd.msk.f32 $0xffff, v6, v6  }
0xa5: {  	v5 =	vmin.f32 v5, v30;
	(xrf1) =	vsort.ascd.msk.f32 $0xffff, v32, v32  }
0xa6: {  	(xrf1) =	vsort.ascd.msk.f32 $0xffff, v5, v5  }
0xa7: {  	v33, _, _ =	vpop (xrf1)  }
0xa8: {  	v34, _, _ =	vpop (xrf1)  }
0xa9: {  	v35, _, _ =	vpop (xrf1)  }
0xaa: {  	v36, _, _ =	vpop (xrf1)  }
0xab: {  	v37 =	vperm.xlane v38, v1;
	v13 =	vperm.xlane v41, v1;
	v38, _, _ =	vpop (xrf1)  }
0xac: {  	v4 =	vperm.xlane v44, v1;
	v16 =	vperm.xlane v45, v1;
	v39, _, _ =	vpop (xrf1)  }
0xad: {  	v13 =	vmax.f32 v43, v13;
	v3 =	vmax.f32 v3, v37;
	v40, _, _ =	vpop (xrf1)  }
0xae: {  	v3 =	vmin.f32 v13, v3;
	v4 =	vmax.f32 v46, v4;
	v16 =	vmax.f32 v20, v16;
	v41, _, _ =	vpop (xrf1)  }
0xaf: {  	v4 =	vmin.f32 v16, v4;
	v43 =	vperm.xlane v56, v1;
	v12 =	vperm.xlane v58, v1;
	v42, _, _ =	vpop (xrf1)  }
0xb0: {  	v7 =	vmin.f32 v8, v7;
	v3 =	vmin.f32 v4, v3;
	v6 =	vperm.xlane v34, v1;
	v44, _, _ =	vpop (xrf1)  }
0xb1: {  	v5 =	vmax.f32 v33, v12;
	v4 =	vmax.f32 v35, v43;
	v45 =	vperm.xlane v36, v1;
	v46, _, _ =	vpop (xrf1)  }
0xb2: {  	v6 =	vmax.f32 v38, v6;
	v49 =	vperm.xlane v40, v1;
	v47 =	vperm.xlane v41, v1;
	v48, _, _ =	vpop (xrf1)  }
0xb3: {  	(xrf0) =	vmin.scan.msk.f32 $0xffff, v7;
	v9 =	vmax.f32 v39, v45;
	v8 =	vperm.xlane v44, v1;
	v50, _, _ =	vpop (xrf1);
	v12 =	vperm.xlane v48, v1  }
0xb4: {  	(xrf0) =	vmin.scan.msk.f32 $0xffff, v3;
	v4 =	vmin.f32 v5, v4;
	v51 =	vmin.f32 v9, v6;
	v3 =	vmax.f32 v42, v47;
	v52, _, _ =	vpop (xrf1)  }
0xb5: {  	v54 =	vmax.f32 v46, v49;
	v53 =	vmax.f32 v50, v8;
	v6 =	vmax.f32 v52, v12  }
0xb6: {  	v4 =	vmin.f32 v51, v4;
	v3 =	vmin.f32 v3, v54;
	v55 =	vmin.f32 v6, v53  }
0xb7: {  	(xrf0) =	vmin.scan.msk.f32 $0xffff, v4;
	v3 =	vmin.f32 v55, v3  }
0xb8: {  	(xrf0) =	vmin.scan.msk.f32 $0xffff, v3;
	_ =	sdelay $0x2  }
0xb9: {  	v57 =	vmov s13;
	v3, _, _ =	vpop (xrf0)  }
0xba: {  	s31 =	sshll.u32 s10, $0x4;
	s10 =	sadd.s32 $0x1, s10;
	vm0 =	veq.s32 v57, v0;
	v58 =	vmov s12;
	v56, _, _ =	vpop (xrf0);
	v3 =	vbroadcast v3, $0xF  }
0xbb: {  	p0 =	sne.s32 s10, $0x20;
	vm13 =	veq.s32 v58, v0;
	v60 =	vmov s11;
	v4 =	vbroadcast v56, $0xF;
	v59, _, _ =	vpop (xrf0)  }
.Ltmp1:
0xbc: {  	vm14 =	veq.s32 v60, v0;
	v2 =	vsel vm0, v3, v2;
	v3 =	vbroadcast v59, $0xF;
	v61, _, _ =	vpop (xrf0);
	(pc) =	sbr.rel @p0 .LBB2_2-.Ltmp1, $4  }
0xbd: {  	v63 =	vmov s14;
	v2 =	vsel vm13, v4, v2;
	v62 =	vbroadcast v61, $0xF  }
0xbe: {  	vm15 =	veq.s32 v63, v0;
	v2 =	vsel vm14, v3, v2  }
0xbf: {  	s11 =	sand.u32 $0x3FFFFFF0, s31;
	v2 =	vsel vm15, v62, v2  }
0xc0: {  	s9 =	sadd.s32 $0x800, s9;
	[tilespmem:s11+$0x10000] =	vst v2  }
0xc1: {  	s8 =	sadd.s32 $0x1, s8  }
0xc2: {  	p0 =	sne.s32 s8, s5  }
.Ltmp2:
0xc3: {  	_ = 	snop;
	(pc) =	sbr.rel @p0 .LBB2_1-.Ltmp2, $4  }
0xc4: {  	[hbm4b:s4+s2] =	stream.linear.scatter [tilespmem:s7], [sflag:$0x1], $0x200, $0x38;
	[tilespmem:$0x10200] =	vst v63  }
0xc5: {  	_ =	swait.ge [sflag:s6], $0x200  }
0xc6: {  	[sflag:s6] =	ssyncset.done $0x0  }
0xc7: {  	[sflag:s6] =	ssyncadd.s32 $0xFFFFFE00  }
0xc8: {  	_ =	sfence.sel $0x180000  }
0xc9: {  	[bflag:$0x0] =	sbarrier.arrive $0xFFFF  }
0xca: {  	p0 =	sne.s32 s1, $0x0;
	_ =	strace $0x9000004D  }
0xcb: {  	s0 =	sadd.s32 @!p0 $0x100000, s0;
	[bflag:$0x2] =	sbarrier.arrive $0xFFFF  }
0xcc: {  	[sflag:s0] =	ssyncadd.tile.s32 @!p0 $0x1;
	_ =	shalt  }
.Lfunc_end2:
_tile_overlayer_lowered:
.L_overlay_start_2:
0xcd: {  	(tag) =	ssettag $0x2  }
0xce: {  	s0 =	rddreg [dreg:$0x0];
	s2 =	stileid.u32  }
0xcf: {  	s1 =	rddreg [dreg:$0x1];
	p0 =	sne.s32 s2, $0x0  }
0xd0: {  	s3 =	rddreg [dreg:$0x2];
	[bflag:$0x3] =	sbarrier.arrive $0xFFFF;
	s2 =	simm.s32 @!p0 $0x1C01  }
0xd1: {  	[timem:s3], [sflag:s2] =	dma.local @!p0 [hbm:s0], s1  }
0xd2: {  	s0 =	simm.s32 @!p0 $0x1  }
0xd3: {  	_ =	swait.ge @!p0 [sflag:s0], s1  }
0xd4: {  	s1 =	ssub.s32 @!p0 $0x0, s1;
	[sflag:s0] =	ssyncset.done @!p0 $0x0  }
0xd5: {  	[sflag:s0] =	ssyncadd.s32 @!p0 s1  }
0xd6: {  	[bflag:$0x3] =	sbarrier.arrive $0xFFFF  }
0xd7: {  	_ =	shalt  }

// kernel: kernel.24.cloned.1.call-start
scs
__scs_entry_jumppad:
0x0: {  	(pc) =	sbr.rel $0x88, $3  }
0x1: {  	(tag) =	ssettag $0x0;
	lr =	simm.s32 $0x1  }
0x2: {  	[smem:$0x3FA0] =	sst lr;
	_ =	strace $0xD0000000  }
0x3: {  	_ = 	snop  }
0x4: {  	_ = 	snop  }
0x5: {  	_ = 	snop  }
0x6: {  	_ = 	snop  }
0x7: {  	_ = 	snop  }
__scs_overlays_trampoline_lowered:
0x8: {  	[smem:$0x3FAF] =	sst s0  }
0x9: {  	[smem:$0x3FB0] =	sst s1  }
0xa: {  	[smem:$0x3FB1] =	sst s2  }
0xb: {  	[smem:$0x3FB2] =	sst s3  }
0xc: {  	[smem:$0x3FB3] =	sst s4  }
0xd: {  	[smem:$0x3FB4] =	sst s5  }
0xe: {  	[smem:$0x3FB5] =	sst s6  }
0xf: {  	[smem:$0x3FB6] =	sst s7  }
0x10: {  	[smem:$0x3FB7] =	sst s8  }
0x11: {  	[smem:$0x3FB8] =	sst s9;
	s0 =	simm.s32 @!p0 $0x0  }
0x12: {  	s1 =	sld [smem:$0x3F9E];
	s0 =	simm.s32 @p0 $0x1  }
0x13: {  	[smem:$0x3FB9] =	sst s0;
	s0 =	simm.s32 @!p1 $0x0  }
0x14: {  	s2 =	sld [smem:$0x3F9D];
	s0 =	simm.s32 @p1 $0x1  }
0x15: {  	[smem:$0x3FBA] =	sst s0;
	s0 =	simm.s32 @!p2 $0x0  }
0x16: {  	s3 =	sld [smem:$0x3FDB];
	s0 =	simm.s32 @p2 $0x1  }
0x17: {  	s4 =	simm.s32 $0x1BF5;
	[smem:$0x3FBC] =	sst s0  }
0x18: {  	s0 =	sld [smem:$0x3F9F];
	_ =	swait.ge [sflag:s4], $0x0  }
0x19: {  	s7 =	sld [smem:$0x3FA0]  }
0x1a: {  	s8 =	sadd.s32 $0xFFFFE003, lr  }
0x1b: {  	s9 =	sadd.s32 $0xFFFFFEF7, lr;
	s5 =	simm.s32 $0xFFFFFFFF;
	p2 =	slt.u32 s8, $0xFFFFF086  }
0x1c: {  	p1 =	slt.u32 s9, $0xF7A;
	s5 =	simm.s32 @!p2 $0x0  }
0x1d: {  	s5 =	simm.s32 @p1 $0x1;
	p0 =	seq.s32 s7, s2  }
0x1e: {  	s7 =	smul.u32 @!p0 $0xF7A, s2;
	p2 =	seq.s32 @!p0 s5, $0x0  }
0x1f: {  	s9 =	smul.u32 $0xF7A, s1;
	s8 =	simm.s32 @!p0 $0x1BF5;
	p2 =	por !p2, p0  }
0x20: {  	[sflag:s8] =	ssyncset.s32 @!p0 $0xFFFFF086;
	s6 =	sadd.s32 @!p0 s3, s7;
	s7 =	simm.s32 @!p0 $0x108  }
0x21: {  	s3 =	sadd.s32 s3, s9;
	s6 =	sadd.s32 @!p0 $0x88, s6;
	s7 =	simm.s32 @p2 $0x1082  }
0x22: {  	[simem:s7], [sflag:s8] =	dma.local @!p0 [hbm:s6], $0xF7A  }
0x23: {  	s9 =	sor.u32 $0xD0000000, s2;
	s6 =	simm.s32 $0x108;
	_ =	swait.ge @!p0 [sflag:s8], $0x0  }
0x24: {  	s3 =	sadd.s32 $0x88, s3;
	s6 =	simm.s32 @!p1 $0x1082;
	[sflag:s4] =	ssyncset.s32 $0xFFFFF086  }
0x25: {  	[simem:s6], [sflag:s4] =	dma.local [hbm:s3], $0xF7A  }
0x26: {  	[smem:$0x3FA0] =	sst s1;
	(tag) =	ssettag s2;
	_ =	strace s9  }
0x27: {  	s1 =	sld [smem:$0x3FB0]  }
0x28: {  	s2 =	sld [smem:$0x3FB1]  }
0x29: {  	s4 =	sld [smem:$0x3FB3]  }
0x2a: {  	p0 =	seq.s32 s5, $0x0;
	s5 =	sld [smem:$0x3FB4]  }
0x2b: {  	s6 =	sld [smem:$0x3FB5]  }
0x2c: {  	s7 =	sld [smem:$0x3FB6]  }
0x2d: {  	s3 =	simm.s32 $0x108;
	s8 =	sld [smem:$0x3FB7]  }
0x2e: {  	s3 =	simm.s32 @!p0 $0x1082;
	s9 =	sld [smem:$0x3FB8]  }
0x2f: {  	lr =	sadd.s32 s0, s3;
	s0 =	sld [smem:$0x3FAF]  }
0x30: {  	s3 =	sld [smem:$0x3FB2]  }
0x31: {  	[smem:$0x3FBB] =	sst s10  }
0x32: {  	s10 =	sld [smem:$0x3FB9];
	_ =	sdelay $0x3  }
0x33: {  	p0 =	seq.s32 s10, $0x1;
	s10 =	sld [smem:$0x3FBB];
	_ =	sdelay $0x3  }
0x34: {  	[smem:$0x3FBB] =	sst s10  }
0x35: {  	s10 =	sld [smem:$0x3FBA];
	_ =	sdelay $0x3  }
0x36: {  	p1 =	seq.s32 s10, $0x1;
	s10 =	sld [smem:$0x3FBB];
	_ =	sdelay $0x3  }
0x37: {  	[smem:$0x3FBB] =	sst s10  }
0x38: {  	s10 =	sld [smem:$0x3FBC]  }
0x39: {  	_ = 	snop;
	(pc) =	sbr.ind lr, $3  }
0x3a: {  	_ = 	snop  }
0x3b: {  	_ = 	snop  }
0x3c: {  	p2 =	seq.s32 s10, $0x1;
	s10 =	sld [smem:$0x3FBB]  }
0x3d: {  	_ =	shalt  }
0x3e: {  	_ =	shalt  }
0x3f: {  	_ =	shalt  }
0x40: {  	_ =	shalt  }
0x41: {  	_ =	shalt  }
0x42: {  	_ =	shalt  }
0x43: {  	_ =	shalt  }
0x44: {  	_ =	shalt  }
0x45: {  	_ =	shalt  }
0x46: {  	_ =	shalt  }
0x47: {  	_ =	shalt  }
0x48: {  	_ =	shalt  }
0x49: {  	_ =	shalt  }
0x4a: {  	_ =	shalt  }
0x4b: {  	_ =	shalt  }
0x4c: {  	_ =	shalt  }
0x4d: {  	_ =	shalt  }
0x4e: {  	_ =	shalt  }
0x4f: {  	_ =	shalt  }
0x50: {  	_ =	shalt  }
0x51: {  	_ =	shalt  }
0x52: {  	_ =	shalt  }
0x53: {  	_ =	shalt  }
0x54: {  	_ =	shalt  }
0x55: {  	_ =	shalt  }
0x56: {  	_ =	shalt  }
0x57: {  	_ =	shalt  }
0x58: {  	_ =	shalt  }
0x59: {  	_ =	shalt  }
0x5a: {  	_ =	shalt  }
0x5b: {  	_ =	shalt  }
0x5c: {  	_ =	shalt  }
0x5d: {  	_ =	shalt  }
0x5e: {  	_ =	shalt  }
0x5f: {  	_ =	shalt  }
0x60: {  	_ =	shalt  }
0x61: {  	_ =	shalt  }
0x62: {  	_ =	shalt  }
0x63: {  	_ =	shalt  }
0x64: {  	_ =	shalt  }
0x65: {  	_ =	shalt  }
0x66: {  	_ =	shalt  }
0x67: {  	_ =	shalt  }
0x68: {  	_ =	shalt  }
0x69: {  	_ =	shalt  }
0x6a: {  	_ =	shalt  }
0x6b: {  	_ =	shalt  }
0x6c: {  	_ =	shalt  }
0x6d: {  	_ =	shalt  }
0x6e: {  	_ =	shalt  }
0x6f: {  	_ =	shalt  }
0x70: {  	_ =	shalt  }
0x71: {  	_ =	shalt  }
0x72: {  	_ =	shalt  }
0x73: {  	_ =	shalt  }
0x74: {  	_ =	shalt  }
0x75: {  	_ =	shalt  }
0x76: {  	_ =	shalt  }
0x77: {  	_ =	shalt  }
0x78: {  	_ =	shalt  }
0x79: {  	_ =	shalt  }
0x7a: {  	_ =	shalt  }
0x7b: {  	_ =	shalt  }
0x7c: {  	_ =	shalt  }
0x7d: {  	_ =	shalt  }
0x7e: {  	_ =	shalt  }
0x7f: {  	_ =	shalt  }
0x80: {  	_ =	shalt  }
0x81: {  	_ =	shalt  }
0x82: {  	_ =	shalt  }
0x83: {  	_ =	shalt  }
0x84: {  	_ =	shalt  }
0x85: {  	_ =	shalt  }
0x86: {  	_ =	shalt  }
0x87: {  	_ =	shalt  }
.Lfunc_end0:
.L_simem_size_0:
called_computation.3_lowered:
.L_overlay_start_0:
0x88: {  	s2 =	sld [smem:$0x3FD9]  }
0x89: {  	s3 =	sld [smem:$0x3FFE];
	_ =	sdelay $0x1  }
0x8a: {  	s1 =	srdreg.scid  }
0x8b: {  	s0 =	sand.u32 $0x1, s1  }
0x8c: {  	s15 =	sshll.u32 s0, $0xA;
	s2 =	sadd.s32 s3, s2  }
0x8d: {  	s2 =	sadd.s32 s2, s15  }
0x8e: {  	[smem:$0x3FC7] =	sst s2  }
0x8f: {  	_ = 	snop  }
0x90: {  	s2 =	sld [smem:$0x3FD0];
	_ =	sdelay $0x2  }
0x91: {  	s16 =	simm.s32 $0xD;
	s4 =	simm.s32 $0x10  }
0x92: {  	[smem:s4], [sflag:s16] =	dma.local [hbm:s2], $0x1  }
0x93: {  	_ =	swait.eq [sflag:s16], $0x1  }
0x94: {  	[sflag:s16] =	ssyncset.done $0x0  }
0x95: {  	[sflag:s16] =	ssyncadd.s32 $0xFFFFFFFF  }
0x96: {  	s17 =	sld [smem:$0x11];
	(tm) =	ssettm $0x1  }
0x97: {  	s18 =	sld [smem:$0x3FFB];
	_ =	sdelay $0x3  }
0x98: {  	_ =	strace s18  }
0x99: {  	s2 =	sld [smem:$0x3FFC];
	_ =	sdelay $0x3  }
0x9a: {  	_ =	strace s2  }
0x9b: {  	s2 =	sld [smem:$0x3FFD];
	_ =	sdelay $0x3  }
0x9c: {  	_ =	strace s2  }
0x9d: {  	_ =	strace $0x8FFFFFFF  }
0x9e: {  	s19 =	sld [smem:$0x3FDB];
	_ =	sdelay $0x1  }
0x9f: {  	s20 =	simm.s32 $_scs_section_size  }
0xa0: {  	s5 =	simm.s32 $_size__tile_overlayer_lowered;
	s6 =	simm.s32 $_tile_overlayer_lowered  }
0xa1: {  	s7 =	simm.s32 $0x1BFF;
	s21 =	sshll.u32 s6, $0x1;
	s4 =	sadd.s32 s20, s19  }
0xa2: {  	s22 =	simm.s32 $0x0;
	s5 =	sshll.u32 s5, $0x1;
	s6 =	sadd.s32 s21, s4  }
0xa3: {  	[timem:s22], [sflag:s7] =	dma.local [hbm:s6], s5  }
0xa4: {  	_ =	swait.ge [sflag:s7], s5  }
0xa5: {  	s5 =	ssub.s32 $0x0, s5;
	[sflag:s7] =	ssyncset.done $0x0  }
0xa6: {  	[sflag:s7] =	ssyncadd.s32 s5;
	_ =	sdelay $0x1  }
0xa7: {  	s23 =	simm.s32 $0x1B8B  }
0xa8: {  	_ =	swait.ge [sflag:s23], $0x1  }
0xa9: {  	[sflag:s23] =	ssyncset.done $0x0  }
0xaa: {  	[sflag:s23] =	ssyncadd.s32 $0xFFFFFFFF  }
0xab: {  	s5 =	sld [smem:$0x0]  }
0xac: {  	s6 =	sand.u32 $0xFFFFFFFE, s1  }
0xad: {  	p0 =	sne.s32 s1, s6  }
0xae: {  	s6 =	sshll.u32 @p0 s6, $0xE  }
0xaf: {  	s6 =	sadd.s32 @p0 $0x11B8D, s6;
	s7 =	sshll.u32 @p0 s5, $0x11  }
0xb0: {  	s6 =	sor.u32 @p0 s7, s6  }
0xb1: {  	[sflag:s6] =	ssyncadd.remote.s32 @p0 $0x1;
	_ =	sdelay $0x1  }
0xb2: {  	s6 =	simm.s32 @p0 $0x1B8D  }
0xb3: {  	_ =	swait.eq @p0 [sflag:s6], $0x1  }
0xb4: {  	[sflag:s6] =	ssyncadd.s32 @p0 $0xFFFFFFFF  }
0xb5: {  	s7 =	sshll.u32 @!p0 s1, $0xE  }
0xb6: {  	s7 =	sor.u32 @!p0 $0x4000, s7;
	s6 =	simm.s32 @!p0 $0x1B8D  }
0xb7: {  	s5 =	sshll.u32 @!p0 s5, $0x11;
	s7 =	sadd.s32 @!p0 $0x11B8D, s7;
	_ =	swait.eq @!p0 [sflag:s6], $0x1  }
0xb8: {  	s5 =	sor.u32 @!p0 s5, s7;
	[sflag:s6] =	ssyncadd.s32 @!p0 $0xFFFFFFFF  }
0xb9: {  	s25 =	simm.s32 $0x1B8E;
	s24 =	sld [smem:$0x3FFE];
	[sflag:s5] =	ssyncadd.remote.s32 @!p0 $0x1  }
0xba: {  	s26 =	simm.s32 $execute0_lowered;
	[smem:$0x3FD2] =	sst s25  }
0xbb: {  	s6 =	sshll.u32 s26, $0x1;
	_ =	strace $0x8000004F;
	[dreg:$0x1] =	wrdreg $0xFFFFFFFF  }
0xbc: {  	s28 =	simm.s32 $_size_execute0_lowered;
	s4 =	sadd.s32 s4, s6;
	[dreg:$0x0] =	wrdreg $0x0  }
0xbd: {  	s6 =	sshll.u32 s28, $0x1;
	[dreg:$0x2] =	wrdreg s4  }
0xbe: {  	[dreg:$0x3] =	wrdreg s6  }
0xbf: {  	[dreg:$0x4] =	wrdreg $0xC0  }
0xc0: {  	_ =	task [dreg:s22], $0x5FFFF  }
0xc1: {  	[dreg:$0x1] =	wrdreg $0xFFFFFFFF  }
0xc2: {  	[dreg:$0x0] =	wrdreg $0x60  }
0xc3: {  	[dreg:$0x2] =	wrdreg s17  }
0xc4: {  	[dreg:$0x3] =	wrdreg s24  }
0xc5: {  	[dreg:$0x4] =	wrdreg $0xC  }
0xc6: {  	_ =	task.clear_ibuf [dreg:s22], $0x5FFFF;
	_ =	strace $0x9000004F  }
0xc7: {  	s29 =	simm.s32 $0xC;
	_ =	strace $0x80000051  }
0xc8: {  	_ =	swait.ge [sflag:s29], $0x1  }
0xc9: {  	[sflag:s29] =	ssyncadd.s32 $0xFFFFFFFF  }
0xca: {  	_ =	strace $0x90000051  }
0xcb: {  	_ =	sfence  }
0xcc: {  	s30 =	sld [smem:$0x0];
	_ =	sdelay $0x2  }
0xcd: {  	s31 =	sshll.u32 s1, $0xD;
	s1 =	sshrl.u32 s1, $0x2  }
0xce: {  	s4 =	sand.u32 $0x4000, s31;
	s1 =	sadd.s32 s1, s30  }
0xcf: {  	s0 =	sor.u32 s4, s0;
	s1 =	sshll.u32 s1, $0x11  }
0xd0: {  	s0 =	sor.u32 s1, s0  }
0xd1: {  	s0 =	sadd.s32 $0x8F2B, s0  }
0xd2: {  	[sflag:s0] =	ssyncadd.remote.s32 $0x1  }
0xd3: {  	_ =	sfence.sel $0xFFFF  }
0xd4: {  	[dreg:$0x0] =	wrdreg $0xFFFFFFFF;
	(pc) =	sbr.abs _section_cstart, $3  }
0xd5: {  	[dreg:$0x1] =	wrdreg $0xFFFFFFFF  }
0xd6: {  	_ =	task.clear_ibuf [dreg:s22], $0x2FFFF;
	_ =	strace $0x9FFFFFFF  }
0xd7: {  	(tm) =	ssettm $0x7FFFFFFF  }
tec
execute0_lowered:
.L_overlay_start_1:
0x0: {  	(tag) =	ssettag $0x1  }
0x1: {  	s3 =	rddreg [dreg:$0x0]  }
0x2: {  	s4 =	rddreg [dreg:$0x1];
	s2 =	srdreg.scid  }
0x3: {  	s0 =	rddreg [dreg:$0x2];
	s1 =	stileid.u32;
	s5 =	sand.u32 $0x1, s2  }
0x4: {  	s2 =	simm.s32 $0x0;
	s6 =	sshll.u32 s1, $0xA;
	s7 =	sshll.u32 s5, $0x9  }
0x5: {  	[smem:$0x7FF] =	sst s2;
	s5 =	ssub.s32 $0x2, s5;
	s6 =	sor.u32 s7, s6  }
0x6: {  	v0 =	vlaneseq.u32;
	_ =	strace $0x80000050;
	s8 =	sshrl.u32 s5, $0x1;
	s7 =	sshrl.u32 s6, $0x3  }
0x7: {  	v1 =	vmul.u32 $0xFFFFFFFF, v0;
	s5 =	ssub.s32 s5, s8;
	s6 =	sshll.u32 s6, $0x4;
	s8 =	simm.s32 $0x0  }
0x8: {  	s4 =	sadd.s32 s7, s4;
	s3 =	sadd.s32 s3, s6;
	s5 =	smax.u32 s5, $0x1  }
0x9: {  	v1 =	vadd.s32 $0xF, v1;
	s6 =	simm.s32 $0x1;
	s7 =	simm.s32 $0x10000;
	s4 =	sadd.s32 $0x84800, s4  }
.LBB2_1:
0xa: {  	[tilespmem:s2], [sflag:$0x1] =	stream.linear.gather [hbm4b:s3+s2], $0x10000, $0x38;
	[tilespmem:$0x10200] =	vst v63  }
0xb: {  	_ =	swait.ge [sflag:s6], $0x10000  }
0xc: {  	[sflag:s6] =	ssyncset.done $0x0  }
0xd: {  	s9 =	simm.s32 $0x40;
	s10 =	simm.s32 $0x0;
	[sflag:s6] =	ssyncadd.s32 $0xFFFF0000  }
.LBB2_2:
0xe: {  	v2 =	vld [tilespmem:s9+$0xFFFFFFC0]  }
0xf: {  	v3 =	vld [tilespmem:s9+$0xFFFFFFE0]  }
0x10: {  	v4 =	vld [tilespmem:s9+$0x0]  }
0x11: {  	v5 =	vld [tilespmem:s9+$0xFFFFFFD0]  }
0x12: {  	v6 =	vld [tilespmem:s9+$0x30]  }
0x13: {  	v7 =	vld [tilespmem:s9+$0x20];
	(xrf1) =	vsort.ascd.msk.f32 $0xffff, v2, v2  }
0x14: {  	v2 =	vld [tilespmem:s9+$0x10];
	(xrf1) =	vsort.ascd.msk.f32 $0xffff, v3, v3  }
0x15: {  	(xrf1) =	vsort.ascd.msk.f32 $0xffff, v4, v4  }
0x16: {  	(xrf1) =	vsort.ascd.msk.f32 $0xffff, v5, v5  }
0x17: {  	(xrf1) =	vsort.ascd.msk.f32 $0xffff, v6, v6  }
0x18: {  	(xrf1) =	vsort.ascd.msk.f32 $0xffff, v7, v7  }
0x19: {  	(xrf1) =	vsort.ascd.msk.f32 $0xffff, v2, v2  }
0x1a: {  	v3 =	vld [tilespmem:s9+$0xFFFFFFF0];
	_ =	sdelay $0x4  }
0x1b: {  	(xrf1) =	vsort.ascd.msk.f32 $0xffff, v3, v3  }
0x1c: {  	s11 =	sadd.s32 $0x80, s9  }
0x1d: {  	v2 =	vld [tilespmem:s11+$0xFFFFFFC0];
	v3, _, _ =	vpop (xrf1)  }
0x1e: {  	v4 =	vld [tilespmem:s11+$0xFFFFFFE0];
	v5, _, _ =	vpop (xrf1)  }
0x1f: {  	v6 =	vld [tilespmem:s11+$0x0];
	v7, _, _ =	vpop (xrf1)  }
0x20: {  	v8, _, _ =	vpop (xrf1)  }
0x21: {  	v9, _, _ =	vpop (xrf1)  }
0x22: {  	v10 =	vld [tilespmem:s11+$0xFFFFFFD0];
	v8 =	vperm.xlane v8, v1;
	(xrf1) =	vsort.ascd.msk.f32 $0xffff, v2, v2;
	v2, _, _ =	vpop (xrf1)  }
0x23: {  	(xrf1) =	vsort.ascd.msk.f32 $0xffff, v4, v4;
	v4, _, _ =	vpop (xrf1)  }
0x24: {  	v12 =	vld [tilespmem:s11+$0x30];
	v11 =	vmin.f32 v3, v8;
	(xrf1) =	vsort.ascd.msk.f32 $0xffff, v6, v6;
	v4 =	vperm.xlane v4, v1  }
0x25: {  	v6 =	vld [tilespmem:s11+$0x20];
	v3 =	vmax.f32 v3, v8;
	(xrf1) =	vsort.ascd.msk.f32 $0xffff, v11, v11  }
0x26: {  	v8 =	vld [tilespmem:s11+$0x10];
	(xrf1) =	vsort.ascd.msk.f32 $0xffff, v3, v3;
	v3 =	vmax.f32 v7, v4  }
0x27: {  	(xrf1) =	vsort.ascd.msk.f32 $0xffff, v10, v10  }
0x28: {  	(xrf1) =	vsort.ascd.msk.f32 $0xffff, v3, v3  }
0x29: {  	(xrf1) =	vsort.ascd.msk.f32 $0xffff, v12, v12;
	v3, _, _ =	vpop (xrf1)  }
0x2a: {  	v10 =	vld [tilespmem:s11+$0xFFFFFFF0];
	(xrf1) =	vsort.ascd.msk.f32 $0xffff, v6, v6;
	v3 =	vperm.xlane v3, v1  }
0x2b: {  	v6 =	vperm.xlane v9, v1;
	(xrf1) =	vsort.ascd.msk.f32 $0xffff, v8, v8  }
0x2c: {  	v8 =	vmax.f32 v5, v3  }
0x2d: {  	v9 =	vmax.f32 v2, v6;
	(xrf1) =	vsort.ascd.msk.f32 $0xffff, v8, v8  }
0x2e: {  	(xrf1) =	vsort.ascd.msk.f32 $0xffff, v9, v9  }
0x2f: {  	(xrf1) =	vsort.ascd.msk.f32 $0xffff, v10, v10  }
0x30: {  	v2 =	vmin.f32 v2, v6;
	v8, _, _ =	vpop (xrf1)  }
0x31: {  	s11 =	sadd.s32 $0x80, s11;
	v4 =	vmin.f32 v7, v4;
	v9, _, _ =	vpop (xrf1)  }
0x32: {  	v10 =	vld [tilespmem:s11+$0xFFFFFFC0];
	(xrf1) =	vsort.ascd.msk.f32 $0xffff, v2, v2;
	v6, _, _ =	vpop (xrf1)  }
0x33: {  	v7 =	vld [tilespmem:s11+$0xFFFFFFE0];
	v3 =	vmin.f32 v5, v3;
	(xrf1) =	vsort.ascd.msk.f32 $0xffff, v4, v4;
	v2, _, _ =	vpop (xrf1)  }
0x34: {  	v11 =	vld [tilespmem:s11+$0x0];
	v4, _, _ =	vpop (xrf1)  }
0x35: {  	(xrf1) =	vsort.ascd.msk.f32 $0xffff, v3, v3;
	v5, _, _ =	vpop (xrf1)  }
0x36: {  	v3, _, _ =	vpop (xrf1)  }
0x37: {  	v13 =	vld [tilespmem:s11+$0xFFFFFFD0];
	(xrf1) =	vsort.ascd.msk.f32 $0xffff, v10, v10;
	v5 =	vperm.xlane v5, v1;
	v12, _, _ =	vpop (xrf1)  }
0x38: {  	(xrf1) =	vsort.ascd.msk.f32 $0xffff, v7, v7;
	v10, _, _ =	vpop (xrf1)  }
0x39: {  	v15 =	vld [tilespmem:s11+$0x30];
	(xrf1) =	vsort.ascd.msk.f32 $0xffff, v11, v11;
	v14 =	vmin.f32 v8, v5;
	v5 =	vmax.f32 v8, v5;
	v7, _, _ =	vpop (xrf1)  }
0x3a: {  	v11 =	vld [tilespmem:s11+$0x20];
	(xrf1) =	vsort.ascd.msk.f32 $0xffff, v14, v14;
	v7 =	vperm.xlane v7, v1  }
0x3b: {  	v14 =	vld [tilespmem:s11+$0x10];
	(xrf1) =	vsort.ascd.msk.f32 $0xffff, v5, v5;
	v8, _, _ =	vpop (xrf1)  }
0x3c: {  	(xrf1) =	vsort.ascd.msk.f32 $0xffff, v13, v13;
	v16 =	vmax.f32 v6, v7;
	v5, _, _ =	vpop (xrf1)  }
0x3d: {  	(xrf1) =	vsort.ascd.msk.f32 $0xffff, v16, v16;
	v13, _, _ =	vpop (xrf1)  }
0x3e: {  	v12 =	vperm.xlane v12, v1;
	v16 =	vld [tilespmem:s11+$0xFFFFFFF0];
	(xrf1) =	vsort.ascd.msk.f32 $0xffff, v15, v15;
	v13 =	vperm.xlane v13, v1  }
0x3f: {  	v6 =	vmin.f32 v6, v7;
	v5 =	vperm.xlane v5, v1;
	(xrf1) =	vsort.ascd.msk.f32 $0xffff, v11, v11  }
0x40: {  	v11, _, _ =	vpop (xrf1);
	(xrf1) =	vsort.ascd.msk.f32 $0xffff, v14, v14;
	v14 =	vmax.f32 v10, v12;
	v7 =	vmax.f32 v9, v13  }
0x41: {  	(xrf1) =	vsort.ascd.msk.f32 $0xffff, v7, v7;
	v7 =	vperm.xlane v8, v1;
	v8 =	vperm.xlane v11, v1;
	v11, _, _ =	vpop (xrf1)  }
0x42: {  	v10 =	vmin.f32 v10, v12;
	(xrf1) =	vsort.ascd.msk.f32 $0xffff, v14, v14;
	v14 =	vmax.f32 v11, v5  }
0x43: {  	v5 =	vmin.f32 v11, v5;
	v11, _, _ =	vpop (xrf1);
	(xrf1) =	vsort.ascd.msk.f32 $0xffff, v16, v16;
	v12 =	vmin.f32 v3, v8  }
0x44: {  	(xrf1) =	vsort.ascd.msk.f32 $0xffff, v10, v10;
	v10 =	vperm.xlane v11, v1  }
0x45: {  	v15, _, _ =	vpop (xrf1);
	v11 =	vmin.f32 v5, v12;
	v5 =	vmax.f32 v5, v12;
	(xrf1) =	vsort.ascd.msk.f32 $0xffff, v6, v6  }
0x46: {  	v6 =	vmax.f32 v2, v7;
	v12, _, _ =	vpop (xrf1);
	(xrf1) =	vsort.ascd.msk.f32 $0xffff, v11, v11;
	v11 =	vmax.f32 v4, v10  }
0x47: {  	v9 =	vmin.f32 v9, v13;
	v13, _, _ =	vpop (xrf1);
	(xrf1) =	vsort.ascd.msk.f32 $0xffff, v5, v5;
	v5 =	vmin.f32 v6, v11  }
0x48: {  	v8 =	vmax.f32 v3, v8;
	v3, _, _ =	vpop (xrf1)  }
0x49: {  	(xrf1) =	vsort.ascd.msk.f32 $0xffff, v9, v9;
	v16, _, _ =	vpop (xrf1)  }
0x4a: {  	s16 =	sadd.s32 $0x80, s11;
	v4 =	vmin.f32 v4, v10;
	v9 =	vmin.f32 v14, v8;
	(xrf1) =	vsort.ascd.msk.f32 $0xffff, v5, v5;
	v5, _, _ =	vpop (xrf1)  }
0x4b: {  	v6 =	vmax.f32 v6, v11;
	v8 =	vmax.f32 v14, v8;
	(xrf1) =	vsort.ascd.msk.f32 $0xffff, v9, v9;
	v9 =	vld [tilespmem:s16+$0xFFFFFFC0];
	v10, _, _ =	vpop (xrf1)  }
0x4c: {  	v2 =	vmin.f32 v2, v7;
	v14 =	vld [tilespmem:s16+$0xFFFFFFE0];
	(xrf1) =	vsort.ascd.msk.f32 $0xffff, v6, v6;
	v11, _, _ =	vpop (xrf1)  }
0x4d: {  	v17 =	vmax.f32 v2, v4;
	v6 =	vld [tilespmem:s16+$0x0];
	(xrf1) =	vsort.ascd.msk.f32 $0xffff, v8, v8;
	v7, _, _ =	vpop (xrf1)  }
0x4e: {  	v2 =	vmin.f32 v2, v4;
	v8, _, _ =	vpop (xrf1);
	(xrf1) =	vsort.ascd.msk.f32 $0xffff, v17, v17  }
0x4f: {  	v11 =	vperm.xlane v11, v1;
	v4 =	vperm.xlane v8, v1;
	v8, _, _ =	vpop (xrf1);
	(xrf1) =	vsort.ascd.msk.f32 $0xffff, v2, v2  }
0x50: {  	v5 =	vperm.xlane v5, v1;
	v2 =	vld [tilespmem:s16+$0xFFFFFFD0];
	v17, _, _ =	vpop (xrf1);
	(xrf1) =	vsort.ascd.msk.f32 $0xffff, v9, v9  }
0x51: {  	v22 =	vmin.f32 v7, v11;
	v18, _, _ =	vpop (xrf1);
	(xrf1) =	vsort.ascd.msk.f32 $0xffff, v14, v14  }
0x52: {  	v19 =	vld [tilespmem:s16+$0x30];
	v14 =	vmin.f32 v15, v5;
	v5 =	vmax.f32 v15, v5;
	(xrf1) =	vsort.ascd.msk.f32 $0xffff, v6, v6  }
0x53: {  	v21 =	vld [tilespmem:s16+$0x20];
	v9 =	vmin.f32 v13, v4;
	v17 =	vperm.xlane v17, v1;
	v20, _, _ =	vpop (xrf1);
	(xrf1) =	vsort.ascd.msk.f32 $0xffff, v14, v14  }
0x54: {  	v4 =	vmax.f32 v13, v4;
	v6 =	vperm.xlane v8, v1;
	v8, _, _ =	vpop (xrf1);
	v14 =	vld [tilespmem:s16+$0x10];
	(xrf1) =	vsort.ascd.msk.f32 $0xffff, v5, v5  }
0x55: {  	v7 =	vmax.f32 v7, v11;
	v18 =	vperm.xlane v18, v1;
	v5, _, _ =	vpop (xrf1);
	(xrf1) =	vsort.ascd.msk.f32 $0xffff, v2, v2  }
0x56: {  	v15 =	vperm.xlane v20, v1;
	v60 =	vmax.f32 v8, v17;
	v2, _, _ =	vpop (xrf1);
	(xrf1) =	vsort.ascd.msk.f32 $0xffff, v4, v4  }
0x57: {  	v11 =	vld [tilespmem:s16+$0xFFFFFFF0];
	v8 =	vmin.f32 v8, v17;
	v13 =	vmax.f32 v12, v18;
	v4, _, _ =	vpop (xrf1);
	(xrf1) =	vsort.ascd.msk.f32 $0xffff, v19, v19  }
0x58: {  	v62 =	vmax.f32 v3, v6;
	v18 =	vmin.f32 v12, v18;
	v17, _, _ =	vpop (xrf1);
	(xrf1) =	vsort.ascd.msk.f32 $0xffff, v21, v21  }
0x59: {  	v5 =	vperm.xlane v5, v1;
	v2 =	vperm.xlane v2, v1;
	v61, _, _ =	vpop (xrf1);
	(xrf1) =	vsort.ascd.msk.f32 $0xffff, v14, v14  }
0x5a: {  	v4 =	vperm.xlane v4, v1;
	v19 =	vmin.f32 v10, v15;
	v25, _, _ =	vpop (xrf1);
	(xrf1) =	vsort.ascd.msk.f32 $0xffff, v13, v13  }
0x5b: {  	v23 =	vmin.f32 v8, v19;
	v8 =	vmax.f32 v8, v19;
	(xrf1) =	vsort.ascd.msk.f32 $0xffff, v7, v7;
	v7, _, _ =	vpop (xrf1)  }
0x5c: {  	v2 =	vmax.f32 v17, v2;
	v14 =	vperm.xlane v61, v1;
	(xrf1) =	vsort.ascd.msk.f32 $0xffff, v11, v11;
	v11, _, _ =	vpop (xrf1)  }
0x5d: {  	v24 =	vmax.f32 v16, v4;
	v12 =	vmin.f32 v16, v4;
	v16 =	vmax.f32 v10, v15;
	v19, _, _ =	vpop (xrf1)  }
0x5e: {  	v13 =	vmin.f32 v62, v24;
	v15 =	vmin.f32 v60, v16;
	(xrf1) =	vsort.ascd.msk.f32 $0xffff, v22, v22;
	v10, _, _ =	vpop (xrf1)  }
0x5f: {  	v5 =	vmax.f32 v25, v5;
	v7 =	vperm.xlane v7, v1;
	(xrf1) =	vsort.ascd.msk.f32 $0xffff, v9, v9;
	v4, _, _ =	vpop (xrf1)  }
0x60: {  	v63 =	vmax.f32 v11, v14;
	v14 =	vmax.f32 v60, v16;
	(xrf1) =	vsort.ascd.msk.f32 $0xffff, v23, v23;
	v9, _, _ =	vpop (xrf1)  }
0x61: {  	s13 =	simm.s32 $0x0;
	s12 =	simm.s32 $0x1;
	s14 =	simm.s32 $0x3;
	v16 =	vmax.f32 v62, v24;
	(xrf1) =	vsort.ascd.msk.f32 $0xffff, v8, v8;
	v8 =	vmax.f32 v19, v7;
	v11, _, _ =	vpop (xrf1)  }
0x62: {  	s15 =	simm.s32 $0x4;
	s11 =	simm.s32 $0x2;
	s16 =	sadd.s32 $0x80, s16;
	v7 =	vmin.f32 v2, v5;
	v2 =	vimm.f32 $0.0e+00;
	(xrf1) =	vsort.ascd.msk.f32 $0xffff, v18, v18;
	v8 =	vmin.f32 v8, v63;
	v5, _, _ =	vpop (xrf1)  }
.LBB2_3:
0x63: {  	v17 =	vld [tilespmem:s16+$0x20];
	p0 =	sne.s32 s15, $0xF;
	v18, _, _ =	vpop (xrf1);
	(xrf1) =	vsort.ascd.msk.f32 $0xffff, v13, v13;
	s17 =	smov.u32 s15;
	s15 =	sadd.s32 $0x1, s15  }
0x64: {  	v7 =	vmin.f32 v8, v7;
	v13 =	vld [tilespmem:s16+$0xFFFFFFC0];
	v19, _, _ =	vpop (xrf1);
	(xrf1) =	vsort.ascd.msk.f32 $0xffff, v15, v15  }
0x65: {  	v8 =	vld [tilespmem:s16+$0x0];
	v15, _, _ =	vpop (xrf1);
	(xrf0) =	vmin.scan.msk.f32 $0xffff, v7  }
0x66: {  	v6 =	vmin.f32 v3, v6;
	v3 =	vmov v11;
	v7 =	vld [tilespmem:s16+$0xFFFFFFE0];
	v20, _, _ =	vpop (xrf1);
	(xrf1) =	vsort.ascd.msk.f32 $0xffff, v16, v16  }
0x67: {  	v21 =	vmax.f32 v6, v12;
	v11 =	vld [tilespmem:s16+$0xFFFFFFD0];
	v16, _, _ =	vpop (xrf1);
	(xrf1) =	vsort.ascd.msk.f32 $0xffff, v14, v14  }
0x68: {  	v6 =	vmin.f32 v6, v12;
	v14 =	vld [tilespmem:s16+$0xFFFFFFF0];
	v16 =	vperm.xlane v16, v1;
	v22, _, _ =	vpop (xrf1);
	(xrf1) =	vsort.ascd.msk.f32 $0xffff, v21, v21  }
0x69: {  	v12 =	vperm.xlane v18, v1;
	v18, _, _ =	vpop (xrf1);
	(xrf1) =	vsort.ascd.msk.f32 $0xffff, v6, v6  }
0x6a: {  	v21 =	vld [tilespmem:s16+$0x10];
	(xrf1) =	vsort.ascd.msk.f32 $0xffff, v13, v13;
	v23 =	vmin.f32 v9, v16;
	v13 =	vperm.xlane v15, v1;
	v15, _, _ =	vpop (xrf1)  }
0x6b: {  	v18 =	vperm.xlane v18, v1;
	(xrf1) =	vsort.ascd.msk.f32 $0xffff, v7, v7;
	v7 =	vmin.f32 v10, v12;
	v24, _, _ =	vpop (xrf0)  }
0x6c: {  	v6 =	vperm.xlane v22, v1;
	v25 =	vld [tilespmem:s16+$0x30];
	(xrf1) =	vsort.ascd.msk.f32 $0xffff, v8, v8;
	v8 =	vmax.f32 v10, v12;
	v10, _, _ =	vpop (xrf1);
	v12 =	vbroadcast v24, $0xF  }
0x6d: {  	v9 =	vmax.f32 v9, v16;
	(xrf1) =	vsort.ascd.msk.f32 $0xffff, v7, v7;
	v7 =	vperm.xlane v10, v1;
	v10, _, _ =	vpop (xrf1)  }
0x6e: {  	v22 =	vmov s13;
	s13 =	smov.u32 s12;
	s12 =	smov.u32 s11;
	s11 =	smov.u32 s14;
	v15 =	vperm.xlane v15, v1;
	(xrf1) =	vsort.ascd.msk.f32 $0xffff, v8, v8;
	v8 =	vmax.f32 v10, v18;
	v16, _, _ =	vpop (xrf1)  }
0x6f: {  	s14 =	smov.u32 s17;
	vm0 =	veq.s32 v22, v0;
	(xrf1) =	vsort.ascd.msk.f32 $0xffff, v11, v11;
	v11 =	vmin.f32 v20, v13;
	v24, _, _ =	vpop (xrf1)  }
0x70: {  	v13 =	vmax.f32 v20, v13;
	(xrf1) =	vsort.ascd.msk.f32 $0xffff, v9, v9;
	v9 =	vmin.f32 v10, v18;
	v10, _, _ =	vpop (xrf1)  }
0x71: {  	v2 =	vsel vm0, v12, v2;
	v18 =	vmax.f32 v4, v15;
	(xrf1) =	vsort.ascd.msk.f32 $0xffff, v25, v25;
	v20, _, _ =	vpop (xrf1)  }
0x72: {  	v10 =	vperm.xlane v10, v1;
	(xrf1) =	vsort.ascd.msk.f32 $0xffff, v17, v17;
	v17 =	vmin.f32 v19, v7;
	v12, _, _ =	vpop (xrf1)  }
0x73: {  	(xrf1) =	vsort.ascd.msk.f32 $0xffff, v21, v21;
	v21 =	vmin.f32 v9, v17;
	v22 =	vperm.xlane v12, v1  }
0x74: {  	v25 =	vmax.f32 v5, v10;
	(xrf1) =	vsort.ascd.msk.f32 $0xffff, v18, v18;
	v18 =	vmax.f32 v3, v6;
	v26, _, _ =	vpop (xrf1)  }
0x75: {  	v24 =	vperm.xlane v24, v1;
	(xrf1) =	vsort.ascd.msk.f32 $0xffff, v13, v13;
	v13 =	vmin.f32 v18, v25;
	v27, _, _ =	vpop (xrf1)  }
0x76: {  	v28 =	vmin.f32 v4, v15;
	v16 =	vperm.xlane v16, v1;
	(xrf1) =	vsort.ascd.msk.f32 $0xffff, v14, v14;
	v4, _, _ =	vpop (xrf1)  }
0x77: {  	v12 =	vmin.f32 v5, v10;
	v5 =	vmax.f32 v19, v7;
	v7 =	vmax.f32 v9, v17;
	v17, _, _ =	vpop (xrf1)  }
.Ltmp0:
0x78: {  	v15 =	vmin.f32 v8, v5;
	v19 =	vmax.f32 v4, v22;
	v10, _, _ =	vpop (xrf1);
	(xrf1) =	vsort.ascd.msk.f32 $0xffff, v11, v11;
	(pc) =	sbr.rel @p0 .LBB2_3-.Ltmp0, $4  }
0x79: {  	v14 =	vmax.f32 v8, v5;
	v22 =	vperm.xlane v27, v1;
	v4, _, _ =	vpop (xrf1);
	(xrf1) =	vsort.ascd.msk.f32 $0xffff, v23, v23  }
0x7a: {  	v16 =	vmax.f32 v26, v16;
	v8 =	vmax.f32 v20, v24;
	v9, _, _ =	vpop (xrf1);
	(xrf1) =	vsort.ascd.msk.f32 $0xffff, v21, v21  }
0x7b: {  	v17 =	vmax.f32 v17, v22;
	v11, _, _ =	vpop (xrf1);
	(xrf1) =	vsort.ascd.msk.f32 $0xffff, v7, v7;
	v7 =	vmin.f32 v8, v16  }
0x7c: {  	s16 =	sadd.s32 $0x80, s16;
	v16 =	vmax.f32 v18, v25;
	v8 =	vmin.f32 v17, v19;
	v5, _, _ =	vpop (xrf1);
	(xrf1) =	vsort.ascd.msk.f32 $0xffff, v28, v28  }
0x7d: {  	v17, _, _ =	vpop (xrf1)  }
0x7e: {  	v18, _, _ =	vpop (xrf1)  }
0x7f: {  	(xrf1) =	vsort.ascd.msk.f32 $0xffff, v13, v13;
	v3 =	vmin.f32 v3, v6;
	v24, _, _ =	vpop (xrf1)  }
0x80: {  	(xrf1) =	vsort.ascd.msk.f32 $0xffff, v15, v15;
	v27 =	vmax.f32 v3, v12;
	v25, _, _ =	vpop (xrf1)  }
0x81: {  	v17 =	vperm.xlane v17, v1;
	v3 =	vmin.f32 v3, v12;
	(xrf1) =	vsort.ascd.msk.f32 $0xffff, v16, v16;
	v26, _, _ =	vpop (xrf1)  }
0x82: {  	(xrf1) =	vsort.ascd.msk.f32 $0xffff, v14, v14;
	v28, _, _ =	vpop (xrf1)  }
0x83: {  	v30 =	vmin.f32 v10, v17;
	(xrf1) =	vsort.ascd.msk.f32 $0xffff, v27, v27;
	v29, _, _ =	vpop (xrf1)  }
0x84: {  	v31 =	vmax.f32 v10, v17;
	v6 =	vperm.xlane v26, v1;
	(xrf1) =	vsort.ascd.msk.f32 $0xffff, v3, v3;
	v3, _, _ =	vpop (xrf1)  }
0x85: {  	v13 =	vperm.xlane v24, v1;
	(xrf1) =	vsort.ascd.msk.f32 $0xffff, v30, v30;
	v3 =	vperm.xlane v3, v1  }
0x86: {  	v32 =	vmax.f32 v9, v6;
	(xrf1) =	vsort.ascd.msk.f32 $0xffff, v31, v31  }
0x87: {  	v36 =	vmax.f32 v25, v13;
	v34, _, _ =	vpop (xrf1);
	(xrf1) =	vsort.ascd.msk.f32 $0xffff, v32, v32;
	v35 =	vmax.f32 v4, v3  }
0x88: {  	v33 =	vperm.xlane v29, v1;
	v12 =	vperm.xlane v34, v1;
	(xrf1) =	vsort.ascd.msk.f32 $0xffff, v35, v35  }
0x89: {  	v13 =	vmin.f32 v25, v13;
	v6 =	vmin.f32 v9, v6;
	v37, _, _ =	vpop (xrf1);
	(xrf1) =	vsort.ascd.msk.f32 $0xffff, v36, v36  }
0x8a: {  	v38, _, _ =	vpop (xrf1);
	v39 =	vmin.f32 v37, v33;
	v40 =	vmin.f32 v18, v12;
	(xrf1) =	vsort.ascd.msk.f32 $0xffff, v13, v13  }
0x8b: {  	v41, _, _ =	vpop (xrf1);
	v19 =	vmin.f32 v39, v40;
	(xrf1) =	vsort.ascd.msk.f32 $0xffff, v6, v6  }
0x8c: {  	v3 =	vmin.f32 v4, v3;
	v42, _, _ =	vpop (xrf1);
	v16 =	vmax.f32 v39, v40;
	(xrf1) =	vsort.ascd.msk.f32 $0xffff, v19, v19  }
0x8d: {  	v43, _, _ =	vpop (xrf1);
	(xrf1) =	vsort.ascd.msk.f32 $0xffff, v16, v16  }
0x8e: {  	v44, _, _ =	vpop (xrf1);
	(xrf1) =	vsort.ascd.msk.f32 $0xffff, v3, v3  }
0x8f: {  	v3, _, _ =	vpop (xrf1)  }
0x90: {  	v45, _, _ =	vpop (xrf1)  }
0x91: {  	v46, _, _ =	vpop (xrf1)  }
0x92: {  	v20, _, _ =	vpop (xrf1)  }
0x93: {  	v21, _, _ =	vpop (xrf1)  }
0x94: {  	v14 =	vperm.xlane v28, v1;
	v6 =	vperm.xlane v42, v1;
	v22, _, _ =	vpop (xrf1)  }
0x95: {  	v25, _, _ =	vpop (xrf1)  }
0x96: {  	v23 =	vmax.f32 v11, v14;
	v53 =	vmin.f32 v11, v14;
	v24 =	vmax.f32 v5, v6;
	v48, _, _ =	vpop (xrf1)  }
0x97: {  	v9 =	vmax.f32 v37, v33;
	v12 =	vmax.f32 v18, v12;
	v47 =	vmin.f32 v23, v24;
	v49, _, _ =	vpop (xrf1)  }
0x98: {  	v26 =	vmin.f32 v9, v12;
	v9 =	vmax.f32 v9, v12;
	(xrf1) =	vsort.ascd.msk.f32 $0xffff, v47, v47;
	v52, _, _ =	vpop (xrf1)  }
0x99: {  	v50 =	vmin.f32 v5, v6;
	v51 =	vmax.f32 v23, v24;
	(xrf1) =	vsort.ascd.msk.f32 $0xffff, v26, v26;
	v54, _, _ =	vpop (xrf1)  }
0x9a: {  	v55 =	vmax.f32 v53, v50;
	v59 =	vperm.xlane v48, v1;
	(xrf1) =	vsort.ascd.msk.f32 $0xffff, v51, v51;
	v56, _, _ =	vpop (xrf1)  }
0x9b: {  	v10 =	vperm.xlane v49, v1;
	(xrf1) =	vsort.ascd.msk.f32 $0xffff, v9, v9;
	v57 =	vperm.xlane v52, v1;
	v58, _, _ =	vpop (xrf1)  }
0x9c: {  	v5 =	vmin.f32 v53, v50;
	v63 =	vmax.f32 v21, v59;
	(xrf1) =	vsort.ascd.msk.f32 $0xffff, v55, v55;
	v60, _, _ =	vpop (xrf1)  }
0x9d: {  	v61 =	vmin.f32 v54, v10;
	v23 =	vmin.f32 v25, v57;
	v14 =	vperm.xlane v60, v1  }
0x9e: {  	v6 =	vmax.f32 v54, v10;
	(xrf1) =	vsort.ascd.msk.f32 $0xffff, v5, v5;
	v62 =	vmin.f32 v61, v23  }
0x9f: {  	v18 =	vmax.f32 v61, v23;
	(xrf1) =	vsort.ascd.msk.f32 $0xffff, v62, v62;
	v27 =	vmax.f32 v22, v14  }
0xa0: {  	v11 =	vmax.f32 v25, v57;
	(xrf1) =	vsort.ascd.msk.f32 $0xffff, v18, v18;
	v28 =	vmin.f32 v63, v27  }
0xa1: {  	v29 =	vmin.f32 v6, v11;
	(xrf1) =	vsort.ascd.msk.f32 $0xffff, v28, v28  }
0xa2: {  	v5 =	vmin.f32 v21, v59;
	v31 =	vmax.f32 v63, v27;
	(xrf1) =	vsort.ascd.msk.f32 $0xffff, v29, v29  }
0xa3: {  	v6 =	vmax.f32 v6, v11;
	v30 =	vmin.f32 v22, v14;
	(xrf1) =	vsort.ascd.msk.f32 $0xffff, v31, v31  }
0xa4: {  	v32 =	vmax.f32 v5, v30;
	(xrf1) =	vsort.ascd.msk.f32 $0xffff, v6, v6  }
0xa5: {  	v5 =	vmin.f32 v5, v30;
	(xrf1) =	vsort.ascd.msk.f32 $0xffff, v32, v32  }
0xa6: {  	(xrf1) =	vsort.ascd.msk.f32 $0xffff, v5, v5  }
0xa7: {  	v33, _, _ =	vpop (xrf1)  }
0xa8: {  	v34, _, _ =	vpop (xrf1)  }
0xa9: {  	v35, _, _ =	vpop (xrf1)  }
0xaa: {  	v36, _, _ =	vpop (xrf1)  }
0xab: {  	v37 =	vperm.xlane v38, v1;
	v13 =	vperm.xlane v41, v1;
	v38, _, _ =	vpop (xrf1)  }
0xac: {  	v4 =	vperm.xlane v44, v1;
	v16 =	vperm.xlane v45, v1;
	v39, _, _ =	vpop (xrf1)  }
0xad: {  	v13 =	vmax.f32 v43, v13;
	v3 =	vmax.f32 v3, v37;
	v40, _, _ =	vpop (xrf1)  }
0xae: {  	v3 =	vmin.f32 v13, v3;
	v4 =	vmax.f32 v46, v4;
	v16 =	vmax.f32 v20, v16;
	v41, _, _ =	vpop (xrf1)  }
0xaf: {  	v4 =	vmin.f32 v16, v4;
	v43 =	vperm.xlane v56, v1;
	v12 =	vperm.xlane v58, v1;
	v42, _, _ =	vpop (xrf1)  }
0xb0: {  	v7 =	vmin.f32 v8, v7;
	v3 =	vmin.f32 v4, v3;
	v6 =	vperm.xlane v34, v1;
	v44, _, _ =	vpop (xrf1)  }
0xb1: {  	v5 =	vmax.f32 v33, v12;
	v4 =	vmax.f32 v35, v43;
	v45 =	vperm.xlane v36, v1;
	v46, _, _ =	vpop (xrf1)  }
0xb2: {  	v6 =	vmax.f32 v38, v6;
	v49 =	vperm.xlane v40, v1;
	v47 =	vperm.xlane v41, v1;
	v48, _, _ =	vpop (xrf1)  }
0xb3: {  	(xrf0) =	vmin.scan.msk.f32 $0xffff, v7;
	v9 =	vmax.f32 v39, v45;
	v8 =	vperm.xlane v44, v1;
	v50, _, _ =	vpop (xrf1);
	v12 =	vperm.xlane v48, v1  }
0xb4: {  	(xrf0) =	vmin.scan.msk.f32 $0xffff, v3;
	v4 =	vmin.f32 v5, v4;
	v51 =	vmin.f32 v9, v6;
	v3 =	vmax.f32 v42, v47;
	v52, _, _ =	vpop (xrf1)  }
0xb5: {  	v54 =	vmax.f32 v46, v49;
	v53 =	vmax.f32 v50, v8;
	v6 =	vmax.f32 v52, v12  }
0xb6: {  	v4 =	vmin.f32 v51, v4;
	v3 =	vmin.f32 v3, v54;
	v55 =	vmin.f32 v6, v53  }
0xb7: {  	(xrf0) =	vmin.scan.msk.f32 $0xffff, v4;
	v3 =	vmin.f32 v55, v3  }
0xb8: {  	(xrf0) =	vmin.scan.msk.f32 $0xffff, v3;
	_ =	sdelay $0x2  }
0xb9: {  	v57 =	vmov s13;
	v3, _, _ =	vpop (xrf0)  }
0xba: {  	s31 =	sshll.u32 s10, $0x4;
	s10 =	sadd.s32 $0x1, s10;
	vm0 =	veq.s32 v57, v0;
	v58 =	vmov s12;
	v56, _, _ =	vpop (xrf0);
	v3 =	vbroadcast v3, $0xF  }
0xbb: {  	p0 =	sne.s32 s10, $0x20;
	vm13 =	veq.s32 v58, v0;
	v60 =	vmov s11;
	v4 =	vbroadcast v56, $0xF;
	v59, _, _ =	vpop (xrf0)  }
.Ltmp1:
0xbc: {  	vm14 =	veq.s32 v60, v0;
	v2 =	vsel vm0, v3, v2;
	v3 =	vbroadcast v59, $0xF;
	v61, _, _ =	vpop (xrf0);
	(pc) =	sbr.rel @p0 .LBB2_2-.Ltmp1, $4  }
0xbd: {  	v63 =	vmov s14;
	v2 =	vsel vm13, v4, v2;
	v62 =	vbroadcast v61, $0xF  }
0xbe: {  	vm15 =	veq.s32 v63, v0;
	v2 =	vsel vm14, v3, v2  }
0xbf: {  	s11 =	sand.u32 $0x3FFFFFF0, s31;
	v2 =	vsel vm15, v62, v2  }
0xc0: {  	s9 =	sadd.s32 $0x800, s9;
	[tilespmem:s11+$0x10000] =	vst v2  }
0xc1: {  	s8 =	sadd.s32 $0x1, s8  }
0xc2: {  	p0 =	sne.s32 s8, s5  }
.Ltmp2:
0xc3: {  	_ = 	snop;
	(pc) =	sbr.rel @p0 .LBB2_1-.Ltmp2, $4  }
0xc4: {  	[hbm4b:s4+s2] =	stream.linear.scatter [tilespmem:s7], [sflag:$0x1], $0x200, $0x38;
	[tilespmem:$0x10200] =	vst v63  }
0xc5: {  	_ =	swait.ge [sflag:s6], $0x200  }
0xc6: {  	[sflag:s6] =	ssyncset.done $0x0  }
0xc7: {  	[sflag:s6] =	ssyncadd.s32 $0xFFFFFE00  }
0xc8: {  	_ =	sfence.sel $0x180000  }
0xc9: {  	[bflag:$0x0] =	sbarrier.arrive $0xFFFF  }
0xca: {  	p0 =	sne.s32 s1, $0x0;
	_ =	strace $0x90000050  }
0xcb: {  	s0 =	sadd.s32 @!p0 $0x100000, s0;
	[bflag:$0x2] =	sbarrier.arrive $0xFFFF  }
0xcc: {  	[sflag:s0] =	ssyncadd.tile.s32 @!p0 $0x1;
	_ =	shalt  }
.Lfunc_end2:
_tile_overlayer_lowered:
.L_overlay_start_2:
0xcd: {  	(tag) =	ssettag $0x2  }
0xce: {  	s0 =	rddreg [dreg:$0x0];
	s2 =	stileid.u32  }
0xcf: {  	s1 =	rddreg [dreg:$0x1];
	p0 =	sne.s32 s2, $0x0  }
0xd0: {  	s3 =	rddreg [dreg:$0x2];
	[bflag:$0x3] =	sbarrier.arrive $0xFFFF;
	s2 =	simm.s32 @!p0 $0x1C01  }
0xd1: {  	[timem:s3], [sflag:s2] =	dma.local @!p0 [hbm:s0], s1  }
0xd2: {  	s0 =	simm.s32 @!p0 $0x1  }
0xd3: {  	_ =	swait.ge @!p0 [sflag:s0], s1  }
0xd4: {  	s1 =	ssub.s32 @!p0 $0x0, s1;
	[sflag:s0] =	ssyncset.done @!p0 $0x0  }
0xd5: {  	[sflag:s0] =	ssyncadd.s32 @!p0 s1  }
0xd6: {  	[bflag:$0x3] =	sbarrier.arrive $0xFFFF  }
0xd7: {  	_ =	shalt  }

</sc_bundles>
